<compile_context>
chip_gen: v7x
topology: tpu7x:2x2x1
jax: 0.10.2.dev20260603
libtpu: 0.0.44.dev20260713+nightly
codegen_flags: <defaults>
</compile_context>

<pallas_src>
import functools

import jax
import jax.numpy as jnp
import numpy as np
from jax import lax
from jax.experimental import pallas as pl
from jax.experimental.pallas import tpu as pltpu
from jax.experimental.pallas import tpu_sc as plsc

N_NODES = 50000
N_EDGES = 800000
B = 512
NB = 20
D = 128
DE = 16
DT = 128
DH = 128

_NC = 2
_NS = 16
_NW = _NC * _NS
_CH = 128

_N_LEAF = B * NB * NB
_LEAF_PER_W = _N_LEAF // _NW
_LEAF_CHUNKS = _LEAF_PER_W // _CH
_N_C1 = B * NB
_C1_PAD = _NW * 3 * _CH
_C1_PER_W = _C1_PAD // _NW
_C2_PER_W = B // _NW


def _add_body(a_ref, b_ref, o_ref):
    o_ref[...] = (a_ref[...] + b_ref[...]).astype(jnp.bfloat16)


def _combined_table(a, b):
    blk = 2000
    return pl.pallas_call(
        _add_body,
        grid=(N_NODES // blk,),
        in_specs=[pl.BlockSpec((blk, D), lambda i: (i, 0))] * 2,
        out_specs=pl.BlockSpec((blk, D), lambda i: (i, 0)),
        out_shape=jax.ShapeDtypeStruct((N_NODES, D), jnp.bfloat16),
    )(a, b)


def _sc_gather_body(ntab, etab, leaf_idx, e1_idx, c1_idx, e2_idx, c2_idx,
                    leaf_out, e1_out, c1_out, e2_out, c2_out,
                    nidx_v, nrow_v, eidx_v, erow_v, cidx_v, crow_v,
                    sem_n, sem_e, sem_c):
    wid = lax.axis_index("s") * _NC + lax.axis_index("c")
    nb0 = wid * _LEAF_PER_W

    def issue(b, cur):
        base = nb0 + cur * _CH
        pltpu.sync_copy(leaf_idx.at[pl.ds(base, _CH)], nidx_v.at[b])
        pltpu.async_copy(ntab.at[nidx_v.at[b]], nrow_v.at[b], sem_n)
        pltpu.sync_copy(e1_idx.at[pl.ds(base, _CH)], eidx_v.at[b])
        pltpu.async_copy(etab.at[eidx_v.at[b]], erow_v.at[b], sem_e)

    issue(0, 0)
    issue(1, 1)

    def outer(it, carry):
        for bsel in (0, 1):
            cur = 2 * it + bsel
            base = nb0 + cur * _CH
            pltpu.make_async_copy(ntab.at[nidx_v.at[bsel]], nrow_v.at[bsel],
                                  sem_n).wait()
            pltpu.sync_copy(nrow_v.at[bsel], leaf_out.at[pl.ds(base, _CH)])
            pltpu.make_async_copy(etab.at[eidx_v.at[bsel]], erow_v.at[bsel],
                                  sem_e).wait()
            pltpu.sync_copy(erow_v.at[bsel], e1_out.at[pl.ds(base, _CH)])
            nxt = cur + 2

            @pl.when(nxt < _LEAF_CHUNKS)
            def _():
                issue(bsel, nxt)

        return carry

    lax.fori_loop(0, _LEAF_CHUNKS // 2, outer, 0)

    c1b0 = wid * _C1_PER_W
    for t in range(3):
        base = c1b0 + t * _CH
        pltpu.sync_copy(c1_idx.at[pl.ds(base, _CH)], nidx_v.at[0])
        pltpu.async_copy(ntab.at[nidx_v.at[0]], nrow_v.at[0], sem_n).wait()
        pltpu.sync_copy(nrow_v.at[0], c1_out.at[pl.ds(base, _CH)])
        pltpu.sync_copy(e2_idx.at[pl.ds(base, _CH)], eidx_v.at[0])
        pltpu.async_copy(etab.at[eidx_v.at[0]], erow_v.at[0], sem_e).wait()
        pltpu.sync_copy(erow_v.at[0], e2_out.at[pl.ds(base, _CH)])

    c2b = wid * _C2_PER_W
    pltpu.sync_copy(c2_idx.at[pl.ds(c2b, _C2_PER_W)], cidx_v)
    pltpu.async_copy(ntab.at[cidx_v], crow_v, sem_c).wait()
    pltpu.sync_copy(crow_v, c2_out.at[pl.ds(c2b, _C2_PER_W)])


def _sc_gather(ntab, etab, leaf_idx, e1_idx, c1_idx, e2_idx, c2_idx):
    bf16 = jnp.bfloat16
    f32 = jnp.float32
    mesh = plsc.VectorSubcoreMesh(core_axis_name="c", subcore_axis_name="s")
    fn = functools.partial(
        pl.kernel,
        mesh=mesh,
        compiler_params=pltpu.CompilerParams(use_tc_tiling_on_sc=False),
        out_type=[
            jax.ShapeDtypeStruct((_N_LEAF, D), bf16),
            jax.ShapeDtypeStruct((_N_LEAF, DE), f32),
            jax.ShapeDtypeStruct((_C1_PAD, D), bf16),
            jax.ShapeDtypeStruct((_C1_PAD, DE), f32),
            jax.ShapeDtypeStruct((B, D), bf16),
        ],
        scratch_types=[
            pltpu.VMEM((2, _CH), jnp.int32),
            pltpu.VMEM((2, _CH, D), bf16),
            pltpu.VMEM((2, _CH), jnp.int32),
            pltpu.VMEM((2, _CH, DE), f32),
            pltpu.VMEM((_C2_PER_W,), jnp.int32),
            pltpu.VMEM((_C2_PER_W, D), bf16),
            pltpu.SemaphoreType.DMA,
            pltpu.SemaphoreType.DMA,
            pltpu.SemaphoreType.DMA,
        ],
    )(_sc_gather_body)
    return fn(ntab, etab, leaf_idx, e1_idx, c1_idx, e2_idx, c2_idx)


_COS_C = (0.9999994437071105, -19.739034397802136, 64.93061450604583,
          -85.29598723642509, 58.91264615607875, -21.283194092739)


def _fast_cos(x):
    f32 = jnp.float32
    r = x * f32(0.15915494309189535)
    r = r - jnp.round(r)
    u = r * r
    p = jnp.full_like(u, _COS_C[5])
    for c in _COS_C[4::-1]:
        p = p * u + f32(c)
    return p


def _attn_body(msz, cdt, leaf_ref, edge_ref, c_ref, nts_ref, nid_ref, tsc_ref,
               wq_ref, wkv_ref, w1_ref, b1_ref, w2_ref, b2_ref,
               tw_ref, tb_ref, o_ref):
    f32 = jnp.float32
    dot = functools.partial(jnp.dot, preferred_element_type=f32)
    tw = tw_ref[...]
    tb = tb_ref[...]
    cb = c_ref[...].astype(cdt)
    q = dot(cb, wq_ref[:D, :]) + dot(jnp.cos(tb).astype(cdt), wq_ref[D:, :])
    tscol = tsc_ref[...]
    dcol = jnp.stack([tscol - nts_ref[:, j:j + 1] for j in range(NB)], axis=0)
    dt_all = _fast_cos(dcol * tw[None] + tb[None])
    dt_all = dt_all.reshape(NB * msz, DT).astype(cdt)
    lf_all = leaf_ref[...].reshape(NB * msz, D).astype(cdt)
    eg_all = edge_ref[...].reshape(NB * msz, DE).astype(cdt)
    kv = (dot(lf_all, wkv_ref[:D, :]) + dot(eg_all, wkv_ref[D:D + DE, :])
          + dot(dt_all, wkv_ref[D + DE:, :]))
    inv_sqrt = f32(1.0 / np.sqrt(DH))
    sjs = []
    for j in range(NB):
        kj = lax.slice_in_dim(kv, j * msz, (j + 1) * msz, axis=0)[:, :DH]
        sjs.append(jnp.sum(q * kj, axis=1, keepdims=True))
    scores = jnp.concatenate(sjs, axis=1) * inv_sqrt
    scores = jnp.where(nid_ref[...] == 0, f32(-1e10), scores)
    mx = jnp.max(scores, axis=1, keepdims=True)
    e = jnp.exp(scores - mx)
    attn = e / jnp.sum(e, axis=1, keepdims=True)
    acc = jnp.zeros((msz, DH), f32)
    for j in range(NB):
        vj = lax.slice_in_dim(kv, j * msz, (j + 1) * msz, axis=0)[:, DH:]
        acc = acc + attn[:, j:j + 1] * vj
    agg = acc.astype(cdt)
    hmid = jnp.maximum(dot(agg, w1_ref[:DH, :]) + dot(cb, w1_ref[DH:, :])
                       + b1_ref[...], 0.0).astype(cdt)
    o_ref[...] = (dot(hmid, w2_ref[...]) + b2_ref[...]).astype(o_ref.dtype)


def _attn_level(leafT, edgeT, cx, nts, nid, tscol, wq, wkv, w1, b1, w2, b2,
                tw, tb, msz, n, cdt, odt):
    grid = (n // msz,)
    wspec = lambda shape: pl.BlockSpec(shape, lambda i: (0, 0))
    return pl.pallas_call(
        functools.partial(_attn_body, msz, cdt),
        grid=grid,
        in_specs=[
            pl.BlockSpec((NB, msz, D), lambda i: (0, i, 0)),
            pl.BlockSpec((NB, msz, DE), lambda i: (0, i, 0)),
            pl.BlockSpec((msz, D), lambda i: (i, 0)),
            pl.BlockSpec((msz, NB), lambda i: (i, 0)),
            pl.BlockSpec((msz, NB), lambda i: (i, 0)),
            pl.BlockSpec((msz, 1), lambda i: (i, 0)),
            wspec((D + DT, DH)),
            wspec((D + DE + DT, 2 * DH)),
            wspec((DH + D, DH)),
            wspec((1, DH)),
            wspec((DH, D)),
            wspec((1, D)),
            wspec((1, DT)),
            wspec((1, DT)),
        ],
        out_specs=pl.BlockSpec((msz, D), lambda i: (i, 0)),
        out_shape=jax.ShapeDtypeStruct((n, D), odt),
    )(leafT, edgeT, cx, nts, nid, tscol, wq, wkv, w1, b1, w2, b2, tw, tb)


def kernel(all_node_reprs, ts, neigh_ts_l2, neigh_ts_l1, node_emb, edge_emb,
           time_w, time_b, Wq1, Wk1, Wv1, W1_1, b1_1, W2_1, b2_1,
           Wq2, Wk2, Wv2, W1_2, b1_2, W2_2, b2_2,
           center_nids, neigh_nids_l2, neigh_eids_l2,
           neigh_nids_l1, neigh_eids_l1):
    f32 = jnp.float32
    i32 = jnp.int32
    bf16 = jnp.bfloat16

    nids1_3d = neigh_nids_l1.reshape(B, NB, NB)
    eids1_3d = neigh_eids_l1.reshape(B, NB, NB)
    nts1_3d = neigh_ts_l1.reshape(B, NB, NB)
    leaf_list = nids1_3d.transpose(2, 1, 0).reshape(-1)
    e1_list = eids1_3d.transpose(2, 1, 0).reshape(-1)
    c1_pad = jnp.zeros((_C1_PAD - _N_C1,), i32)
    c1_list = jnp.concatenate([neigh_nids_l2.T.reshape(-1), c1_pad])
    e2_list = jnp.concatenate([neigh_eids_l2.T.reshape(-1), c1_pad])
    nts1 = nts1_3d.transpose(1, 0, 2).reshape(B * NB, NB)
    nid1 = nids1_3d.transpose(1, 0, 2).reshape(B * NB, NB)
    ts1 = jnp.tile(ts, NB).reshape(B * NB, 1)

    tw2 = time_w.reshape(1, DT)
    tb2 = time_b.reshape(1, DT)
    b1_1r = b1_1.reshape(1, DH)
    b2_1r = b2_1.reshape(1, D)
    b1_2r = b1_2.reshape(1, DH)
    b2_2r = b2_2.reshape(1, D)

    comb = _combined_table(all_node_reprs, node_emb)

    leaf_rows, e1_rows, c1_rows, e2_rows, c2 = _sc_gather(
        comb, edge_emb, leaf_list, e1_list, c1_list, e2_list,
        center_nids.astype(i32))

    leafT = leaf_rows.reshape(NB, B * NB, D)
    e1T = e1_rows.reshape(NB, B * NB, DE)
    e2T = e2_rows[:_N_C1].reshape(NB, B, DE)

    wkv1 = jnp.concatenate([Wk1, Wv1], axis=1)
    h1 = _attn_level(leafT, e1T, c1_rows, nts1, nid1, ts1,
                     Wq1.astype(bf16), wkv1.astype(bf16),
                     W1_1.astype(bf16), b1_1r, W2_1.astype(bf16), b2_1r,
                     tw2, tb2, msz=256, n=B * NB, cdt=bf16, odt=bf16)

    wkv2 = jnp.concatenate([Wk2, Wv2], axis=1)
    neigh2T = h1.reshape(NB, B, D)
    out = _attn_level(neigh2T, e2T, c2, neigh_ts_l2, neigh_nids_l2,
                      ts.reshape(B, 1),
                      Wq2, wkv2, W1_2, b1_2r, W2_2, b2_2r, tw2, tb2,
                      msz=B, n=B, cdt=f32, odt=f32)
    return out

# --- scband reference (transcript-rebuilt; emitter-appended) ---
"""Pipeline reference for scband-graph-embedding-16999480558366 (READ-ONLY COPY).

The authoritative reference and input builder live on the scoring server;
editing this copy changes nothing except your own understanding.
"""

import jax, jax.numpy as jnp
import numpy as np

N_NODES = 50000
N_EDGES = 800000
B = 512
NB = 20
D = 128
DE = 16
DT = 128
DH = 128


def _time_encode(t, w, b):
    return jnp.cos(t[..., None] * w + b)


def _aggregate(center_x, center_tx, neigh_x, edge_x, edge_tx, mask, Wq, Wk, Wv, W1, b1, W2, b2):
    q_in = jnp.concatenate([center_x, center_tx], axis=-1)
    k_in = jnp.concatenate([neigh_x, edge_x, edge_tx], axis=-1)
    q = q_in @ Wq
    k = k_in @ Wk
    v = k_in @ Wv
    scores = jnp.einsum('nd,nkd->nk', q, k) / jnp.sqrt(jnp.asarray(DH, jnp.float32))
    scores = jnp.where(mask, jnp.asarray(-1e10, scores.dtype), scores)
    attn = jax.nn.softmax(scores, axis=-1)
    agg = jnp.einsum('nk,nkd->nd', attn, v)
    h = jnp.concatenate([agg, center_x], axis=-1)
    return jax.nn.relu(h @ W1 + b1) @ W2 + b2


def setup_inputs(seed: int = 0):
    key = jax.random.key(seed)
    ks = jax.random.split(key, 30)
    inp = {}
    inp['all_node_reprs'] = jax.random.normal(ks[0], (N_NODES, D), jnp.float32)
    inp['ts'] = jax.random.uniform(ks[1], (B,), jnp.float32, 0.0, 1000.0)
    inp['neigh_ts_l2'] = jax.random.uniform(ks[2], (B, NB), jnp.float32, 0.0, 1000.0)
    inp['neigh_ts_l1'] = jax.random.uniform(ks[3], (B * NB, NB), jnp.float32, 0.0, 1000.0)
    inp['node_emb'] = jax.random.normal(ks[4], (N_NODES, D), jnp.float32) * 0.1
    inp['edge_emb'] = jax.random.normal(ks[5], (N_EDGES, DE), jnp.float32) * 0.1
    inp['time_w'] = jax.random.normal(ks[6], (DT,), jnp.float32)
    inp['time_b'] = jax.random.normal(ks[7], (DT,), jnp.float32)
    def lin(k, fan_in, shape):
        return jax.random.normal(k, shape, jnp.float32) / np.sqrt(fan_in)
    inp['Wq1'] = lin(ks[8], D + DT, (D + DT, DH))
    inp['Wk1'] = lin(ks[9], D + DE + DT, (D + DE + DT, DH))
    inp['Wv1'] = lin(ks[10], D + DE + DT, (D + DE + DT, DH))
    inp['W1_1'] = lin(ks[11], DH + D, (DH + D, DH))
    inp['b1_1'] = jnp.zeros((DH,), jnp.float32)
    inp['W2_1'] = lin(ks[12], DH, (DH, D))
    inp['b2_1'] = jnp.zeros((D,), jnp.float32)
    inp['Wq2'] = lin(ks[13], D + DT, (D + DT, DH))
    inp['Wk2'] = lin(ks[14], D + DE + DT, (D + DE + DT, DH))
    inp['Wv2'] = lin(ks[15], D + DE + DT, (D + DE + DT, DH))
    inp['W1_2'] = lin(ks[16], DH + D, (DH + D, DH))
    inp['b1_2'] = jnp.zeros((DH,), jnp.float32)
    inp['W2_2'] = lin(ks[17], DH, (DH, D))
    inp['b2_2'] = jnp.zeros((D,), jnp.float32)
    inp['center_nids'] = jax.random.randint(ks[20], (B,), 0, N_NODES)
    inp['neigh_nids_l2'] = jax.random.randint(ks[21], (B, NB), 0, N_NODES)
    inp['neigh_eids_l2'] = jax.random.randint(ks[22], (B, NB), 0, N_EDGES)
    inp['neigh_nids_l1'] = jax.random.randint(ks[23], (B * NB, NB), 0, N_NODES)
    inp['neigh_eids_l1'] = jax.random.randint(ks[24], (B * NB, NB), 0, N_EDGES)
    return inp


def reference(all_node_reprs, ts, neigh_ts_l2, neigh_ts_l1, node_emb, edge_emb, time_w, time_b, Wq1, Wk1, Wv1, W1_1, b1_1, W2_1, b2_1, Wq2, Wk2, Wv2, W1_2, b1_2, W2_2, b2_2, center_nids, neigh_nids_l2, neigh_eids_l2, neigh_nids_l1, neigh_eids_l1):
    # depth-1 center nodes are the layer-2 neighbors (flattened)
    nids2f = neigh_nids_l2.reshape(-1)
    ts2f = jnp.repeat(ts, NB)
    center1 = all_node_reprs[nids2f] + node_emb[nids2f]
    # depth-0 (leaf): involved reprs + raw node embeddings
    nids1f = neigh_nids_l1.reshape(-1)
    leaf = (all_node_reprs[nids1f] + node_emb[nids1f]).reshape(B * NB, NB, D)
    edge1 = edge_emb[neigh_eids_l1]
    dt1 = _time_encode(ts2f[:, None] - neigh_ts_l1, time_w, time_b)
    t01 = _time_encode(jnp.zeros_like(ts2f), time_w, time_b)
    h1 = _aggregate(center1, t01, leaf, edge1, dt1, neigh_nids_l1 == 0, Wq1, Wk1, Wv1, W1_1, b1_1, W2_1, b2_1)
    # depth-2 aggregation over the layer-2 neighborhood
    center2 = all_node_reprs[center_nids] + node_emb[center_nids]
    neigh2 = h1.reshape(B, NB, D)
    edge2 = edge_emb[neigh_eids_l2]
    dt2 = _time_encode(ts[:, None] - neigh_ts_l2, time_w, time_b)
    t02 = _time_encode(jnp.zeros_like(ts), time_w, time_b)
    out = _aggregate(center2, t02, neigh2, edge2, dt2, neigh_nids_l2 == 0, Wq2, Wk2, Wv2, W1_2, b1_2, W2_2, b2_2)
    return out

if __name__ == "__main__":
    import jax
    _d = setup_inputs()
    print(jax.jit(kernel)(*tuple(_d.values())))

</pallas_src>

<mosaic_0001>
#map = affine_map<(d0, d1) -> (0, 0)>
#map1 = affine_map<(d0, d1) -> (0)>
module attributes {stable_mosaic.version = 14 : i64} {
  func.func @_sc_gather_body(%arg0: i32, %arg1: i32, %arg2: memref<50000x128xbf16, #tpu.memory_space<hbm>>, %arg3: memref<800000x16xf32, #tpu.memory_space<hbm>>, %arg4: memref<204800xi32, #tpu.memory_space<hbm>>, %arg5: memref<204800xi32, #tpu.memory_space<hbm>>, %arg6: memref<12288xi32, #tpu.memory_space<hbm>>, %arg7: memref<12288xi32, #tpu.memory_space<hbm>>, %arg8: memref<512xi32, #tpu.memory_space<hbm>>, %arg9: memref<204800x128xbf16, #tpu.memory_space<hbm>>, %arg10: memref<204800x16xf32, #tpu.memory_space<hbm>>, %arg11: memref<12288x128xbf16, #tpu.memory_space<hbm>>, %arg12: memref<12288x16xf32, #tpu.memory_space<hbm>>, %arg13: memref<512x128xbf16, #tpu.memory_space<hbm>>, %arg14: memref<2x128xi32, #tpu.memory_space<vmem>>, %arg15: memref<2x128x128xbf16, #tpu.memory_space<vmem>>, %arg16: memref<2x128xi32, #tpu.memory_space<vmem>>, %arg17: memref<2x128x16xf32, #tpu.memory_space<vmem>>, %arg18: memref<16xi32, #tpu.memory_space<vmem>>, %arg19: memref<16x128xbf16, #tpu.memory_space<vmem>>, %arg20: memref<!tpu.dma_semaphore, #tpu.memory_space<semaphore_mem>>, %arg21: memref<!tpu.dma_semaphore, #tpu.memory_space<semaphore_mem>>, %arg22: memref<!tpu.dma_semaphore, #tpu.memory_space<semaphore_mem>>) attributes {dimension_semantics = [#tpu.dimension_semantics<core_parallel>, #tpu.dimension_semantics<subcore_parallel>], iteration_bounds = array<i64: 2, 16>, scalar_prefetch = 0 : i64, scratch_operands = 9 : i64, tpu.core_type = #tpu.core_type<sc_vector_subcore>, window_params = [{transform_indices = #map}, {transform_indices = #map}, {transform_indices = #map1}, {transform_indices = #map1}, {transform_indices = #map1}, {transform_indices = #map1}, {transform_indices = #map1}, {transform_indices = #map}, {transform_indices = #map}, {transform_indices = #map}, {transform_indices = #map}, {transform_indices = #map}]} {
    %mul3A = arith.constant 2 : i32
    %mul3A_0 = arith.muli %arg1, %mul3A : i32
    %add3A = arith.addi %mul3A_0, %arg0 : i32
    %mul3A_1 = arith.constant 6400 : i32
    %mul3A_2 = arith.muli %add3A, %mul3A_1 : i32
    %add3A_3 = arith.constant 0 : i32
    %add3A_4 = arith.addi %mul3A_2, %add3A_3 : i32
    %run_scoped3A = arith.constant 0 : i32
    "tpu.region"() ({
      %run_scoped3A_233 = tpu.sem_alloc : memref<!tpu.dma_semaphore, #tpu.memory_space<semaphore_mem>>
      %dma_start3A_234 = arith.constant 0 : i32
      %dma_start3A_235 = tpu.memref_slice %arg14[%run_scoped3A, %dma_start3A_234] : memref<2x128xi32, #tpu.memory_space<vmem>> -> memref<1x128xi32, #tpu.memory_space<vmem>>
      %dma_start3A_236 = tpu.memref_squeeze %dma_start3A_235 : memref<1x128xi32, #tpu.memory_space<vmem>> -> memref<128xi32, #tpu.memory_space<vmem>>
      %dma_start3A_237 = tpu.memref_slice %arg4[%add3A_4] : memref<204800xi32, #tpu.memory_space<hbm>> -> memref<128xi32, #tpu.memory_space<hbm>>
      %dma_start3A_238 = arith.constant 0 : i32
      %dma_start3A_239 = tpu.memref_slice %arg14[%run_scoped3A, %dma_start3A_238] : memref<2x128xi32, #tpu.memory_space<vmem>> -> memref<1x128xi32, #tpu.memory_space<vmem>>
      %dma_start3A_240 = tpu.memref_squeeze %dma_start3A_239 : memref<1x128xi32, #tpu.memory_space<vmem>> -> memref<128xi32, #tpu.memory_space<vmem>>
      %dma_start3A_241 = tpu.memref_slice %arg4[%add3A_4] : memref<204800xi32, #tpu.memory_space<hbm>> -> memref<128xi32, #tpu.memory_space<hbm>>
      tpu.enqueue_dma source(%dma_start3A_241 : memref<128xi32, #tpu.memory_space<hbm>>) target(%dma_start3A_240 : memref<128xi32, #tpu.memory_space<vmem>>) target_semaphore(%run_scoped3A_233 : memref<!tpu.dma_semaphore, #tpu.memory_space<semaphore_mem>>)
      %dma_wait3A_242 = arith.constant 0 : i32
      %dma_wait3A_243 = tpu.memref_slice %arg14[%run_scoped3A, %dma_wait3A_242] : memref<2x128xi32, #tpu.memory_space<vmem>> -> memref<1x128xi32, #tpu.memory_space<vmem>>
      %dma_wait3A_244 = tpu.memref_squeeze %dma_wait3A_243 : memref<1x128xi32, #tpu.memory_space<vmem>> -> memref<128xi32, #tpu.memory_space<vmem>>
      %dma_wait3A_245 = tpu.memref_slice %arg4[%add3A_4] : memref<204800xi32, #tpu.memory_space<hbm>> -> memref<128xi32, #tpu.memory_space<hbm>>
      %dma_wait3A_246 = arith.constant 0 : i32
      %dma_wait3A_247 = tpu.memref_slice %arg14[%run_scoped3A, %dma_wait3A_246] : memref<2x128xi32, #tpu.memory_space<vmem>> -> memref<1x128xi32, #tpu.memory_space<vmem>>
      %dma_wait3A_248 = tpu.memref_squeeze %dma_wait3A_247 : memref<1x128xi32, #tpu.memory_space<vmem>> -> memref<128xi32, #tpu.memory_space<vmem>>
      %dma_wait3A_249 = tpu.memref_slice %arg4[%add3A_4] : memref<204800xi32, #tpu.memory_space<hbm>> -> memref<128xi32, #tpu.memory_space<hbm>>
      tpu.wait_dma2 semaphore(%run_scoped3A_233 : memref<!tpu.dma_semaphore, #tpu.memory_space<semaphore_mem>>) src(%dma_wait3A_249 : memref<128xi32, #tpu.memory_space<hbm>>) dst(%dma_wait3A_248 : memref<128xi32, #tpu.memory_space<vmem>>)
      tpu.yield
    }) : () -> ()
    %dma_start3A = arith.constant 0 : i32
    %dma_start3A_5 = arith.constant 0 : i32
    %dma_start3A_6 = arith.constant 0 : i32
    %dma_start3A_7 = arith.constant 0 : i32
    %dma_start3A_8 = tpu.memref_slice %arg15[%dma_start3A_5, %dma_start3A_6, %dma_start3A_7] : memref<2x128x128xbf16, #tpu.memory_space<vmem>> -> memref<1x128x128xbf16, #tpu.memory_space<vmem>>
    %dma_start3A_9 = tpu.memref_squeeze %dma_start3A_8 : memref<1x128x128xbf16, #tpu.memory_space<vmem>> -> memref<128x128xbf16, #tpu.memory_space<vmem>>
    %dma_start3A_10 = arith.constant 0 : i32
    %dma_start3A_11 = tpu.memref_slice %arg14[%dma_start3A, %dma_start3A_10] : memref<2x128xi32, #tpu.memory_space<vmem>> -> memref<1x128xi32, #tpu.memory_space<vmem>>
    %dma_start3A_12 = tpu.memref_squeeze %dma_start3A_11 : memref<1x128xi32, #tpu.memory_space<vmem>> -> memref<128xi32, #tpu.memory_space<vmem>>
    %dma_start3A_13 = arith.constant 0 : i32
    %dma_start3A_14 = arith.constant 0 : i32
    %dma_start3A_15 = tpu.memref_slice %arg2[%dma_start3A_13, %dma_start3A_14] : memref<50000x128xbf16, #tpu.memory_space<hbm>> -> memref<50000x128xbf16, #tpu.memory_space<hbm>>
    tpu.enqueue_indirect_dma source(%dma_start3A_15 : memref<50000x128xbf16, #tpu.memory_space<hbm>>) target(%dma_start3A_9 : memref<128x128xbf16, #tpu.memory_space<vmem>>) offsets(%dma_start3A_12 : memref<128xi32, #tpu.memory_space<vmem>>) semaphore(%arg20 : memref<!tpu.dma_semaphore, #tpu.memory_space<semaphore_mem>>)
    %run_scoped3A_16 = arith.constant 0 : i32
    "tpu.region"() ({
      %run_scoped3A_233 = tpu.sem_alloc : memref<!tpu.dma_semaphore, #tpu.memory_space<semaphore_mem>>
      %dma_start3A_234 = arith.constant 0 : i32
      %dma_start3A_235 = tpu.memref_slice %arg16[%run_scoped3A_16, %dma_start3A_234] : memref<2x128xi32, #tpu.memory_space<vmem>> -> memref<1x128xi32, #tpu.memory_space<vmem>>
      %dma_start3A_236 = tpu.memref_squeeze %dma_start3A_235 : memref<1x128xi32, #tpu.memory_space<vmem>> -> memref<128xi32, #tpu.memory_space<vmem>>
      %dma_start3A_237 = tpu.memref_slice %arg5[%add3A_4] : memref<204800xi32, #tpu.memory_space<hbm>> -> memref<128xi32, #tpu.memory_space<hbm>>
      %dma_start3A_238 = arith.constant 0 : i32
      %dma_start3A_239 = tpu.memref_slice %arg16[%run_scoped3A_16, %dma_start3A_238] : memref<2x128xi32, #tpu.memory_space<vmem>> -> memref<1x128xi32, #tpu.memory_space<vmem>>
      %dma_start3A_240 = tpu.memref_squeeze %dma_start3A_239 : memref<1x128xi32, #tpu.memory_space<vmem>> -> memref<128xi32, #tpu.memory_space<vmem>>
      %dma_start3A_241 = tpu.memref_slice %arg5[%add3A_4] : memref<204800xi32, #tpu.memory_space<hbm>> -> memref<128xi32, #tpu.memory_space<hbm>>
      tpu.enqueue_dma source(%dma_start3A_241 : memref<128xi32, #tpu.memory_space<hbm>>) target(%dma_start3A_240 : memref<128xi32, #tpu.memory_space<vmem>>) target_semaphore(%run_scoped3A_233 : memref<!tpu.dma_semaphore, #tpu.memory_space<semaphore_mem>>)
      %dma_wait3A_242 = arith.constant 0 : i32
      %dma_wait3A_243 = tpu.memref_slice %arg16[%run_scoped3A_16, %dma_wait3A_242] : memref<2x128xi32, #tpu.memory_space<vmem>> -> memref<1x128xi32, #tpu.memory_space<vmem>>
      %dma_wait3A_244 = tpu.memref_squeeze %dma_wait3A_243 : memref<1x128xi32, #tpu.memory_space<vmem>> -> memref<128xi32, #tpu.memory_space<vmem>>
      %dma_wait3A_245 = tpu.memref_slice %arg5[%add3A_4] : memref<204800xi32, #tpu.memory_space<hbm>> -> memref<128xi32, #tpu.memory_space<hbm>>
      %dma_wait3A_246 = arith.constant 0 : i32
      %dma_wait3A_247 = tpu.memref_slice %arg16[%run_scoped3A_16, %dma_wait3A_246] : memref<2x128xi32, #tpu.memory_space<vmem>> -> memref<1x128xi32, #tpu.memory_space<vmem>>
      %dma_wait3A_248 = tpu.memref_squeeze %dma_wait3A_247 : memref<1x128xi32, #tpu.memory_space<vmem>> -> memref<128xi32, #tpu.memory_space<vmem>>
      %dma_wait3A_249 = tpu.memref_slice %arg5[%add3A_4] : memref<204800xi32, #tpu.memory_space<hbm>> -> memref<128xi32, #tpu.memory_space<hbm>>
      tpu.wait_dma2 semaphore(%run_scoped3A_233 : memref<!tpu.dma_semaphore, #tpu.memory_space<semaphore_mem>>) src(%dma_wait3A_249 : memref<128xi32, #tpu.memory_space<hbm>>) dst(%dma_wait3A_248 : memref<128xi32, #tpu.memory_space<vmem>>)
      tpu.yield
    }) : () -> ()
    %dma_start3A_17 = arith.constant 0 : i32
    %dma_start3A_18 = arith.constant 0 : i32
    %dma_start3A_19 = arith.constant 0 : i32
    %dma_start3A_20 = arith.constant 0 : i32
    %dma_start3A_21 = tpu.memref_slice %arg17[%dma_start3A_18, %dma_start3A_19, %dma_start3A_20] : memref<2x128x16xf32, #tpu.memory_space<vmem>> -> memref<1x128x16xf32, #tpu.memory_space<vmem>>
    %dma_start3A_22 = tpu.memref_squeeze %dma_start3A_21 : memref<1x128x16xf32, #tpu.memory_space<vmem>> -> memref<128x16xf32, #tpu.memory_space<vmem>>
    %dma_start3A_23 = arith.constant 0 : i32
    %dma_start3A_24 = tpu.memref_slice %arg16[%dma_start3A_17, %dma_start3A_23] : memref<2x128xi32, #tpu.memory_space<vmem>> -> memref<1x128xi32, #tpu.memory_space<vmem>>
    %dma_start3A_25 = tpu.memref_squeeze %dma_start3A_24 : memref<1x128xi32, #tpu.memory_space<vmem>> -> memref<128xi32, #tpu.memory_space<vmem>>
    %dma_start3A_26 = arith.constant 0 : i32
    %dma_start3A_27 = arith.constant 0 : i32
    %dma_start3A_28 = tpu.memref_slice %arg3[%dma_start3A_26, %dma_start3A_27] : memref<800000x16xf32, #tpu.memory_space<hbm>> -> memref<800000x16xf32, #tpu.memory_space<hbm>>
    tpu.enqueue_indirect_dma source(%dma_start3A_28 : memref<800000x16xf32, #tpu.memory_space<hbm>>) target(%dma_start3A_22 : memref<128x16xf32, #tpu.memory_space<vmem>>) offsets(%dma_start3A_25 : memref<128xi32, #tpu.memory_space<vmem>>) semaphore(%arg21 : memref<!tpu.dma_semaphore, #tpu.memory_space<semaphore_mem>>)
    %add3A_29 = arith.constant 128 : i32
    %add3A_30 = arith.addi %mul3A_2, %add3A_29 : i32
    %run_scoped3A_31 = arith.constant 1 : i32
    "tpu.region"() ({
      %run_scoped3A_233 = tpu.sem_alloc : memref<!tpu.dma_semaphore, #tpu.memory_space<semaphore_mem>>
      %dma_start3A_234 = arith.constant 0 : i32
      %dma_start3A_235 = tpu.memref_slice %arg14[%run_scoped3A_31, %dma_start3A_234] : memref<2x128xi32, #tpu.memory_space<vmem>> -> memref<1x128xi32, #tpu.memory_space<vmem>>
      %dma_start3A_236 = tpu.memref_squeeze %dma_start3A_235 : memref<1x128xi32, #tpu.memory_space<vmem>> -> memref<128xi32, #tpu.memory_space<vmem>>
      %dma_start3A_237 = tpu.memref_slice %arg4[%add3A_30] : memref<204800xi32, #tpu.memory_space<hbm>> -> memref<128xi32, #tpu.memory_space<hbm>>
      %dma_start3A_238 = arith.constant 0 : i32
      %dma_start3A_239 = tpu.memref_slice %arg14[%run_scoped3A_31, %dma_start3A_238] : memref<2x128xi32, #tpu.memory_space<vmem>> -> memref<1x128xi32, #tpu.memory_space<vmem>>
      %dma_start3A_240 = tpu.memref_squeeze %dma_start3A_239 : memref<1x128xi32, #tpu.memory_space<vmem>> -> memref<128xi32, #tpu.memory_space<vmem>>
      %dma_start3A_241 = tpu.memref_slice %arg4[%add3A_30] : memref<204800xi32, #tpu.memory_space<hbm>> -> memref<128xi32, #tpu.memory_space<hbm>>
      tpu.enqueue_dma source(%dma_start3A_241 : memref<128xi32, #tpu.memory_space<hbm>>) target(%dma_start3A_240 : memref<128xi32, #tpu.memory_space<vmem>>) target_semaphore(%run_scoped3A_233 : memref<!tpu.dma_semaphore, #tpu.memory_space<semaphore_mem>>)
      %dma_wait3A_242 = arith.constant 0 : i32
      %dma_wait3A_243 = tpu.memref_slice %arg14[%run_scoped3A_31, %dma_wait3A_242] : memref<2x128xi32, #tpu.memory_space<vmem>> -> memref<1x128xi32, #tpu.memory_space<vmem>>
      %dma_wait3A_244 = tpu.memref_squeeze %dma_wait3A_243 : memref<1x128xi32, #tpu.memory_space<vmem>> -> memref<128xi32, #tpu.memory_space<vmem>>
      %dma_wait3A_245 = tpu.memref_slice %arg4[%add3A_30] : memref<204800xi32, #tpu.memory_space<hbm>> -> memref<128xi32, #tpu.memory_space<hbm>>
      %dma_wait3A_246 = arith.constant 0 : i32
      %dma_wait3A_247 = tpu.memref_slice %arg14[%run_scoped3A_31, %dma_wait3A_246] : memref<2x128xi32, #tpu.memory_space<vmem>> -> memref<1x128xi32, #tpu.memory_space<vmem>>
      %dma_wait3A_248 = tpu.memref_squeeze %dma_wait3A_247 : memref<1x128xi32, #tpu.memory_space<vmem>> -> memref<128xi32, #tpu.memory_space<vmem>>
      %dma_wait3A_249 = tpu.memref_slice %arg4[%add3A_30] : memref<204800xi32, #tpu.memory_space<hbm>> -> memref<128xi32, #tpu.memory_space<hbm>>
      tpu.wait_dma2 semaphore(%run_scoped3A_233 : memref<!tpu.dma_semaphore, #tpu.memory_space<semaphore_mem>>) src(%dma_wait3A_249 : memref<128xi32, #tpu.memory_space<hbm>>) dst(%dma_wait3A_248 : memref<128xi32, #tpu.memory_space<vmem>>)
      tpu.yield
    }) : () -> ()
    %dma_start3A_32 = arith.constant 1 : i32
    %dma_start3A_33 = arith.constant 1 : i32
    %dma_start3A_34 = arith.constant 0 : i32
    %dma_start3A_35 = arith.constant 0 : i32
    %dma_start3A_36 = tpu.memref_slice %arg15[%dma_start3A_33, %dma_start3A_34, %dma_start3A_35] : memref<2x128x128xbf16, #tpu.memory_space<vmem>> -> memref<1x128x128xbf16, #tpu.memory_space<vmem>>
    %dma_start3A_37 = tpu.memref_squeeze %dma_start3A_36 : memref<1x128x128xbf16, #tpu.memory_space<vmem>> -> memref<128x128xbf16, #tpu.memory_space<vmem>>
    %dma_start3A_38 = arith.constant 0 : i32
    %dma_start3A_39 = tpu.memref_slice %arg14[%dma_start3A_32, %dma_start3A_38] : memref<2x128xi32, #tpu.memory_space<vmem>> -> memref<1x128xi32, #tpu.memory_space<vmem>>
    %dma_start3A_40 = tpu.memref_squeeze %dma_start3A_39 : memref<1x128xi32, #tpu.memory_space<vmem>> -> memref<128xi32, #tpu.memory_space<vmem>>
    %dma_start3A_41 = arith.constant 0 : i32
    %dma_start3A_42 = arith.constant 0 : i32
    %dma_start3A_43 = tpu.memref_slice %arg2[%dma_start3A_41, %dma_start3A_42] : memref<50000x128xbf16, #tpu.memory_space<hbm>> -> memref<50000x128xbf16, #tpu.memory_space<hbm>>
    tpu.enqueue_indirect_dma source(%dma_start3A_43 : memref<50000x128xbf16, #tpu.memory_space<hbm>>) target(%dma_start3A_37 : memref<128x128xbf16, #tpu.memory_space<vmem>>) offsets(%dma_start3A_40 : memref<128xi32, #tpu.memory_space<vmem>>) semaphore(%arg20 : memref<!tpu.dma_semaphore, #tpu.memory_space<semaphore_mem>>)
    %run_scoped3A_44 = arith.constant 1 : i32
    "tpu.region"() ({
      %run_scoped3A_233 = tpu.sem_alloc : memref<!tpu.dma_semaphore, #tpu.memory_space<semaphore_mem>>
      %dma_start3A_234 = arith.constant 0 : i32
      %dma_start3A_235 = tpu.memref_slice %arg16[%run_scoped3A_44, %dma_start3A_234] : memref<2x128xi32, #tpu.memory_space<vmem>> -> memref<1x128xi32, #tpu.memory_space<vmem>>
      %dma_start3A_236 = tpu.memref_squeeze %dma_start3A_235 : memref<1x128xi32, #tpu.memory_space<vmem>> -> memref<128xi32, #tpu.memory_space<vmem>>
      %dma_start3A_237 = tpu.memref_slice %arg5[%add3A_30] : memref<204800xi32, #tpu.memory_space<hbm>> -> memref<128xi32, #tpu.memory_space<hbm>>
      %dma_start3A_238 = arith.constant 0 : i32
      %dma_start3A_239 = tpu.memref_slice %arg16[%run_scoped3A_44, %dma_start3A_238] : memref<2x128xi32, #tpu.memory_space<vmem>> -> memref<1x128xi32, #tpu.memory_space<vmem>>
      %dma_start3A_240 = tpu.memref_squeeze %dma_start3A_239 : memref<1x128xi32, #tpu.memory_space<vmem>> -> memref<128xi32, #tpu.memory_space<vmem>>
      %dma_start3A_241 = tpu.memref_slice %arg5[%add3A_30] : memref<204800xi32, #tpu.memory_space<hbm>> -> memref<128xi32, #tpu.memory_space<hbm>>
      tpu.enqueue_dma source(%dma_start3A_241 : memref<128xi32, #tpu.memory_space<hbm>>) target(%dma_start3A_240 : memref<128xi32, #tpu.memory_space<vmem>>) target_semaphore(%run_scoped3A_233 : memref<!tpu.dma_semaphore, #tpu.memory_space<semaphore_mem>>)
      %dma_wait3A_242 = arith.constant 0 : i32
      %dma_wait3A_243 = tpu.memref_slice %arg16[%run_scoped3A_44, %dma_wait3A_242] : memref<2x128xi32, #tpu.memory_space<vmem>> -> memref<1x128xi32, #tpu.memory_space<vmem>>
      %dma_wait3A_244 = tpu.memref_squeeze %dma_wait3A_243 : memref<1x128xi32, #tpu.memory_space<vmem>> -> memref<128xi32, #tpu.memory_space<vmem>>
      %dma_wait3A_245 = tpu.memref_slice %arg5[%add3A_30] : memref<204800xi32, #tpu.memory_space<hbm>> -> memref<128xi32, #tpu.memory_space<hbm>>
      %dma_wait3A_246 = arith.constant 0 : i32
      %dma_wait3A_247 = tpu.memref_slice %arg16[%run_scoped3A_44, %dma_wait3A_246] : memref<2x128xi32, #tpu.memory_space<vmem>> -> memref<1x128xi32, #tpu.memory_space<vmem>>
      %dma_wait3A_248 = tpu.memref_squeeze %dma_wait3A_247 : memref<1x128xi32, #tpu.memory_space<vmem>> -> memref<128xi32, #tpu.memory_space<vmem>>
      %dma_wait3A_249 = tpu.memref_slice %arg5[%add3A_30] : memref<204800xi32, #tpu.memory_space<hbm>> -> memref<128xi32, #tpu.memory_space<hbm>>
      tpu.wait_dma2 semaphore(%run_scoped3A_233 : memref<!tpu.dma_semaphore, #tpu.memory_space<semaphore_mem>>) src(%dma_wait3A_249 : memref<128xi32, #tpu.memory_space<hbm>>) dst(%dma_wait3A_248 : memref<128xi32, #tpu.memory_space<vmem>>)
      tpu.yield
    }) : () -> ()
    %dma_start3A_45 = arith.constant 1 : i32
    %dma_start3A_46 = arith.constant 1 : i32
    %dma_start3A_47 = arith.constant 0 : i32
    %dma_start3A_48 = arith.constant 0 : i32
    %dma_start3A_49 = tpu.memref_slice %arg17[%dma_start3A_46, %dma_start3A_47, %dma_start3A_48] : memref<2x128x16xf32, #tpu.memory_space<vmem>> -> memref<1x128x16xf32, #tpu.memory_space<vmem>>
    %dma_start3A_50 = tpu.memref_squeeze %dma_start3A_49 : memref<1x128x16xf32, #tpu.memory_space<vmem>> -> memref<128x16xf32, #tpu.memory_space<vmem>>
    %dma_start3A_51 = arith.constant 0 : i32
    %dma_start3A_52 = tpu.memref_slice %arg16[%dma_start3A_45, %dma_start3A_51] : memref<2x128xi32, #tpu.memory_space<vmem>> -> memref<1x128xi32, #tpu.memory_space<vmem>>
    %dma_start3A_53 = tpu.memref_squeeze %dma_start3A_52 : memref<1x128xi32, #tpu.memory_space<vmem>> -> memref<128xi32, #tpu.memory_space<vmem>>
    %dma_start3A_54 = arith.constant 0 : i32
    %dma_start3A_55 = arith.constant 0 : i32
    %dma_start3A_56 = tpu.memref_slice %arg3[%dma_start3A_54, %dma_start3A_55] : memref<800000x16xf32, #tpu.memory_space<hbm>> -> memref<800000x16xf32, #tpu.memory_space<hbm>>
    tpu.enqueue_indirect_dma source(%dma_start3A_56 : memref<800000x16xf32, #tpu.memory_space<hbm>>) target(%dma_start3A_50 : memref<128x16xf32, #tpu.memory_space<vmem>>) offsets(%dma_start3A_53 : memref<128xi32, #tpu.memory_space<vmem>>) semaphore(%arg21 : memref<!tpu.dma_semaphore, #tpu.memory_space<semaphore_mem>>)
    %scan3A = arith.constant 0 : i32
    %scan3A_57 = arith.constant 0 : i32
    %scan3A_58 = arith.constant 25 : i32
    %scan3A_59 = arith.addi %scan3A_57, %scan3A_58 : i32
    %scan3A_60 = arith.constant 1 : i32
    scf.for %scan3A_233 = %scan3A_57 to %scan3A_59 step %scan3A_60  : i32 {
      %mul3A_234 = arith.constant 2 : i32
      %mul3A_235 = arith.muli %mul3A_234, %scan3A_233 : i32
      %add3A_236 = arith.constant 0 : i32
      %add3A_237 = arith.addi %mul3A_235, %add3A_236 : i32
      %mul3A_238 = arith.constant 128 : i32
      %mul3A_239 = arith.muli %add3A_237, %mul3A_238 : i32
      %add3A_240 = arith.addi %mul3A_2, %mul3A_239 : i32
      %dma_wait3A_241 = arith.constant 0 : i32
      %dma_wait3A_242 = arith.constant 0 : i32
      %dma_wait3A_243 = arith.constant 0 : i32
      %dma_wait3A_244 = arith.constant 0 : i32
      %dma_wait3A_245 = tpu.memref_slice %arg15[%dma_wait3A_242, %dma_wait3A_243, %dma_wait3A_244] : memref<2x128x128xbf16, #tpu.memory_space<vmem>> -> memref<1x128x128xbf16, #tpu.memory_space<vmem>>
      %dma_wait3A_246 = tpu.memref_squeeze %dma_wait3A_245 : memref<1x128x128xbf16, #tpu.memory_space<vmem>> -> memref<128x128xbf16, #tpu.memory_space<vmem>>
      %dma_wait3A_247 = arith.constant 0 : i32
      %dma_wait3A_248 = tpu.memref_slice %arg14[%dma_wait3A_241, %dma_wait3A_247] : memref<2x128xi32, #tpu.memory_space<vmem>> -> memref<1x128xi32, #tpu.memory_space<vmem>>
      %dma_wait3A_249 = tpu.memref_squeeze %dma_wait3A_248 : memref<1x128xi32, #tpu.memory_space<vmem>> -> memref<128xi32, #tpu.memory_space<vmem>>
      %dma_wait3A_250 = arith.constant 0 : i32
      %dma_wait3A_251 = arith.constant 0 : i32
      %dma_wait3A_252 = tpu.memref_slice %arg2[%dma_wait3A_250, %dma_wait3A_251] : memref<50000x128xbf16, #tpu.memory_space<hbm>> -> memref<50000x128xbf16, #tpu.memory_space<hbm>>
      tpu.wait_indirect_dma semaphore(%arg20 : memref<!tpu.dma_semaphore, #tpu.memory_space<semaphore_mem>>) src(%dma_wait3A_252 : memref<50000x128xbf16, #tpu.memory_space<hbm>>) dst(%dma_wait3A_246 : memref<128x128xbf16, #tpu.memory_space<vmem>>)
      %run_scoped3A_253 = arith.constant 0 : i32
      "tpu.region"() ({
        %run_scoped3A_311 = tpu.sem_alloc : memref<!tpu.dma_semaphore, #tpu.memory_space<semaphore_mem>>
        %dma_start3A_312 = arith.constant 0 : i32
        %dma_start3A_313 = arith.constant 0 : i32
        %dma_start3A_314 = tpu.memref_slice %arg15[%run_scoped3A_253, %dma_start3A_312, %dma_start3A_313] : memref<2x128x128xbf16, #tpu.memory_space<vmem>> -> memref<1x128x128xbf16, #tpu.memory_space<vmem>>
        %dma_start3A_315 = tpu.memref_squeeze %dma_start3A_314 : memref<1x128x128xbf16, #tpu.memory_space<vmem>> -> memref<128x128xbf16, #tpu.memory_space<vmem>>
        %dma_start3A_316 = arith.constant 0 : i32
        %dma_start3A_317 = tpu.memref_slice %arg9[%add3A_240, %dma_start3A_316] : memref<204800x128xbf16, #tpu.memory_space<hbm>> -> memref<128x128xbf16, #tpu.memory_space<hbm>>
        %dma_start3A_318 = arith.constant 0 : i32
        %dma_start3A_319 = tpu.memref_slice %arg9[%add3A_240, %dma_start3A_318] : memref<204800x128xbf16, #tpu.memory_space<hbm>> -> memref<128x128xbf16, #tpu.memory_space<hbm>>
        %dma_start3A_320 = arith.constant 0 : i32
        %dma_start3A_321 = arith.constant 0 : i32
        %dma_start3A_322 = tpu.memref_slice %arg15[%run_scoped3A_253, %dma_start3A_320, %dma_start3A_321] : memref<2x128x128xbf16, #tpu.memory_space<vmem>> -> memref<1x128x128xbf16, #tpu.memory_space<vmem>>
        %dma_start3A_323 = tpu.memref_squeeze %dma_start3A_322 : memref<1x128x128xbf16, #tpu.memory_space<vmem>> -> memref<128x128xbf16, #tpu.memory_space<vmem>>
        tpu.enqueue_dma source(%dma_start3A_323 : memref<128x128xbf16, #tpu.memory_space<vmem>>) target(%dma_start3A_319 : memref<128x128xbf16, #tpu.memory_space<hbm>>) target_semaphore(%run_scoped3A_311 : memref<!tpu.dma_semaphore, #tpu.memory_space<semaphore_mem>>)
        %dma_wait3A_324 = arith.constant 0 : i32
        %dma_wait3A_325 = arith.constant 0 : i32
        %dma_wait3A_326 = tpu.memref_slice %arg15[%run_scoped3A_253, %dma_wait3A_324, %dma_wait3A_325] : memref<2x128x128xbf16, #tpu.memory_space<vmem>> -> memref<1x128x128xbf16, #tpu.memory_space<vmem>>
        %dma_wait3A_327 = tpu.memref_squeeze %dma_wait3A_326 : memref<1x128x128xbf16, #tpu.memory_space<vmem>> -> memref<128x128xbf16, #tpu.memory_space<vmem>>
        %dma_wait3A_328 = arith.constant 0 : i32
        %dma_wait3A_329 = tpu.memref_slice %arg9[%add3A_240, %dma_wait3A_328] : memref<204800x128xbf16, #tpu.memory_space<hbm>> -> memref<128x128xbf16, #tpu.memory_space<hbm>>
        %dma_wait3A_330 = arith.constant 0 : i32
        %dma_wait3A_331 = tpu.memref_slice %arg9[%add3A_240, %dma_wait3A_330] : memref<204800x128xbf16, #tpu.memory_space<hbm>> -> memref<128x128xbf16, #tpu.memory_space<hbm>>
        %dma_wait3A_332 = arith.constant 0 : i32
        %dma_wait3A_333 = arith.constant 0 : i32
        %dma_wait3A_334 = tpu.memref_slice %arg15[%run_scoped3A_253, %dma_wait3A_332, %dma_wait3A_333] : memref<2x128x128xbf16, #tpu.memory_space<vmem>> -> memref<1x128x128xbf16, #tpu.memory_space<vmem>>
        %dma_wait3A_335 = tpu.memref_squeeze %dma_wait3A_334 : memref<1x128x128xbf16, #tpu.memory_space<vmem>> -> memref<128x128xbf16, #tpu.memory_space<vmem>>
        tpu.wait_dma2 semaphore(%run_scoped3A_311 : memref<!tpu.dma_semaphore, #tpu.memory_space<semaphore_mem>>) src(%dma_wait3A_335 : memref<128x128xbf16, #tpu.memory_space<vmem>>) dst(%dma_wait3A_331 : memref<128x128xbf16, #tpu.memory_space<hbm>>)
        tpu.yield
      }) : () -> ()
      %dma_wait3A_254 = arith.constant 0 : i32
      %dma_wait3A_255 = arith.constant 0 : i32
      %dma_wait3A_256 = arith.constant 0 : i32
      %dma_wait3A_257 = arith.constant 0 : i32
      %dma_wait3A_258 = tpu.memref_slice %arg17[%dma_wait3A_255, %dma_wait3A_256, %dma_wait3A_257] : memref<2x128x16xf32, #tpu.memory_space<vmem>> -> memref<1x128x16xf32, #tpu.memory_space<vmem>>
      %dma_wait3A_259 = tpu.memref_squeeze %dma_wait3A_258 : memref<1x128x16xf32, #tpu.memory_space<vmem>> -> memref<128x16xf32, #tpu.memory_space<vmem>>
      %dma_wait3A_260 = arith.constant 0 : i32
      %dma_wait3A_261 = tpu.memref_slice %arg16[%dma_wait3A_254, %dma_wait3A_260] : memref<2x128xi32, #tpu.memory_space<vmem>> -> memref<1x128xi32, #tpu.memory_space<vmem>>
      %dma_wait3A_262 = tpu.memref_squeeze %dma_wait3A_261 : memref<1x128xi32, #tpu.memory_space<vmem>> -> memref<128xi32, #tpu.memory_space<vmem>>
      %dma_wait3A_263 = arith.constant 0 : i32
      %dma_wait3A_264 = arith.constant 0 : i32
      %dma_wait3A_265 = tpu.memref_slice %arg3[%dma_wait3A_263, %dma_wait3A_264] : memref<800000x16xf32, #tpu.memory_space<hbm>> -> memref<800000x16xf32, #tpu.memory_space<hbm>>
      tpu.wait_indirect_dma semaphore(%arg21 : memref<!tpu.dma_semaphore, #tpu.memory_space<semaphore_mem>>) src(%dma_wait3A_265 : memref<800000x16xf32, #tpu.memory_space<hbm>>) dst(%dma_wait3A_259 : memref<128x16xf32, #tpu.memory_space<vmem>>)
      %run_scoped3A_266 = arith.constant 0 : i32
      "tpu.region"() ({
        %run_scoped3A_311 = tpu.sem_alloc : memref<!tpu.dma_semaphore, #tpu.memory_space<semaphore_mem>>
        %dma_start3A_312 = arith.constant 0 : i32
        %dma_start3A_313 = arith.constant 0 : i32
        %dma_start3A_314 = tpu.memref_slice %arg17[%run_scoped3A_266, %dma_start3A_312, %dma_start3A_313] : memref<2x128x16xf32, #tpu.memory_space<vmem>> -> memref<1x128x16xf32, #tpu.memory_space<vmem>>
        %dma_start3A_315 = tpu.memref_squeeze %dma_start3A_314 : memref<1x128x16xf32, #tpu.memory_space<vmem>> -> memref<128x16xf32, #tpu.memory_space<vmem>>
        %dma_start3A_316 = arith.constant 0 : i32
        %dma_start3A_317 = tpu.memref_slice %arg10[%add3A_240, %dma_start3A_316] : memref<204800x16xf32, #tpu.memory_space<hbm>> -> memref<128x16xf32, #tpu.memory_space<hbm>>
        %dma_start3A_318 = arith.constant 0 : i32
        %dma_start3A_319 = tpu.memref_slice %arg10[%add3A_240, %dma_start3A_318] : memref<204800x16xf32, #tpu.memory_space<hbm>> -> memref<128x16xf32, #tpu.memory_space<hbm>>
        %dma_start3A_320 = arith.constant 0 : i32
        %dma_start3A_321 = arith.constant 0 : i32
        %dma_start3A_322 = tpu.memref_slice %arg17[%run_scoped3A_266, %dma_start3A_320, %dma_start3A_321] : memref<2x128x16xf32, #tpu.memory_space<vmem>> -> memref<1x128x16xf32, #tpu.memory_space<vmem>>
        %dma_start3A_323 = tpu.memref_squeeze %dma_start3A_322 : memref<1x128x16xf32, #tpu.memory_space<vmem>> -> memref<128x16xf32, #tpu.memory_space<vmem>>
        tpu.enqueue_dma source(%dma_start3A_323 : memref<128x16xf32, #tpu.memory_space<vmem>>) target(%dma_start3A_319 : memref<128x16xf32, #tpu.memory_space<hbm>>) target_semaphore(%run_scoped3A_311 : memref<!tpu.dma_semaphore, #tpu.memory_space<semaphore_mem>>)
        %dma_wait3A_324 = arith.constant 0 : i32
        %dma_wait3A_325 = arith.constant 0 : i32
        %dma_wait3A_326 = tpu.memref_slice %arg17[%run_scoped3A_266, %dma_wait3A_324, %dma_wait3A_325] : memref<2x128x16xf32, #tpu.memory_space<vmem>> -> memref<1x128x16xf32, #tpu.memory_space<vmem>>
        %dma_wait3A_327 = tpu.memref_squeeze %dma_wait3A_326 : memref<1x128x16xf32, #tpu.memory_space<vmem>> -> memref<128x16xf32, #tpu.memory_space<vmem>>
        %dma_wait3A_328 = arith.constant 0 : i32
        %dma_wait3A_329 = tpu.memref_slice %arg10[%add3A_240, %dma_wait3A_328] : memref<204800x16xf32, #tpu.memory_space<hbm>> -> memref<128x16xf32, #tpu.memory_space<hbm>>
        %dma_wait3A_330 = arith.constant 0 : i32
        %dma_wait3A_331 = tpu.memref_slice %arg10[%add3A_240, %dma_wait3A_330] : memref<204800x16xf32, #tpu.memory_space<hbm>> -> memref<128x16xf32, #tpu.memory_space<hbm>>
        %dma_wait3A_332 = arith.constant 0 : i32
        %dma_wait3A_333 = arith.constant 0 : i32
        %dma_wait3A_334 = tpu.memref_slice %arg17[%run_scoped3A_266, %dma_wait3A_332, %dma_wait3A_333] : memref<2x128x16xf32, #tpu.memory_space<vmem>> -> memref<1x128x16xf32, #tpu.memory_space<vmem>>
        %dma_wait3A_335 = tpu.memref_squeeze %dma_wait3A_334 : memref<1x128x16xf32, #tpu.memory_space<vmem>> -> memref<128x16xf32, #tpu.memory_space<vmem>>
        tpu.wait_dma2 semaphore(%run_scoped3A_311 : memref<!tpu.dma_semaphore, #tpu.memory_space<semaphore_mem>>) src(%dma_wait3A_335 : memref<128x16xf32, #tpu.memory_space<vmem>>) dst(%dma_wait3A_331 : memref<128x16xf32, #tpu.memory_space<hbm>>)
        tpu.yield
      }) : () -> ()
      %add3A_267 = arith.constant 2 : i32
      %add3A_268 = arith.addi %add3A_237, %add3A_267 : i32
      %lt3A = arith.constant 50 : i32
      %lt3A_269 = arith.cmpi slt, %add3A_268, %lt3A : i32
      %convert_element_type3A = arith.extui %lt3A_269 : i1 to i32
      %cond3A = arith.constant 0 : i32
      %cond3A_270 = arith.cmpi ne, %convert_element_type3A, %cond3A : i32
      scf.if %cond3A_270 {
        %mul3A_311 = arith.constant 128 : i32
        %mul3A_312 = arith.muli %add3A_268, %mul3A_311 : i32
        %add3A_313 = arith.addi %mul3A_2, %mul3A_312 : i32
        %run_scoped3A_314 = arith.constant 0 : i32
        "tpu.region"() ({
          %run_scoped3A_340 = tpu.sem_alloc : memref<!tpu.dma_semaphore, #tpu.memory_space<semaphore_mem>>
          %dma_start3A_341 = arith.constant 0 : i32
          %dma_start3A_342 = tpu.memref_slice %arg14[%run_scoped3A_314, %dma_start3A_341] : memref<2x128xi32, #tpu.memory_space<vmem>> -> memref<1x128xi32, #tpu.memory_space<vmem>>
          %dma_start3A_343 = tpu.memref_squeeze %dma_start3A_342 : memref<1x128xi32, #tpu.memory_space<vmem>> -> memref<128xi32, #tpu.memory_space<vmem>>
          %dma_start3A_344 = tpu.memref_slice %arg4[%add3A_313] : memref<204800xi32, #tpu.memory_space<hbm>> -> memref<128xi32, #tpu.memory_space<hbm>>
          %dma_start3A_345 = arith.constant 0 : i32
          %dma_start3A_346 = tpu.memref_slice %arg14[%run_scoped3A_314, %dma_start3A_345] : memref<2x128xi32, #tpu.memory_space<vmem>> -> memref<1x128xi32, #tpu.memory_space<vmem>>
          %dma_start3A_347 = tpu.memref_squeeze %dma_start3A_346 : memref<1x128xi32, #tpu.memory_space<vmem>> -> memref<128xi32, #tpu.memory_space<vmem>>
          %dma_start3A_348 = tpu.memref_slice %arg4[%add3A_313] : memref<204800xi32, #tpu.memory_space<hbm>> -> memref<128xi32, #tpu.memory_space<hbm>>
          tpu.enqueue_dma source(%dma_start3A_348 : memref<128xi32, #tpu.memory_space<hbm>>) target(%dma_start3A_347 : memref<128xi32, #tpu.memory_space<vmem>>) target_semaphore(%run_scoped3A_340 : memref<!tpu.dma_semaphore, #tpu.memory_space<semaphore_mem>>)
          %dma_wait3A_349 = arith.constant 0 : i32
          %dma_wait3A_350 = tpu.memref_slice %arg14[%run_scoped3A_314, %dma_wait3A_349] : memref<2x128xi32, #tpu.memory_space<vmem>> -> memref<1x128xi32, #tpu.memory_space<vmem>>
          %dma_wait3A_351 = tpu.memref_squeeze %dma_wait3A_350 : memref<1x128xi32, #tpu.memory_space<vmem>> -> memref<128xi32, #tpu.memory_space<vmem>>
          %dma_wait3A_352 = tpu.memref_slice %arg4[%add3A_313] : memref<204800xi32, #tpu.memory_space<hbm>> -> memref<128xi32, #tpu.memory_space<hbm>>
          %dma_wait3A_353 = arith.constant 0 : i32
          %dma_wait3A_354 = tpu.memref_slice %arg14[%run_scoped3A_314, %dma_wait3A_353] : memref<2x128xi32, #tpu.memory_space<vmem>> -> memref<1x128xi32, #tpu.memory_space<vmem>>
          %dma_wait3A_355 = tpu.memref_squeeze %dma_wait3A_354 : memref<1x128xi32, #tpu.memory_space<vmem>> -> memref<128xi32, #tpu.memory_space<vmem>>
          %dma_wait3A_356 = tpu.memref_slice %arg4[%add3A_313] : memref<204800xi32, #tpu.memory_space<hbm>> -> memref<128xi32, #tpu.memory_space<hbm>>
          tpu.wait_dma2 semaphore(%run_scoped3A_340 : memref<!tpu.dma_semaphore, #tpu.memory_space<semaphore_mem>>) src(%dma_wait3A_356 : memref<128xi32, #tpu.memory_space<hbm>>) dst(%dma_wait3A_355 : memref<128xi32, #tpu.memory_space<vmem>>)
          tpu.yield
        }) : () -> ()
        %dma_start3A_315 = arith.constant 0 : i32
        %dma_start3A_316 = arith.constant 0 : i32
        %dma_start3A_317 = arith.constant 0 : i32
        %dma_start3A_318 = arith.constant 0 : i32
        %dma_start3A_319 = tpu.memref_slice %arg15[%dma_start3A_316, %dma_start3A_317, %dma_start3A_318] : memref<2x128x128xbf16, #tpu.memory_space<vmem>> -> memref<1x128x128xbf16, #tpu.memory_space<vmem>>
        %dma_start3A_320 = tpu.memref_squeeze %dma_start3A_319 : memref<1x128x128xbf16, #tpu.memory_space<vmem>> -> memref<128x128xbf16, #tpu.memory_space<vmem>>
        %dma_start3A_321 = arith.constant 0 : i32
        %dma_start3A_322 = tpu.memref_slice %arg14[%dma_start3A_315, %dma_start3A_321] : memref<2x128xi32, #tpu.memory_space<vmem>> -> memref<1x128xi32, #tpu.memory_space<vmem>>
        %dma_start3A_323 = tpu.memref_squeeze %dma_start3A_322 : memref<1x128xi32, #tpu.memory_space<vmem>> -> memref<128xi32, #tpu.memory_space<vmem>>
        %dma_start3A_324 = arith.constant 0 : i32
        %dma_start3A_325 = arith.constant 0 : i32
        %dma_start3A_326 = tpu.memref_slice %arg2[%dma_start3A_324, %dma_start3A_325] : memref<50000x128xbf16, #tpu.memory_space<hbm>> -> memref<50000x128xbf16, #tpu.memory_space<hbm>>
        tpu.enqueue_indirect_dma source(%dma_start3A_326 : memref<50000x128xbf16, #tpu.memory_space<hbm>>) target(%dma_start3A_320 : memref<128x128xbf16, #tpu.memory_space<vmem>>) offsets(%dma_start3A_323 : memref<128xi32, #tpu.memory_space<vmem>>) semaphore(%arg20 : memref<!tpu.dma_semaphore, #tpu.memory_space<semaphore_mem>>)
        %run_scoped3A_327 = arith.constant 0 : i32
        "tpu.region"() ({
          %run_scoped3A_340 = tpu.sem_alloc : memref<!tpu.dma_semaphore, #tpu.memory_space<semaphore_mem>>
          %dma_start3A_341 = arith.constant 0 : i32
          %dma_start3A_342 = tpu.memref_slice %arg16[%run_scoped3A_327, %dma_start3A_341] : memref<2x128xi32, #tpu.memory_space<vmem>> -> memref<1x128xi32, #tpu.memory_space<vmem>>
          %dma_start3A_343 = tpu.memref_squeeze %dma_start3A_342 : memref<1x128xi32, #tpu.memory_space<vmem>> -> memref<128xi32, #tpu.memory_space<vmem>>
          %dma_start3A_344 = tpu.memref_slice %arg5[%add3A_313] : memref<204800xi32, #tpu.memory_space<hbm>> -> memref<128xi32, #tpu.memory_space<hbm>>
          %dma_start3A_345 = arith.constant 0 : i32
          %dma_start3A_346 = tpu.memref_slice %arg16[%run_scoped3A_327, %dma_start3A_345] : memref<2x128xi32, #tpu.memory_space<vmem>> -> memref<1x128xi32, #tpu.memory_space<vmem>>
          %dma_start3A_347 = tpu.memref_squeeze %dma_start3A_346 : memref<1x128xi32, #tpu.memory_space<vmem>> -> memref<128xi32, #tpu.memory_space<vmem>>
          %dma_start3A_348 = tpu.memref_slice %arg5[%add3A_313] : memref<204800xi32, #tpu.memory_space<hbm>> -> memref<128xi32, #tpu.memory_space<hbm>>
          tpu.enqueue_dma source(%dma_start3A_348 : memref<128xi32, #tpu.memory_space<hbm>>) target(%dma_start3A_347 : memref<128xi32, #tpu.memory_space<vmem>>) target_semaphore(%run_scoped3A_340 : memref<!tpu.dma_semaphore, #tpu.memory_space<semaphore_mem>>)
          %dma_wait3A_349 = arith.constant 0 : i32
          %dma_wait3A_350 = tpu.memref_slice %arg16[%run_scoped3A_327, %dma_wait3A_349] : memref<2x128xi32, #tpu.memory_space<vmem>> -> memref<1x128xi32, #tpu.memory_space<vmem>>
          %dma_wait3A_351 = tpu.memref_squeeze %dma_wait3A_350 : memref<1x128xi32, #tpu.memory_space<vmem>> -> memref<128xi32, #tpu.memory_space<vmem>>
          %dma_wait3A_352 = tpu.memref_slice %arg5[%add3A_313] : memref<204800xi32, #tpu.memory_space<hbm>> -> memref<128xi32, #tpu.memory_space<hbm>>
          %dma_wait3A_353 = arith.constant 0 : i32
          %dma_wait3A_354 = tpu.memref_slice %arg16[%run_scoped3A_327, %dma_wait3A_353] : memref<2x128xi32, #tpu.memory_space<vmem>> -> memref<1x128xi32, #tpu.memory_space<vmem>>
          %dma_wait3A_355 = tpu.memref_squeeze %dma_wait3A_354 : memref<1x128xi32, #tpu.memory_space<vmem>> -> memref<128xi32, #tpu.memory_space<vmem>>
          %dma_wait3A_356 = tpu.memref_slice %arg5[%add3A_313] : memref<204800xi32, #tpu.memory_space<hbm>> -> memref<128xi32, #tpu.memory_space<hbm>>
          tpu.wait_dma2 semaphore(%run_scoped3A_340 : memref<!tpu.dma_semaphore, #tpu.memory_space<semaphore_mem>>) src(%dma_wait3A_356 : memref<128xi32, #tpu.memory_space<hbm>>) dst(%dma_wait3A_355 : memref<128xi32, #tpu.memory_space<vmem>>)
          tpu.yield
        }) : () -> ()
        %dma_start3A_328 = arith.constant 0 : i32
        %dma_start3A_329 = arith.constant 0 : i32
        %dma_start3A_330 = arith.constant 0 : i32
        %dma_start3A_331 = arith.constant 0 : i32
        %dma_start3A_332 = tpu.memref_slice %arg17[%dma_start3A_329, %dma_start3A_330, %dma_start3A_331] : memref<2x128x16xf32, #tpu.memory_space<vmem>> -> memref<1x128x16xf32, #tpu.memory_space<vmem>>
        %dma_start3A_333 = tpu.memref_squeeze %dma_start3A_332 : memref<1x128x16xf32, #tpu.memory_space<vmem>> -> memref<128x16xf32, #tpu.memory_space<vmem>>
        %dma_start3A_334 = arith.constant 0 : i32
        %dma_start3A_335 = tpu.memref_slice %arg16[%dma_start3A_328, %dma_start3A_334] : memref<2x128xi32, #tpu.memory_space<vmem>> -> memref<1x128xi32, #tpu.memory_space<vmem>>
        %dma_start3A_336 = tpu.memref_squeeze %dma_start3A_335 : memref<1x128xi32, #tpu.memory_space<vmem>> -> memref<128xi32, #tpu.memory_space<vmem>>
        %dma_start3A_337 = arith.constant 0 : i32
        %dma_start3A_338 = arith.constant 0 : i32
        %dma_start3A_339 = tpu.memref_slice %arg3[%dma_start3A_337, %dma_start3A_338] : memref<800000x16xf32, #tpu.memory_space<hbm>> -> memref<800000x16xf32, #tpu.memory_space<hbm>>
        tpu.enqueue_indirect_dma source(%dma_start3A_339 : memref<800000x16xf32, #tpu.memory_space<hbm>>) target(%dma_start3A_333 : memref<128x16xf32, #tpu.memory_space<vmem>>) offsets(%dma_start3A_336 : memref<128xi32, #tpu.memory_space<vmem>>) semaphore(%arg21 : memref<!tpu.dma_semaphore, #tpu.memory_space<semaphore_mem>>)
      } else {
      }
      %mul3A_271 = arith.constant 2 : i32
      %mul3A_272 = arith.muli %mul3A_271, %scan3A_233 : i32
      %add3A_273 = arith.constant 1 : i32
      %add3A_274 = arith.addi %mul3A_272, %add3A_273 : i32
      %mul3A_275 = arith.constant 128 : i32
      %mul3A_276 = arith.muli %add3A_274, %mul3A_275 : i32
      %add3A_277 = arith.addi %mul3A_2, %mul3A_276 : i32
      %dma_wait3A_278 = arith.constant 1 : i32
      %dma_wait3A_279 = arith.constant 1 : i32
      %dma_wait3A_280 = arith.constant 0 : i32
      %dma_wait3A_281 = arith.constant 0 : i32
      %dma_wait3A_282 = tpu.memref_slice %arg15[%dma_wait3A_279, %dma_wait3A_280, %dma_wait3A_281] : memref<2x128x128xbf16, #tpu.memory_space<vmem>> -> memref<1x128x128xbf16, #tpu.memory_space<vmem>>
      %dma_wait3A_283 = tpu.memref_squeeze %dma_wait3A_282 : memref<1x128x128xbf16, #tpu.memory_space<vmem>> -> memref<128x128xbf16, #tpu.memory_space<vmem>>
      %dma_wait3A_284 = arith.constant 0 : i32
      %dma_wait3A_285 = tpu.memref_slice %arg14[%dma_wait3A_278, %dma_wait3A_284] : memref<2x128xi32, #tpu.memory_space<vmem>> -> memref<1x128xi32, #tpu.memory_space<vmem>>
      %dma_wait3A_286 = tpu.memref_squeeze %dma_wait3A_285 : memref<1x128xi32, #tpu.memory_space<vmem>> -> memref<128xi32, #tpu.memory_space<vmem>>
      %dma_wait3A_287 = arith.constant 0 : i32
      %dma_wait3A_288 = arith.constant 0 : i32
      %dma_wait3A_289 = tpu.memref_slice %arg2[%dma_wait3A_287, %dma_wait3A_288] : memref<50000x128xbf16, #tpu.memory_space<hbm>> -> memref<50000x128xbf16, #tpu.memory_space<hbm>>
      tpu.wait_indirect_dma semaphore(%arg20 : memref<!tpu.dma_semaphore, #tpu.memory_space<semaphore_mem>>) src(%dma_wait3A_289 : memref<50000x128xbf16, #tpu.memory_space<hbm>>) dst(%dma_wait3A_283 : memref<128x128xbf16, #tpu.memory_space<vmem>>)
      %run_scoped3A_290 = arith.constant 1 : i32
      "tpu.region"() ({
        %run_scoped3A_311 = tpu.sem_alloc : memref<!tpu.dma_semaphore, #tpu.memory_space<semaphore_mem>>
        %dma_start3A_312 = arith.constant 0 : i32
        %dma_start3A_313 = arith.constant 0 : i32
        %dma_start3A_314 = tpu.memref_slice %arg15[%run_scoped3A_290, %dma_start3A_312, %dma_start3A_313] : memref<2x128x128xbf16, #tpu.memory_space<vmem>> -> memref<1x128x128xbf16, #tpu.memory_space<vmem>>
        %dma_start3A_315 = tpu.memref_squeeze %dma_start3A_314 : memref<1x128x128xbf16, #tpu.memory_space<vmem>> -> memref<128x128xbf16, #tpu.memory_space<vmem>>
        %dma_start3A_316 = arith.constant 0 : i32
        %dma_start3A_317 = tpu.memref_slice %arg9[%add3A_277, %dma_start3A_316] : memref<204800x128xbf16, #tpu.memory_space<hbm>> -> memref<128x128xbf16, #tpu.memory_space<hbm>>
        %dma_start3A_318 = arith.constant 0 : i32
        %dma_start3A_319 = tpu.memref_slice %arg9[%add3A_277, %dma_start3A_318] : memref<204800x128xbf16, #tpu.memory_space<hbm>> -> memref<128x128xbf16, #tpu.memory_space<hbm>>
        %dma_start3A_320 = arith.constant 0 : i32
        %dma_start3A_321 = arith.constant 0 : i32
        %dma_start3A_322 = tpu.memref_slice %arg15[%run_scoped3A_290, %dma_start3A_320, %dma_start3A_321] : memref<2x128x128xbf16, #tpu.memory_space<vmem>> -> memref<1x128x128xbf16, #tpu.memory_space<vmem>>
        %dma_start3A_323 = tpu.memref_squeeze %dma_start3A_322 : memref<1x128x128xbf16, #tpu.memory_space<vmem>> -> memref<128x128xbf16, #tpu.memory_space<vmem>>
        tpu.enqueue_dma source(%dma_start3A_323 : memref<128x128xbf16, #tpu.memory_space<vmem>>) target(%dma_start3A_319 : memref<128x128xbf16, #tpu.memory_space<hbm>>) target_semaphore(%run_scoped3A_311 : memref<!tpu.dma_semaphore, #tpu.memory_space<semaphore_mem>>)
        %dma_wait3A_324 = arith.constant 0 : i32
        %dma_wait3A_325 = arith.constant 0 : i32
        %dma_wait3A_326 = tpu.memref_slice %arg15[%run_scoped3A_290, %dma_wait3A_324, %dma_wait3A_325] : memref<2x128x128xbf16, #tpu.memory_space<vmem>> -> memref<1x128x128xbf16, #tpu.memory_space<vmem>>
        %dma_wait3A_327 = tpu.memref_squeeze %dma_wait3A_326 : memref<1x128x128xbf16, #tpu.memory_space<vmem>> -> memref<128x128xbf16, #tpu.memory_space<vmem>>
        %dma_wait3A_328 = arith.constant 0 : i32
        %dma_wait3A_329 = tpu.memref_slice %arg9[%add3A_277, %dma_wait3A_328] : memref<204800x128xbf16, #tpu.memory_space<hbm>> -> memref<128x128xbf16, #tpu.memory_space<hbm>>
        %dma_wait3A_330 = arith.constant 0 : i32
        %dma_wait3A_331 = tpu.memref_slice %arg9[%add3A_277, %dma_wait3A_330] : memref<204800x128xbf16, #tpu.memory_space<hbm>> -> memref<128x128xbf16, #tpu.memory_space<hbm>>
        %dma_wait3A_332 = arith.constant 0 : i32
        %dma_wait3A_333 = arith.constant 0 : i32
        %dma_wait3A_334 = tpu.memref_slice %arg15[%run_scoped3A_290, %dma_wait3A_332, %dma_wait3A_333] : memref<2x128x128xbf16, #tpu.memory_space<vmem>> -> memref<1x128x128xbf16, #tpu.memory_space<vmem>>
        %dma_wait3A_335 = tpu.memref_squeeze %dma_wait3A_334 : memref<1x128x128xbf16, #tpu.memory_space<vmem>> -> memref<128x128xbf16, #tpu.memory_space<vmem>>
        tpu.wait_dma2 semaphore(%run_scoped3A_311 : memref<!tpu.dma_semaphore, #tpu.memory_space<semaphore_mem>>) src(%dma_wait3A_335 : memref<128x128xbf16, #tpu.memory_space<vmem>>) dst(%dma_wait3A_331 : memref<128x128xbf16, #tpu.memory_space<hbm>>)
        tpu.yield
      }) : () -> ()
      %dma_wait3A_291 = arith.constant 1 : i32
      %dma_wait3A_292 = arith.constant 1 : i32
      %dma_wait3A_293 = arith.constant 0 : i32
      %dma_wait3A_294 = arith.constant 0 : i32
      %dma_wait3A_295 = tpu.memref_slice %arg17[%dma_wait3A_292, %dma_wait3A_293, %dma_wait3A_294] : memref<2x128x16xf32, #tpu.memory_space<vmem>> -> memref<1x128x16xf32, #tpu.memory_space<vmem>>
      %dma_wait3A_296 = tpu.memref_squeeze %dma_wait3A_295 : memref<1x128x16xf32, #tpu.memory_space<vmem>> -> memref<128x16xf32, #tpu.memory_space<vmem>>
      %dma_wait3A_297 = arith.constant 0 : i32
      %dma_wait3A_298 = tpu.memref_slice %arg16[%dma_wait3A_291, %dma_wait3A_297] : memref<2x128xi32, #tpu.memory_space<vmem>> -> memref<1x128xi32, #tpu.memory_space<vmem>>
      %dma_wait3A_299 = tpu.memref_squeeze %dma_wait3A_298 : memref<1x128xi32, #tpu.memory_space<vmem>> -> memref<128xi32, #tpu.memory_space<vmem>>
      %dma_wait3A_300 = arith.constant 0 : i32
      %dma_wait3A_301 = arith.constant 0 : i32
      %dma_wait3A_302 = tpu.memref_slice %arg3[%dma_wait3A_300, %dma_wait3A_301] : memref<800000x16xf32, #tpu.memory_space<hbm>> -> memref<800000x16xf32, #tpu.memory_space<hbm>>
      tpu.wait_indirect_dma semaphore(%arg21 : memref<!tpu.dma_semaphore, #tpu.memory_space<semaphore_mem>>) src(%dma_wait3A_302 : memref<800000x16xf32, #tpu.memory_space<hbm>>) dst(%dma_wait3A_296 : memref<128x16xf32, #tpu.memory_space<vmem>>)
      %run_scoped3A_303 = arith.constant 1 : i32
      "tpu.region"() ({
        %run_scoped3A_311 = tpu.sem_alloc : memref<!tpu.dma_semaphore, #tpu.memory_space<semaphore_mem>>
        %dma_start3A_312 = arith.constant 0 : i32
        %dma_start3A_313 = arith.constant 0 : i32
        %dma_start3A_314 = tpu.memref_slice %arg17[%run_scoped3A_303, %dma_start3A_312, %dma_start3A_313] : memref<2x128x16xf32, #tpu.memory_space<vmem>> -> memref<1x128x16xf32, #tpu.memory_space<vmem>>
        %dma_start3A_315 = tpu.memref_squeeze %dma_start3A_314 : memref<1x128x16xf32, #tpu.memory_space<vmem>> -> memref<128x16xf32, #tpu.memory_space<vmem>>
        %dma_start3A_316 = arith.constant 0 : i32
        %dma_start3A_317 = tpu.memref_slice %arg10[%add3A_277, %dma_start3A_316] : memref<204800x16xf32, #tpu.memory_space<hbm>> -> memref<128x16xf32, #tpu.memory_space<hbm>>
        %dma_start3A_318 = arith.constant 0 : i32
        %dma_start3A_319 = tpu.memref_slice %arg10[%add3A_277, %dma_start3A_318] : memref<204800x16xf32, #tpu.memory_space<hbm>> -> memref<128x16xf32, #tpu.memory_space<hbm>>
        %dma_start3A_320 = arith.constant 0 : i32
        %dma_start3A_321 = arith.constant 0 : i32
        %dma_start3A_322 = tpu.memref_slice %arg17[%run_scoped3A_303, %dma_start3A_320, %dma_start3A_321] : memref<2x128x16xf32, #tpu.memory_space<vmem>> -> memref<1x128x16xf32, #tpu.memory_space<vmem>>
        %dma_start3A_323 = tpu.memref_squeeze %dma_start3A_322 : memref<1x128x16xf32, #tpu.memory_space<vmem>> -> memref<128x16xf32, #tpu.memory_space<vmem>>
        tpu.enqueue_dma source(%dma_start3A_323 : memref<128x16xf32, #tpu.memory_space<vmem>>) target(%dma_start3A_319 : memref<128x16xf32, #tpu.memory_space<hbm>>) target_semaphore(%run_scoped3A_311 : memref<!tpu.dma_semaphore, #tpu.memory_space<semaphore_mem>>)
        %dma_wait3A_324 = arith.constant 0 : i32
        %dma_wait3A_325 = arith.constant 0 : i32
        %dma_wait3A_326 = tpu.memref_slice %arg17[%run_scoped3A_303, %dma_wait3A_324, %dma_wait3A_325] : memref<2x128x16xf32, #tpu.memory_space<vmem>> -> memref<1x128x16xf32, #tpu.memory_space<vmem>>
        %dma_wait3A_327 = tpu.memref_squeeze %dma_wait3A_326 : memref<1x128x16xf32, #tpu.memory_space<vmem>> -> memref<128x16xf32, #tpu.memory_space<vmem>>
        %dma_wait3A_328 = arith.constant 0 : i32
        %dma_wait3A_329 = tpu.memref_slice %arg10[%add3A_277, %dma_wait3A_328] : memref<204800x16xf32, #tpu.memory_space<hbm>> -> memref<128x16xf32, #tpu.memory_space<hbm>>
        %dma_wait3A_330 = arith.constant 0 : i32
        %dma_wait3A_331 = tpu.memref_slice %arg10[%add3A_277, %dma_wait3A_330] : memref<204800x16xf32, #tpu.memory_space<hbm>> -> memref<128x16xf32, #tpu.memory_space<hbm>>
        %dma_wait3A_332 = arith.constant 0 : i32
        %dma_wait3A_333 = arith.constant 0 : i32
        %dma_wait3A_334 = tpu.memref_slice %arg17[%run_scoped3A_303, %dma_wait3A_332, %dma_wait3A_333] : memref<2x128x16xf32, #tpu.memory_space<vmem>> -> memref<1x128x16xf32, #tpu.memory_space<vmem>>
        %dma_wait3A_335 = tpu.memref_squeeze %dma_wait3A_334 : memref<1x128x16xf32, #tpu.memory_space<vmem>> -> memref<128x16xf32, #tpu.memory_space<vmem>>
        tpu.wait_dma2 semaphore(%run_scoped3A_311 : memref<!tpu.dma_semaphore, #tpu.memory_space<semaphore_mem>>) src(%dma_wait3A_335 : memref<128x16xf32, #tpu.memory_space<vmem>>) dst(%dma_wait3A_331 : memref<128x16xf32, #tpu.memory_space<hbm>>)
        tpu.yield
      }) : () -> ()
      %add3A_304 = arith.constant 2 : i32
      %add3A_305 = arith.addi %add3A_274, %add3A_304 : i32
      %lt3A_306 = arith.constant 50 : i32
      %lt3A_307 = arith.cmpi slt, %add3A_305, %lt3A_306 : i32
      %convert_element_type3A_308 = arith.extui %lt3A_307 : i1 to i32
      %cond3A_309 = arith.constant 0 : i32
      %cond3A_310 = arith.cmpi ne, %convert_element_type3A_308, %cond3A_309 : i32
      scf.if %cond3A_310 {
        %mul3A_311 = arith.constant 128 : i32
        %mul3A_312 = arith.muli %add3A_305, %mul3A_311 : i32
        %add3A_313 = arith.addi %mul3A_2, %mul3A_312 : i32
        %run_scoped3A_314 = arith.constant 1 : i32
        "tpu.region"() ({
          %run_scoped3A_340 = tpu.sem_alloc : memref<!tpu.dma_semaphore, #tpu.memory_space<semaphore_mem>>
          %dma_start3A_341 = arith.constant 0 : i32
          %dma_start3A_342 = tpu.memref_slice %arg14[%run_scoped3A_314, %dma_start3A_341] : memref<2x128xi32, #tpu.memory_space<vmem>> -> memref<1x128xi32, #tpu.memory_space<vmem>>
          %dma_start3A_343 = tpu.memref_squeeze %dma_start3A_342 : memref<1x128xi32, #tpu.memory_space<vmem>> -> memref<128xi32, #tpu.memory_space<vmem>>
          %dma_start3A_344 = tpu.memref_slice %arg4[%add3A_313] : memref<204800xi32, #tpu.memory_space<hbm>> -> memref<128xi32, #tpu.memory_space<hbm>>
          %dma_start3A_345 = arith.constant 0 : i32
          %dma_start3A_346 = tpu.memref_slice %arg14[%run_scoped3A_314, %dma_start3A_345] : memref<2x128xi32, #tpu.memory_space<vmem>> -> memref<1x128xi32, #tpu.memory_space<vmem>>
          %dma_start3A_347 = tpu.memref_squeeze %dma_start3A_346 : memref<1x128xi32, #tpu.memory_space<vmem>> -> memref<128xi32, #tpu.memory_space<vmem>>
          %dma_start3A_348 = tpu.memref_slice %arg4[%add3A_313] : memref<204800xi32, #tpu.memory_space<hbm>> -> memref<128xi32, #tpu.memory_space<hbm>>
          tpu.enqueue_dma source(%dma_start3A_348 : memref<128xi32, #tpu.memory_space<hbm>>) target(%dma_start3A_347 : memref<128xi32, #tpu.memory_space<vmem>>) target_semaphore(%run_scoped3A_340 : memref<!tpu.dma_semaphore, #tpu.memory_space<semaphore_mem>>)
          %dma_wait3A_349 = arith.constant 0 : i32
          %dma_wait3A_350 = tpu.memref_slice %arg14[%run_scoped3A_314, %dma_wait3A_349] : memref<2x128xi32, #tpu.memory_space<vmem>> -> memref<1x128xi32, #tpu.memory_space<vmem>>
          %dma_wait3A_351 = tpu.memref_squeeze %dma_wait3A_350 : memref<1x128xi32, #tpu.memory_space<vmem>> -> memref<128xi32, #tpu.memory_space<vmem>>
          %dma_wait3A_352 = tpu.memref_slice %arg4[%add3A_313] : memref<204800xi32, #tpu.memory_space<hbm>> -> memref<128xi32, #tpu.memory_space<hbm>>
          %dma_wait3A_353 = arith.constant 0 : i32
          %dma_wait3A_354 = tpu.memref_slice %arg14[%run_scoped3A_314, %dma_wait3A_353] : memref<2x128xi32, #tpu.memory_space<vmem>> -> memref<1x128xi32, #tpu.memory_space<vmem>>
          %dma_wait3A_355 = tpu.memref_squeeze %dma_wait3A_354 : memref<1x128xi32, #tpu.memory_space<vmem>> -> memref<128xi32, #tpu.memory_space<vmem>>
          %dma_wait3A_356 = tpu.memref_slice %arg4[%add3A_313] : memref<204800xi32, #tpu.memory_space<hbm>> -> memref<128xi32, #tpu.memory_space<hbm>>
          tpu.wait_dma2 semaphore(%run_scoped3A_340 : memref<!tpu.dma_semaphore, #tpu.memory_space<semaphore_mem>>) src(%dma_wait3A_356 : memref<128xi32, #tpu.memory_space<hbm>>) dst(%dma_wait3A_355 : memref<128xi32, #tpu.memory_space<vmem>>)
          tpu.yield
        }) : () -> ()
        %dma_start3A_315 = arith.constant 1 : i32
        %dma_start3A_316 = arith.constant 1 : i32
        %dma_start3A_317 = arith.constant 0 : i32
        %dma_start3A_318 = arith.constant 0 : i32
        %dma_start3A_319 = tpu.memref_slice %arg15[%dma_start3A_316, %dma_start3A_317, %dma_start3A_318] : memref<2x128x128xbf16, #tpu.memory_space<vmem>> -> memref<1x128x128xbf16, #tpu.memory_space<vmem>>
        %dma_start3A_320 = tpu.memref_squeeze %dma_start3A_319 : memref<1x128x128xbf16, #tpu.memory_space<vmem>> -> memref<128x128xbf16, #tpu.memory_space<vmem>>
        %dma_start3A_321 = arith.constant 0 : i32
        %dma_start3A_322 = tpu.memref_slice %arg14[%dma_start3A_315, %dma_start3A_321] : memref<2x128xi32, #tpu.memory_space<vmem>> -> memref<1x128xi32, #tpu.memory_space<vmem>>
        %dma_start3A_323 = tpu.memref_squeeze %dma_start3A_322 : memref<1x128xi32, #tpu.memory_space<vmem>> -> memref<128xi32, #tpu.memory_space<vmem>>
        %dma_start3A_324 = arith.constant 0 : i32
        %dma_start3A_325 = arith.constant 0 : i32
        %dma_start3A_326 = tpu.memref_slice %arg2[%dma_start3A_324, %dma_start3A_325] : memref<50000x128xbf16, #tpu.memory_space<hbm>> -> memref<50000x128xbf16, #tpu.memory_space<hbm>>
        tpu.enqueue_indirect_dma source(%dma_start3A_326 : memref<50000x128xbf16, #tpu.memory_space<hbm>>) target(%dma_start3A_320 : memref<128x128xbf16, #tpu.memory_space<vmem>>) offsets(%dma_start3A_323 : memref<128xi32, #tpu.memory_space<vmem>>) semaphore(%arg20 : memref<!tpu.dma_semaphore, #tpu.memory_space<semaphore_mem>>)
        %run_scoped3A_327 = arith.constant 1 : i32
        "tpu.region"() ({
          %run_scoped3A_340 = tpu.sem_alloc : memref<!tpu.dma_semaphore, #tpu.memory_space<semaphore_mem>>
          %dma_start3A_341 = arith.constant 0 : i32
          %dma_start3A_342 = tpu.memref_slice %arg16[%run_scoped3A_327, %dma_start3A_341] : memref<2x128xi32, #tpu.memory_space<vmem>> -> memref<1x128xi32, #tpu.memory_space<vmem>>
          %dma_start3A_343 = tpu.memref_squeeze %dma_start3A_342 : memref<1x128xi32, #tpu.memory_space<vmem>> -> memref<128xi32, #tpu.memory_space<vmem>>
          %dma_start3A_344 = tpu.memref_slice %arg5[%add3A_313] : memref<204800xi32, #tpu.memory_space<hbm>> -> memref<128xi32, #tpu.memory_space<hbm>>
          %dma_start3A_345 = arith.constant 0 : i32
          %dma_start3A_346 = tpu.memref_slice %arg16[%run_scoped3A_327, %dma_start3A_345] : memref<2x128xi32, #tpu.memory_space<vmem>> -> memref<1x128xi32, #tpu.memory_space<vmem>>
          %dma_start3A_347 = tpu.memref_squeeze %dma_start3A_346 : memref<1x128xi32, #tpu.memory_space<vmem>> -> memref<128xi32, #tpu.memory_space<vmem>>
          %dma_start3A_348 = tpu.memref_slice %arg5[%add3A_313] : memref<204800xi32, #tpu.memory_space<hbm>> -> memref<128xi32, #tpu.memory_space<hbm>>
          tpu.enqueue_dma source(%dma_start3A_348 : memref<128xi32, #tpu.memory_space<hbm>>) target(%dma_start3A_347 : memref<128xi32, #tpu.memory_space<vmem>>) target_semaphore(%run_scoped3A_340 : memref<!tpu.dma_semaphore, #tpu.memory_space<semaphore_mem>>)
          %dma_wait3A_349 = arith.constant 0 : i32
          %dma_wait3A_350 = tpu.memref_slice %arg16[%run_scoped3A_327, %dma_wait3A_349] : memref<2x128xi32, #tpu.memory_space<vmem>> -> memref<1x128xi32, #tpu.memory_space<vmem>>
          %dma_wait3A_351 = tpu.memref_squeeze %dma_wait3A_350 : memref<1x128xi32, #tpu.memory_space<vmem>> -> memref<128xi32, #tpu.memory_space<vmem>>
          %dma_wait3A_352 = tpu.memref_slice %arg5[%add3A_313] : memref<204800xi32, #tpu.memory_space<hbm>> -> memref<128xi32, #tpu.memory_space<hbm>>
          %dma_wait3A_353 = arith.constant 0 : i32
          %dma_wait3A_354 = tpu.memref_slice %arg16[%run_scoped3A_327, %dma_wait3A_353] : memref<2x128xi32, #tpu.memory_space<vmem>> -> memref<1x128xi32, #tpu.memory_space<vmem>>
          %dma_wait3A_355 = tpu.memref_squeeze %dma_wait3A_354 : memref<1x128xi32, #tpu.memory_space<vmem>> -> memref<128xi32, #tpu.memory_space<vmem>>
          %dma_wait3A_356 = tpu.memref_slice %arg5[%add3A_313] : memref<204800xi32, #tpu.memory_space<hbm>> -> memref<128xi32, #tpu.memory_space<hbm>>
          tpu.wait_dma2 semaphore(%run_scoped3A_340 : memref<!tpu.dma_semaphore, #tpu.memory_space<semaphore_mem>>) src(%dma_wait3A_356 : memref<128xi32, #tpu.memory_space<hbm>>) dst(%dma_wait3A_355 : memref<128xi32, #tpu.memory_space<vmem>>)
          tpu.yield
        }) : () -> ()
        %dma_start3A_328 = arith.constant 1 : i32
        %dma_start3A_329 = arith.constant 1 : i32
        %dma_start3A_330 = arith.constant 0 : i32
        %dma_start3A_331 = arith.constant 0 : i32
        %dma_start3A_332 = tpu.memref_slice %arg17[%dma_start3A_329, %dma_start3A_330, %dma_start3A_331] : memref<2x128x16xf32, #tpu.memory_space<vmem>> -> memref<1x128x16xf32, #tpu.memory_space<vmem>>
        %dma_start3A_333 = tpu.memref_squeeze %dma_start3A_332 : memref<1x128x16xf32, #tpu.memory_space<vmem>> -> memref<128x16xf32, #tpu.memory_space<vmem>>
        %dma_start3A_334 = arith.constant 0 : i32
        %dma_start3A_335 = tpu.memref_slice %arg16[%dma_start3A_328, %dma_start3A_334] : memref<2x128xi32, #tpu.memory_space<vmem>> -> memref<1x128xi32, #tpu.memory_space<vmem>>
        %dma_start3A_336 = tpu.memref_squeeze %dma_start3A_335 : memref<1x128xi32, #tpu.memory_space<vmem>> -> memref<128xi32, #tpu.memory_space<vmem>>
        %dma_start3A_337 = arith.constant 0 : i32
        %dma_start3A_338 = arith.constant 0 : i32
        %dma_start3A_339 = tpu.memref_slice %arg3[%dma_start3A_337, %dma_start3A_338] : memref<800000x16xf32, #tpu.memory_space<hbm>> -> memref<800000x16xf32, #tpu.memory_space<hbm>>
        tpu.enqueue_indirect_dma source(%dma_start3A_339 : memref<800000x16xf32, #tpu.memory_space<hbm>>) target(%dma_start3A_333 : memref<128x16xf32, #tpu.memory_space<vmem>>) offsets(%dma_start3A_336 : memref<128xi32, #tpu.memory_space<vmem>>) semaphore(%arg21 : memref<!tpu.dma_semaphore, #tpu.memory_space<semaphore_mem>>)
      } else {
      }
    }
    %scan3A_61 = arith.constant 25 : i32
    %mul3A_62 = arith.constant 384 : i32
    %mul3A_63 = arith.muli %add3A, %mul3A_62 : i32
    %add3A_64 = arith.constant 0 : i32
    %add3A_65 = arith.addi %mul3A_63, %add3A_64 : i32
    %run_scoped3A_66 = arith.constant 0 : i32
    "tpu.region"() ({
      %run_scoped3A_233 = tpu.sem_alloc : memref<!tpu.dma_semaphore, #tpu.memory_space<semaphore_mem>>
      %dma_start3A_234 = arith.constant 0 : i32
      %dma_start3A_235 = tpu.memref_slice %arg14[%run_scoped3A_66, %dma_start3A_234] : memref<2x128xi32, #tpu.memory_space<vmem>> -> memref<1x128xi32, #tpu.memory_space<vmem>>
      %dma_start3A_236 = tpu.memref_squeeze %dma_start3A_235 : memref<1x128xi32, #tpu.memory_space<vmem>> -> memref<128xi32, #tpu.memory_space<vmem>>
      %dma_start3A_237 = tpu.memref_slice %arg6[%add3A_65] : memref<12288xi32, #tpu.memory_space<hbm>> -> memref<128xi32, #tpu.memory_space<hbm>>
      %dma_start3A_238 = arith.constant 0 : i32
      %dma_start3A_239 = tpu.memref_slice %arg14[%run_scoped3A_66, %dma_start3A_238] : memref<2x128xi32, #tpu.memory_space<vmem>> -> memref<1x128xi32, #tpu.memory_space<vmem>>
      %dma_start3A_240 = tpu.memref_squeeze %dma_start3A_239 : memref<1x128xi32, #tpu.memory_space<vmem>> -> memref<128xi32, #tpu.memory_space<vmem>>
      %dma_start3A_241 = tpu.memref_slice %arg6[%add3A_65] : memref<12288xi32, #tpu.memory_space<hbm>> -> memref<128xi32, #tpu.memory_space<hbm>>
      tpu.enqueue_dma source(%dma_start3A_241 : memref<128xi32, #tpu.memory_space<hbm>>) target(%dma_start3A_240 : memref<128xi32, #tpu.memory_space<vmem>>) target_semaphore(%run_scoped3A_233 : memref<!tpu.dma_semaphore, #tpu.memory_space<semaphore_mem>>)
      %dma_wait3A_242 = arith.constant 0 : i32
      %dma_wait3A_243 = tpu.memref_slice %arg14[%run_scoped3A_66, %dma_wait3A_242] : memref<2x128xi32, #tpu.memory_space<vmem>> -> memref<1x128xi32, #tpu.memory_space<vmem>>
      %dma_wait3A_244 = tpu.memref_squeeze %dma_wait3A_243 : memref<1x128xi32, #tpu.memory_space<vmem>> -> memref<128xi32, #tpu.memory_space<vmem>>
      %dma_wait3A_245 = tpu.memref_slice %arg6[%add3A_65] : memref<12288xi32, #tpu.memory_space<hbm>> -> memref<128xi32, #tpu.memory_space<hbm>>
      %dma_wait3A_246 = arith.constant 0 : i32
      %dma_wait3A_247 = tpu.memref_slice %arg14[%run_scoped3A_66, %dma_wait3A_246] : memref<2x128xi32, #tpu.memory_space<vmem>> -> memref<1x128xi32, #tpu.memory_space<vmem>>
      %dma_wait3A_248 = tpu.memref_squeeze %dma_wait3A_247 : memref<1x128xi32, #tpu.memory_space<vmem>> -> memref<128xi32, #tpu.memory_space<vmem>>
      %dma_wait3A_249 = tpu.memref_slice %arg6[%add3A_65] : memref<12288xi32, #tpu.memory_space<hbm>> -> memref<128xi32, #tpu.memory_space<hbm>>
      tpu.wait_dma2 semaphore(%run_scoped3A_233 : memref<!tpu.dma_semaphore, #tpu.memory_space<semaphore_mem>>) src(%dma_wait3A_249 : memref<128xi32, #tpu.memory_space<hbm>>) dst(%dma_wait3A_248 : memref<128xi32, #tpu.memory_space<vmem>>)
      tpu.yield
    }) : () -> ()
    %dma_start3A_67 = arith.constant 0 : i32
    %dma_start3A_68 = arith.constant 0 : i32
    %dma_start3A_69 = arith.constant 0 : i32
    %dma_start3A_70 = arith.constant 0 : i32
    %dma_start3A_71 = tpu.memref_slice %arg15[%dma_start3A_68, %dma_start3A_69, %dma_start3A_70] : memref<2x128x128xbf16, #tpu.memory_space<vmem>> -> memref<1x128x128xbf16, #tpu.memory_space<vmem>>
    %dma_start3A_72 = tpu.memref_squeeze %dma_start3A_71 : memref<1x128x128xbf16, #tpu.memory_space<vmem>> -> memref<128x128xbf16, #tpu.memory_space<vmem>>
    %dma_start3A_73 = arith.constant 0 : i32
    %dma_start3A_74 = tpu.memref_slice %arg14[%dma_start3A_67, %dma_start3A_73] : memref<2x128xi32, #tpu.memory_space<vmem>> -> memref<1x128xi32, #tpu.memory_space<vmem>>
    %dma_start3A_75 = tpu.memref_squeeze %dma_start3A_74 : memref<1x128xi32, #tpu.memory_space<vmem>> -> memref<128xi32, #tpu.memory_space<vmem>>
    %dma_start3A_76 = arith.constant 0 : i32
    %dma_start3A_77 = arith.constant 0 : i32
    %dma_start3A_78 = tpu.memref_slice %arg2[%dma_start3A_76, %dma_start3A_77] : memref<50000x128xbf16, #tpu.memory_space<hbm>> -> memref<50000x128xbf16, #tpu.memory_space<hbm>>
    tpu.enqueue_indirect_dma source(%dma_start3A_78 : memref<50000x128xbf16, #tpu.memory_space<hbm>>) target(%dma_start3A_72 : memref<128x128xbf16, #tpu.memory_space<vmem>>) offsets(%dma_start3A_75 : memref<128xi32, #tpu.memory_space<vmem>>) semaphore(%arg20 : memref<!tpu.dma_semaphore, #tpu.memory_space<semaphore_mem>>)
    %dma_wait3A = arith.constant 0 : i32
    %dma_wait3A_79 = arith.constant 0 : i32
    %dma_wait3A_80 = arith.constant 0 : i32
    %dma_wait3A_81 = arith.constant 0 : i32
    %dma_wait3A_82 = tpu.memref_slice %arg15[%dma_wait3A_79, %dma_wait3A_80, %dma_wait3A_81] : memref<2x128x128xbf16, #tpu.memory_space<vmem>> -> memref<1x128x128xbf16, #tpu.memory_space<vmem>>
    %dma_wait3A_83 = tpu.memref_squeeze %dma_wait3A_82 : memref<1x128x128xbf16, #tpu.memory_space<vmem>> -> memref<128x128xbf16, #tpu.memory_space<vmem>>
    %dma_wait3A_84 = arith.constant 0 : i32
    %dma_wait3A_85 = tpu.memref_slice %arg14[%dma_wait3A, %dma_wait3A_84] : memref<2x128xi32, #tpu.memory_space<vmem>> -> memref<1x128xi32, #tpu.memory_space<vmem>>
    %dma_wait3A_86 = tpu.memref_squeeze %dma_wait3A_85 : memref<1x128xi32, #tpu.memory_space<vmem>> -> memref<128xi32, #tpu.memory_space<vmem>>
    %dma_wait3A_87 = arith.constant 0 : i32
    %dma_wait3A_88 = arith.constant 0 : i32
    %dma_wait3A_89 = tpu.memref_slice %arg2[%dma_wait3A_87, %dma_wait3A_88] : memref<50000x128xbf16, #tpu.memory_space<hbm>> -> memref<50000x128xbf16, #tpu.memory_space<hbm>>
    tpu.wait_indirect_dma semaphore(%arg20 : memref<!tpu.dma_semaphore, #tpu.memory_space<semaphore_mem>>) src(%dma_wait3A_89 : memref<50000x128xbf16, #tpu.memory_space<hbm>>) dst(%dma_wait3A_83 : memref<128x128xbf16, #tpu.memory_space<vmem>>)
    %run_scoped3A_90 = arith.constant 0 : i32
    "tpu.region"() ({
      %run_scoped3A_233 = tpu.sem_alloc : memref<!tpu.dma_semaphore, #tpu.memory_space<semaphore_mem>>
      %dma_start3A_234 = arith.constant 0 : i32
      %dma_start3A_235 = arith.constant 0 : i32
      %dma_start3A_236 = tpu.memref_slice %arg15[%run_scoped3A_90, %dma_start3A_234, %dma_start3A_235] : memref<2x128x128xbf16, #tpu.memory_space<vmem>> -> memref<1x128x128xbf16, #tpu.memory_space<vmem>>
      %dma_start3A_237 = tpu.memref_squeeze %dma_start3A_236 : memref<1x128x128xbf16, #tpu.memory_space<vmem>> -> memref<128x128xbf16, #tpu.memory_space<vmem>>
      %dma_start3A_238 = arith.constant 0 : i32
      %dma_start3A_239 = tpu.memref_slice %arg11[%add3A_65, %dma_start3A_238] : memref<12288x128xbf16, #tpu.memory_space<hbm>> -> memref<128x128xbf16, #tpu.memory_space<hbm>>
      %dma_start3A_240 = arith.constant 0 : i32
      %dma_start3A_241 = tpu.memref_slice %arg11[%add3A_65, %dma_start3A_240] : memref<12288x128xbf16, #tpu.memory_space<hbm>> -> memref<128x128xbf16, #tpu.memory_space<hbm>>
      %dma_start3A_242 = arith.constant 0 : i32
      %dma_start3A_243 = arith.constant 0 : i32
      %dma_start3A_244 = tpu.memref_slice %arg15[%run_scoped3A_90, %dma_start3A_242, %dma_start3A_243] : memref<2x128x128xbf16, #tpu.memory_space<vmem>> -> memref<1x128x128xbf16, #tpu.memory_space<vmem>>
      %dma_start3A_245 = tpu.memref_squeeze %dma_start3A_244 : memref<1x128x128xbf16, #tpu.memory_space<vmem>> -> memref<128x128xbf16, #tpu.memory_space<vmem>>
      tpu.enqueue_dma source(%dma_start3A_245 : memref<128x128xbf16, #tpu.memory_space<vmem>>) target(%dma_start3A_241 : memref<128x128xbf16, #tpu.memory_space<hbm>>) target_semaphore(%run_scoped3A_233 : memref<!tpu.dma_semaphore, #tpu.memory_space<semaphore_mem>>)
      %dma_wait3A_246 = arith.constant 0 : i32
      %dma_wait3A_247 = arith.constant 0 : i32
      %dma_wait3A_248 = tpu.memref_slice %arg15[%run_scoped3A_90, %dma_wait3A_246, %dma_wait3A_247] : memref<2x128x128xbf16, #tpu.memory_space<vmem>> -> memref<1x128x128xbf16, #tpu.memory_space<vmem>>
      %dma_wait3A_249 = tpu.memref_squeeze %dma_wait3A_248 : memref<1x128x128xbf16, #tpu.memory_space<vmem>> -> memref<128x128xbf16, #tpu.memory_space<vmem>>
      %dma_wait3A_250 = arith.constant 0 : i32
      %dma_wait3A_251 = tpu.memref_slice %arg11[%add3A_65, %dma_wait3A_250] : memref<12288x128xbf16, #tpu.memory_space<hbm>> -> memref<128x128xbf16, #tpu.memory_space<hbm>>
      %dma_wait3A_252 = arith.constant 0 : i32
      %dma_wait3A_253 = tpu.memref_slice %arg11[%add3A_65, %dma_wait3A_252] : memref<12288x128xbf16, #tpu.memory_space<hbm>> -> memref<128x128xbf16, #tpu.memory_space<hbm>>
      %dma_wait3A_254 = arith.constant 0 : i32
      %dma_wait3A_255 = arith.constant 0 : i32
      %dma_wait3A_256 = tpu.memref_slice %arg15[%run_scoped3A_90, %dma_wait3A_254, %dma_wait3A_255] : memref<2x128x128xbf16, #tpu.memory_space<vmem>> -> memref<1x128x128xbf16, #tpu.memory_space<vmem>>
      %dma_wait3A_257 = tpu.memref_squeeze %dma_wait3A_256 : memref<1x128x128xbf16, #tpu.memory_space<vmem>> -> memref<128x128xbf16, #tpu.memory_space<vmem>>
      tpu.wait_dma2 semaphore(%run_scoped3A_233 : memref<!tpu.dma_semaphore, #tpu.memory_space<semaphore_mem>>) src(%dma_wait3A_257 : memref<128x128xbf16, #tpu.memory_space<vmem>>) dst(%dma_wait3A_253 : memref<128x128xbf16, #tpu.memory_space<hbm>>)
      tpu.yield
    }) : () -> ()
    %run_scoped3A_91 = arith.constant 0 : i32
    "tpu.region"() ({
      %run_scoped3A_233 = tpu.sem_alloc : memref<!tpu.dma_semaphore, #tpu.memory_space<semaphore_mem>>
      %dma_start3A_234 = arith.constant 0 : i32
      %dma_start3A_235 = tpu.memref_slice %arg16[%run_scoped3A_91, %dma_start3A_234] : memref<2x128xi32, #tpu.memory_space<vmem>> -> memref<1x128xi32, #tpu.memory_space<vmem>>
      %dma_start3A_236 = tpu.memref_squeeze %dma_start3A_235 : memref<1x128xi32, #tpu.memory_space<vmem>> -> memref<128xi32, #tpu.memory_space<vmem>>
      %dma_start3A_237 = tpu.memref_slice %arg7[%add3A_65] : memref<12288xi32, #tpu.memory_space<hbm>> -> memref<128xi32, #tpu.memory_space<hbm>>
      %dma_start3A_238 = arith.constant 0 : i32
      %dma_start3A_239 = tpu.memref_slice %arg16[%run_scoped3A_91, %dma_start3A_238] : memref<2x128xi32, #tpu.memory_space<vmem>> -> memref<1x128xi32, #tpu.memory_space<vmem>>
      %dma_start3A_240 = tpu.memref_squeeze %dma_start3A_239 : memref<1x128xi32, #tpu.memory_space<vmem>> -> memref<128xi32, #tpu.memory_space<vmem>>
      %dma_start3A_241 = tpu.memref_slice %arg7[%add3A_65] : memref<12288xi32, #tpu.memory_space<hbm>> -> memref<128xi32, #tpu.memory_space<hbm>>
      tpu.enqueue_dma source(%dma_start3A_241 : memref<128xi32, #tpu.memory_space<hbm>>) target(%dma_start3A_240 : memref<128xi32, #tpu.memory_space<vmem>>) target_semaphore(%run_scoped3A_233 : memref<!tpu.dma_semaphore, #tpu.memory_space<semaphore_mem>>)
      %dma_wait3A_242 = arith.constant 0 : i32
      %dma_wait3A_243 = tpu.memref_slice %arg16[%run_scoped3A_91, %dma_wait3A_242] : memref<2x128xi32, #tpu.memory_space<vmem>> -> memref<1x128xi32, #tpu.memory_space<vmem>>
      %dma_wait3A_244 = tpu.memref_squeeze %dma_wait3A_243 : memref<1x128xi32, #tpu.memory_space<vmem>> -> memref<128xi32, #tpu.memory_space<vmem>>
      %dma_wait3A_245 = tpu.memref_slice %arg7[%add3A_65] : memref<12288xi32, #tpu.memory_space<hbm>> -> memref<128xi32, #tpu.memory_space<hbm>>
      %dma_wait3A_246 = arith.constant 0 : i32
      %dma_wait3A_247 = tpu.memref_slice %arg16[%run_scoped3A_91, %dma_wait3A_246] : memref<2x128xi32, #tpu.memory_space<vmem>> -> memref<1x128xi32, #tpu.memory_space<vmem>>
      %dma_wait3A_248 = tpu.memref_squeeze %dma_wait3A_247 : memref<1x128xi32, #tpu.memory_space<vmem>> -> memref<128xi32, #tpu.memory_space<vmem>>
      %dma_wait3A_249 = tpu.memref_slice %arg7[%add3A_65] : memref<12288xi32, #tpu.memory_space<hbm>> -> memref<128xi32, #tpu.memory_space<hbm>>
      tpu.wait_dma2 semaphore(%run_scoped3A_233 : memref<!tpu.dma_semaphore, #tpu.memory_space<semaphore_mem>>) src(%dma_wait3A_249 : memref<128xi32, #tpu.memory_space<hbm>>) dst(%dma_wait3A_248 : memref<128xi32, #tpu.memory_space<vmem>>)
      tpu.yield
    }) : () -> ()
    %dma_start3A_92 = arith.constant 0 : i32
    %dma_start3A_93 = arith.constant 0 : i32
    %dma_start3A_94 = arith.constant 0 : i32
    %dma_start3A_95 = arith.constant 0 : i32
    %dma_start3A_96 = tpu.memref_slice %arg17[%dma_start3A_93, %dma_start3A_94, %dma_start3A_95] : memref<2x128x16xf32, #tpu.memory_space<vmem>> -> memref<1x128x16xf32, #tpu.memory_space<vmem>>
    %dma_start3A_97 = tpu.memref_squeeze %dma_start3A_96 : memref<1x128x16xf32, #tpu.memory_space<vmem>> -> memref<128x16xf32, #tpu.memory_space<vmem>>
    %dma_start3A_98 = arith.constant 0 : i32
    %dma_start3A_99 = tpu.memref_slice %arg16[%dma_start3A_92, %dma_start3A_98] : memref<2x128xi32, #tpu.memory_space<vmem>> -> memref<1x128xi32, #tpu.memory_space<vmem>>
    %dma_start3A_100 = tpu.memref_squeeze %dma_start3A_99 : memref<1x128xi32, #tpu.memory_space<vmem>> -> memref<128xi32, #tpu.memory_space<vmem>>
    %dma_start3A_101 = arith.constant 0 : i32
    %dma_start3A_102 = arith.constant 0 : i32
    %dma_start3A_103 = tpu.memref_slice %arg3[%dma_start3A_101, %dma_start3A_102] : memref<800000x16xf32, #tpu.memory_space<hbm>> -> memref<800000x16xf32, #tpu.memory_space<hbm>>
    tpu.enqueue_indirect_dma source(%dma_start3A_103 : memref<800000x16xf32, #tpu.memory_space<hbm>>) target(%dma_start3A_97 : memref<128x16xf32, #tpu.memory_space<vmem>>) offsets(%dma_start3A_100 : memref<128xi32, #tpu.memory_space<vmem>>) semaphore(%arg21 : memref<!tpu.dma_semaphore, #tpu.memory_space<semaphore_mem>>)
    %dma_wait3A_104 = arith.constant 0 : i32
    %dma_wait3A_105 = arith.constant 0 : i32
    %dma_wait3A_106 = arith.constant 0 : i32
    %dma_wait3A_107 = arith.constant 0 : i32
    %dma_wait3A_108 = tpu.memref_slice %arg17[%dma_wait3A_105, %dma_wait3A_106, %dma_wait3A_107] : memref<2x128x16xf32, #tpu.memory_space<vmem>> -> memref<1x128x16xf32, #tpu.memory_space<vmem>>
    %dma_wait3A_109 = tpu.memref_squeeze %dma_wait3A_108 : memref<1x128x16xf32, #tpu.memory_space<vmem>> -> memref<128x16xf32, #tpu.memory_space<vmem>>
    %dma_wait3A_110 = arith.constant 0 : i32
    %dma_wait3A_111 = tpu.memref_slice %arg16[%dma_wait3A_104, %dma_wait3A_110] : memref<2x128xi32, #tpu.memory_space<vmem>> -> memref<1x128xi32, #tpu.memory_space<vmem>>
    %dma_wait3A_112 = tpu.memref_squeeze %dma_wait3A_111 : memref<1x128xi32, #tpu.memory_space<vmem>> -> memref<128xi32, #tpu.memory_space<vmem>>
    %dma_wait3A_113 = arith.constant 0 : i32
    %dma_wait3A_114 = arith.constant 0 : i32
    %dma_wait3A_115 = tpu.memref_slice %arg3[%dma_wait3A_113, %dma_wait3A_114] : memref<800000x16xf32, #tpu.memory_space<hbm>> -> memref<800000x16xf32, #tpu.memory_space<hbm>>
    tpu.wait_indirect_dma semaphore(%arg21 : memref<!tpu.dma_semaphore, #tpu.memory_space<semaphore_mem>>) src(%dma_wait3A_115 : memref<800000x16xf32, #tpu.memory_space<hbm>>) dst(%dma_wait3A_109 : memref<128x16xf32, #tpu.memory_space<vmem>>)
    %run_scoped3A_116 = arith.constant 0 : i32
    "tpu.region"() ({
      %run_scoped3A_233 = tpu.sem_alloc : memref<!tpu.dma_semaphore, #tpu.memory_space<semaphore_mem>>
      %dma_start3A_234 = arith.constant 0 : i32
      %dma_start3A_235 = arith.constant 0 : i32
      %dma_start3A_236 = tpu.memref_slice %arg17[%run_scoped3A_116, %dma_start3A_234, %dma_start3A_235] : memref<2x128x16xf32, #tpu.memory_space<vmem>> -> memref<1x128x16xf32, #tpu.memory_space<vmem>>
      %dma_start3A_237 = tpu.memref_squeeze %dma_start3A_236 : memref<1x128x16xf32, #tpu.memory_space<vmem>> -> memref<128x16xf32, #tpu.memory_space<vmem>>
      %dma_start3A_238 = arith.constant 0 : i32
      %dma_start3A_239 = tpu.memref_slice %arg12[%add3A_65, %dma_start3A_238] : memref<12288x16xf32, #tpu.memory_space<hbm>> -> memref<128x16xf32, #tpu.memory_space<hbm>>
      %dma_start3A_240 = arith.constant 0 : i32
      %dma_start3A_241 = tpu.memref_slice %arg12[%add3A_65, %dma_start3A_240] : memref<12288x16xf32, #tpu.memory_space<hbm>> -> memref<128x16xf32, #tpu.memory_space<hbm>>
      %dma_start3A_242 = arith.constant 0 : i32
      %dma_start3A_243 = arith.constant 0 : i32
      %dma_start3A_244 = tpu.memref_slice %arg17[%run_scoped3A_116, %dma_start3A_242, %dma_start3A_243] : memref<2x128x16xf32, #tpu.memory_space<vmem>> -> memref<1x128x16xf32, #tpu.memory_space<vmem>>
      %dma_start3A_245 = tpu.memref_squeeze %dma_start3A_244 : memref<1x128x16xf32, #tpu.memory_space<vmem>> -> memref<128x16xf32, #tpu.memory_space<vmem>>
      tpu.enqueue_dma source(%dma_start3A_245 : memref<128x16xf32, #tpu.memory_space<vmem>>) target(%dma_start3A_241 : memref<128x16xf32, #tpu.memory_space<hbm>>) target_semaphore(%run_scoped3A_233 : memref<!tpu.dma_semaphore, #tpu.memory_space<semaphore_mem>>)
      %dma_wait3A_246 = arith.constant 0 : i32
      %dma_wait3A_247 = arith.constant 0 : i32
      %dma_wait3A_248 = tpu.memref_slice %arg17[%run_scoped3A_116, %dma_wait3A_246, %dma_wait3A_247] : memref<2x128x16xf32, #tpu.memory_space<vmem>> -> memref<1x128x16xf32, #tpu.memory_space<vmem>>
      %dma_wait3A_249 = tpu.memref_squeeze %dma_wait3A_248 : memref<1x128x16xf32, #tpu.memory_space<vmem>> -> memref<128x16xf32, #tpu.memory_space<vmem>>
      %dma_wait3A_250 = arith.constant 0 : i32
      %dma_wait3A_251 = tpu.memref_slice %arg12[%add3A_65, %dma_wait3A_250] : memref<12288x16xf32, #tpu.memory_space<hbm>> -> memref<128x16xf32, #tpu.memory_space<hbm>>
      %dma_wait3A_252 = arith.constant 0 : i32
      %dma_wait3A_253 = tpu.memref_slice %arg12[%add3A_65, %dma_wait3A_252] : memref<12288x16xf32, #tpu.memory_space<hbm>> -> memref<128x16xf32, #tpu.memory_space<hbm>>
      %dma_wait3A_254 = arith.constant 0 : i32
      %dma_wait3A_255 = arith.constant 0 : i32
      %dma_wait3A_256 = tpu.memref_slice %arg17[%run_scoped3A_116, %dma_wait3A_254, %dma_wait3A_255] : memref<2x128x16xf32, #tpu.memory_space<vmem>> -> memref<1x128x16xf32, #tpu.memory_space<vmem>>
      %dma_wait3A_257 = tpu.memref_squeeze %dma_wait3A_256 : memref<1x128x16xf32, #tpu.memory_space<vmem>> -> memref<128x16xf32, #tpu.memory_space<vmem>>
      tpu.wait_dma2 semaphore(%run_scoped3A_233 : memref<!tpu.dma_semaphore, #tpu.memory_space<semaphore_mem>>) src(%dma_wait3A_257 : memref<128x16xf32, #tpu.memory_space<vmem>>) dst(%dma_wait3A_253 : memref<128x16xf32, #tpu.memory_space<hbm>>)
      tpu.yield
    }) : () -> ()
    %add3A_117 = arith.constant 128 : i32
    %add3A_118 = arith.addi %mul3A_63, %add3A_117 : i32
    %run_scoped3A_119 = arith.constant 0 : i32
    "tpu.region"() ({
      %run_scoped3A_233 = tpu.sem_alloc : memref<!tpu.dma_semaphore, #tpu.memory_space<semaphore_mem>>
      %dma_start3A_234 = arith.constant 0 : i32
      %dma_start3A_235 = tpu.memref_slice %arg14[%run_scoped3A_119, %dma_start3A_234] : memref<2x128xi32, #tpu.memory_space<vmem>> -> memref<1x128xi32, #tpu.memory_space<vmem>>
      %dma_start3A_236 = tpu.memref_squeeze %dma_start3A_235 : memref<1x128xi32, #tpu.memory_space<vmem>> -> memref<128xi32, #tpu.memory_space<vmem>>
      %dma_start3A_237 = tpu.memref_slice %arg6[%add3A_118] : memref<12288xi32, #tpu.memory_space<hbm>> -> memref<128xi32, #tpu.memory_space<hbm>>
      %dma_start3A_238 = arith.constant 0 : i32
      %dma_start3A_239 = tpu.memref_slice %arg14[%run_scoped3A_119, %dma_start3A_238] : memref<2x128xi32, #tpu.memory_space<vmem>> -> memref<1x128xi32, #tpu.memory_space<vmem>>
      %dma_start3A_240 = tpu.memref_squeeze %dma_start3A_239 : memref<1x128xi32, #tpu.memory_space<vmem>> -> memref<128xi32, #tpu.memory_space<vmem>>
      %dma_start3A_241 = tpu.memref_slice %arg6[%add3A_118] : memref<12288xi32, #tpu.memory_space<hbm>> -> memref<128xi32, #tpu.memory_space<hbm>>
      tpu.enqueue_dma source(%dma_start3A_241 : memref<128xi32, #tpu.memory_space<hbm>>) target(%dma_start3A_240 : memref<128xi32, #tpu.memory_space<vmem>>) target_semaphore(%run_scoped3A_233 : memref<!tpu.dma_semaphore, #tpu.memory_space<semaphore_mem>>)
      %dma_wait3A_242 = arith.constant 0 : i32
      %dma_wait3A_243 = tpu.memref_slice %arg14[%run_scoped3A_119, %dma_wait3A_242] : memref<2x128xi32, #tpu.memory_space<vmem>> -> memref<1x128xi32, #tpu.memory_space<vmem>>
      %dma_wait3A_244 = tpu.memref_squeeze %dma_wait3A_243 : memref<1x128xi32, #tpu.memory_space<vmem>> -> memref<128xi32, #tpu.memory_space<vmem>>
      %dma_wait3A_245 = tpu.memref_slice %arg6[%add3A_118] : memref<12288xi32, #tpu.memory_space<hbm>> -> memref<128xi32, #tpu.memory_space<hbm>>
      %dma_wait3A_246 = arith.constant 0 : i32
      %dma_wait3A_247 = tpu.memref_slice %arg14[%run_scoped3A_119, %dma_wait3A_246] : memref<2x128xi32, #tpu.memory_space<vmem>> -> memref<1x128xi32, #tpu.memory_space<vmem>>
      %dma_wait3A_248 = tpu.memref_squeeze %dma_wait3A_247 : memref<1x128xi32, #tpu.memory_space<vmem>> -> memref<128xi32, #tpu.memory_space<vmem>>
      %dma_wait3A_249 = tpu.memref_slice %arg6[%add3A_118] : memref<12288xi32, #tpu.memory_space<hbm>> -> memref<128xi32, #tpu.memory_space<hbm>>
      tpu.wait_dma2 semaphore(%run_scoped3A_233 : memref<!tpu.dma_semaphore, #tpu.memory_space<semaphore_mem>>) src(%dma_wait3A_249 : memref<128xi32, #tpu.memory_space<hbm>>) dst(%dma_wait3A_248 : memref<128xi32, #tpu.memory_space<vmem>>)
      tpu.yield
    }) : () -> ()
    %dma_start3A_120 = arith.constant 0 : i32
    %dma_start3A_121 = arith.constant 0 : i32
    %dma_start3A_122 = arith.constant 0 : i32
    %dma_start3A_123 = arith.constant 0 : i32
    %dma_start3A_124 = tpu.memref_slice %arg15[%dma_start3A_121, %dma_start3A_122, %dma_start3A_123] : memref<2x128x128xbf16, #tpu.memory_space<vmem>> -> memref<1x128x128xbf16, #tpu.memory_space<vmem>>
    %dma_start3A_125 = tpu.memref_squeeze %dma_start3A_124 : memref<1x128x128xbf16, #tpu.memory_space<vmem>> -> memref<128x128xbf16, #tpu.memory_space<vmem>>
    %dma_start3A_126 = arith.constant 0 : i32
    %dma_start3A_127 = tpu.memref_slice %arg14[%dma_start3A_120, %dma_start3A_126] : memref<2x128xi32, #tpu.memory_space<vmem>> -> memref<1x128xi32, #tpu.memory_space<vmem>>
    %dma_start3A_128 = tpu.memref_squeeze %dma_start3A_127 : memref<1x128xi32, #tpu.memory_space<vmem>> -> memref<128xi32, #tpu.memory_space<vmem>>
    %dma_start3A_129 = arith.constant 0 : i32
    %dma_start3A_130 = arith.constant 0 : i32
    %dma_start3A_131 = tpu.memref_slice %arg2[%dma_start3A_129, %dma_start3A_130] : memref<50000x128xbf16, #tpu.memory_space<hbm>> -> memref<50000x128xbf16, #tpu.memory_space<hbm>>
    tpu.enqueue_indirect_dma source(%dma_start3A_131 : memref<50000x128xbf16, #tpu.memory_space<hbm>>) target(%dma_start3A_125 : memref<128x128xbf16, #tpu.memory_space<vmem>>) offsets(%dma_start3A_128 : memref<128xi32, #tpu.memory_space<vmem>>) semaphore(%arg20 : memref<!tpu.dma_semaphore, #tpu.memory_space<semaphore_mem>>)
    %dma_wait3A_132 = arith.constant 0 : i32
    %dma_wait3A_133 = arith.constant 0 : i32
    %dma_wait3A_134 = arith.constant 0 : i32
    %dma_wait3A_135 = arith.constant 0 : i32
    %dma_wait3A_136 = tpu.memref_slice %arg15[%dma_wait3A_133, %dma_wait3A_134, %dma_wait3A_135] : memref<2x128x128xbf16, #tpu.memory_space<vmem>> -> memref<1x128x128xbf16, #tpu.memory_space<vmem>>
    %dma_wait3A_137 = tpu.memref_squeeze %dma_wait3A_136 : memref<1x128x128xbf16, #tpu.memory_space<vmem>> -> memref<128x128xbf16, #tpu.memory_space<vmem>>
    %dma_wait3A_138 = arith.constant 0 : i32
    %dma_wait3A_139 = tpu.memref_slice %arg14[%dma_wait3A_132, %dma_wait3A_138] : memref<2x128xi32, #tpu.memory_space<vmem>> -> memref<1x128xi32, #tpu.memory_space<vmem>>
    %dma_wait3A_140 = tpu.memref_squeeze %dma_wait3A_139 : memref<1x128xi32, #tpu.memory_space<vmem>> -> memref<128xi32, #tpu.memory_space<vmem>>
    %dma_wait3A_141 = arith.constant 0 : i32
    %dma_wait3A_142 = arith.constant 0 : i32
    %dma_wait3A_143 = tpu.memref_slice %arg2[%dma_wait3A_141, %dma_wait3A_142] : memref<50000x128xbf16, #tpu.memory_space<hbm>> -> memref<50000x128xbf16, #tpu.memory_space<hbm>>
    tpu.wait_indirect_dma semaphore(%arg20 : memref<!tpu.dma_semaphore, #tpu.memory_space<semaphore_mem>>) src(%dma_wait3A_143 : memref<50000x128xbf16, #tpu.memory_space<hbm>>) dst(%dma_wait3A_137 : memref<128x128xbf16, #tpu.memory_space<vmem>>)
    %run_scoped3A_144 = arith.constant 0 : i32
    "tpu.region"() ({
      %run_scoped3A_233 = tpu.sem_alloc : memref<!tpu.dma_semaphore, #tpu.memory_space<semaphore_mem>>
      %dma_start3A_234 = arith.constant 0 : i32
      %dma_start3A_235 = arith.constant 0 : i32
      %dma_start3A_236 = tpu.memref_slice %arg15[%run_scoped3A_144, %dma_start3A_234, %dma_start3A_235] : memref<2x128x128xbf16, #tpu.memory_space<vmem>> -> memref<1x128x128xbf16, #tpu.memory_space<vmem>>
      %dma_start3A_237 = tpu.memref_squeeze %dma_start3A_236 : memref<1x128x128xbf16, #tpu.memory_space<vmem>> -> memref<128x128xbf16, #tpu.memory_space<vmem>>
      %dma_start3A_238 = arith.constant 0 : i32
      %dma_start3A_239 = tpu.memref_slice %arg11[%add3A_118, %dma_start3A_238] : memref<12288x128xbf16, #tpu.memory_space<hbm>> -> memref<128x128xbf16, #tpu.memory_space<hbm>>
      %dma_start3A_240 = arith.constant 0 : i32
      %dma_start3A_241 = tpu.memref_slice %arg11[%add3A_118, %dma_start3A_240] : memref<12288x128xbf16, #tpu.memory_space<hbm>> -> memref<128x128xbf16, #tpu.memory_space<hbm>>
      %dma_start3A_242 = arith.constant 0 : i32
      %dma_start3A_243 = arith.constant 0 : i32
      %dma_start3A_244 = tpu.memref_slice %arg15[%run_scoped3A_144, %dma_start3A_242, %dma_start3A_243] : memref<2x128x128xbf16, #tpu.memory_space<vmem>> -> memref<1x128x128xbf16, #tpu.memory_space<vmem>>
      %dma_start3A_245 = tpu.memref_squeeze %dma_start3A_244 : memref<1x128x128xbf16, #tpu.memory_space<vmem>> -> memref<128x128xbf16, #tpu.memory_space<vmem>>
      tpu.enqueue_dma source(%dma_start3A_245 : memref<128x128xbf16, #tpu.memory_space<vmem>>) target(%dma_start3A_241 : memref<128x128xbf16, #tpu.memory_space<hbm>>) target_semaphore(%run_scoped3A_233 : memref<!tpu.dma_semaphore, #tpu.memory_space<semaphore_mem>>)
      %dma_wait3A_246 = arith.constant 0 : i32
      %dma_wait3A_247 = arith.constant 0 : i32
      %dma_wait3A_248 = tpu.memref_slice %arg15[%run_scoped3A_144, %dma_wait3A_246, %dma_wait3A_247] : memref<2x128x128xbf16, #tpu.memory_space<vmem>> -> memref<1x128x128xbf16, #tpu.memory_space<vmem>>
      %dma_wait3A_249 = tpu.memref_squeeze %dma_wait3A_248 : memref<1x128x128xbf16, #tpu.memory_space<vmem>> -> memref<128x128xbf16, #tpu.memory_space<vmem>>
      %dma_wait3A_250 = arith.constant 0 : i32
      %dma_wait3A_251 = tpu.memref_slice %arg11[%add3A_118, %dma_wait3A_250] : memref<12288x128xbf16, #tpu.memory_space<hbm>> -> memref<128x128xbf16, #tpu.memory_space<hbm>>
      %dma_wait3A_252 = arith.constant 0 : i32
      %dma_wait3A_253 = tpu.memref_slice %arg11[%add3A_118, %dma_wait3A_252] : memref<12288x128xbf16, #tpu.memory_space<hbm>> -> memref<128x128xbf16, #tpu.memory_space<hbm>>
      %dma_wait3A_254 = arith.constant 0 : i32
      %dma_wait3A_255 = arith.constant 0 : i32
      %dma_wait3A_256 = tpu.memref_slice %arg15[%run_scoped3A_144, %dma_wait3A_254, %dma_wait3A_255] : memref<2x128x128xbf16, #tpu.memory_space<vmem>> -> memref<1x128x128xbf16, #tpu.memory_space<vmem>>
      %dma_wait3A_257 = tpu.memref_squeeze %dma_wait3A_256 : memref<1x128x128xbf16, #tpu.memory_space<vmem>> -> memref<128x128xbf16, #tpu.memory_space<vmem>>
      tpu.wait_dma2 semaphore(%run_scoped3A_233 : memref<!tpu.dma_semaphore, #tpu.memory_space<semaphore_mem>>) src(%dma_wait3A_257 : memref<128x128xbf16, #tpu.memory_space<vmem>>) dst(%dma_wait3A_253 : memref<128x128xbf16, #tpu.memory_space<hbm>>)
      tpu.yield
    }) : () -> ()
    %run_scoped3A_145 = arith.constant 0 : i32
    "tpu.region"() ({
      %run_scoped3A_233 = tpu.sem_alloc : memref<!tpu.dma_semaphore, #tpu.memory_space<semaphore_mem>>
      %dma_start3A_234 = arith.constant 0 : i32
      %dma_start3A_235 = tpu.memref_slice %arg16[%run_scoped3A_145, %dma_start3A_234] : memref<2x128xi32, #tpu.memory_space<vmem>> -> memref<1x128xi32, #tpu.memory_space<vmem>>
      %dma_start3A_236 = tpu.memref_squeeze %dma_start3A_235 : memref<1x128xi32, #tpu.memory_space<vmem>> -> memref<128xi32, #tpu.memory_space<vmem>>
      %dma_start3A_237 = tpu.memref_slice %arg7[%add3A_118] : memref<12288xi32, #tpu.memory_space<hbm>> -> memref<128xi32, #tpu.memory_space<hbm>>
      %dma_start3A_238 = arith.constant 0 : i32
      %dma_start3A_239 = tpu.memref_slice %arg16[%run_scoped3A_145, %dma_start3A_238] : memref<2x128xi32, #tpu.memory_space<vmem>> -> memref<1x128xi32, #tpu.memory_space<vmem>>
      %dma_start3A_240 = tpu.memref_squeeze %dma_start3A_239 : memref<1x128xi32, #tpu.memory_space<vmem>> -> memref<128xi32, #tpu.memory_space<vmem>>
      %dma_start3A_241 = tpu.memref_slice %arg7[%add3A_118] : memref<12288xi32, #tpu.memory_space<hbm>> -> memref<128xi32, #tpu.memory_space<hbm>>
      tpu.enqueue_dma source(%dma_start3A_241 : memref<128xi32, #tpu.memory_space<hbm>>) target(%dma_start3A_240 : memref<128xi32, #tpu.memory_space<vmem>>) target_semaphore(%run_scoped3A_233 : memref<!tpu.dma_semaphore, #tpu.memory_space<semaphore_mem>>)
      %dma_wait3A_242 = arith.constant 0 : i32
      %dma_wait3A_243 = tpu.memref_slice %arg16[%run_scoped3A_145, %dma_wait3A_242] : memref<2x128xi32, #tpu.memory_space<vmem>> -> memref<1x128xi32, #tpu.memory_space<vmem>>
      %dma_wait3A_244 = tpu.memref_squeeze %dma_wait3A_243 : memref<1x128xi32, #tpu.memory_space<vmem>> -> memref<128xi32, #tpu.memory_space<vmem>>
      %dma_wait3A_245 = tpu.memref_slice %arg7[%add3A_118] : memref<12288xi32, #tpu.memory_space<hbm>> -> memref<128xi32, #tpu.memory_space<hbm>>
      %dma_wait3A_246 = arith.constant 0 : i32
      %dma_wait3A_247 = tpu.memref_slice %arg16[%run_scoped3A_145, %dma_wait3A_246] : memref<2x128xi32, #tpu.memory_space<vmem>> -> memref<1x128xi32, #tpu.memory_space<vmem>>
      %dma_wait3A_248 = tpu.memref_squeeze %dma_wait3A_247 : memref<1x128xi32, #tpu.memory_space<vmem>> -> memref<128xi32, #tpu.memory_space<vmem>>
      %dma_wait3A_249 = tpu.memref_slice %arg7[%add3A_118] : memref<12288xi32, #tpu.memory_space<hbm>> -> memref<128xi32, #tpu.memory_space<hbm>>
      tpu.wait_dma2 semaphore(%run_scoped3A_233 : memref<!tpu.dma_semaphore, #tpu.memory_space<semaphore_mem>>) src(%dma_wait3A_249 : memref<128xi32, #tpu.memory_space<hbm>>) dst(%dma_wait3A_248 : memref<128xi32, #tpu.memory_space<vmem>>)
      tpu.yield
    }) : () -> ()
    %dma_start3A_146 = arith.constant 0 : i32
    %dma_start3A_147 = arith.constant 0 : i32
    %dma_start3A_148 = arith.constant 0 : i32
    %dma_start3A_149 = arith.constant 0 : i32
    %dma_start3A_150 = tpu.memref_slice %arg17[%dma_start3A_147, %dma_start3A_148, %dma_start3A_149] : memref<2x128x16xf32, #tpu.memory_space<vmem>> -> memref<1x128x16xf32, #tpu.memory_space<vmem>>
    %dma_start3A_151 = tpu.memref_squeeze %dma_start3A_150 : memref<1x128x16xf32, #tpu.memory_space<vmem>> -> memref<128x16xf32, #tpu.memory_space<vmem>>
    %dma_start3A_152 = arith.constant 0 : i32
    %dma_start3A_153 = tpu.memref_slice %arg16[%dma_start3A_146, %dma_start3A_152] : memref<2x128xi32, #tpu.memory_space<vmem>> -> memref<1x128xi32, #tpu.memory_space<vmem>>
    %dma_start3A_154 = tpu.memref_squeeze %dma_start3A_153 : memref<1x128xi32, #tpu.memory_space<vmem>> -> memref<128xi32, #tpu.memory_space<vmem>>
    %dma_start3A_155 = arith.constant 0 : i32
    %dma_start3A_156 = arith.constant 0 : i32
    %dma_start3A_157 = tpu.memref_slice %arg3[%dma_start3A_155, %dma_start3A_156] : memref<800000x16xf32, #tpu.memory_space<hbm>> -> memref<800000x16xf32, #tpu.memory_space<hbm>>
    tpu.enqueue_indirect_dma source(%dma_start3A_157 : memref<800000x16xf32, #tpu.memory_space<hbm>>) target(%dma_start3A_151 : memref<128x16xf32, #tpu.memory_space<vmem>>) offsets(%dma_start3A_154 : memref<128xi32, #tpu.memory_space<vmem>>) semaphore(%arg21 : memref<!tpu.dma_semaphore, #tpu.memory_space<semaphore_mem>>)
    %dma_wait3A_158 = arith.constant 0 : i32
    %dma_wait3A_159 = arith.constant 0 : i32
    %dma_wait3A_160 = arith.constant 0 : i32
    %dma_wait3A_161 = arith.constant 0 : i32
    %dma_wait3A_162 = tpu.memref_slice %arg17[%dma_wait3A_159, %dma_wait3A_160, %dma_wait3A_161] : memref<2x128x16xf32, #tpu.memory_space<vmem>> -> memref<1x128x16xf32, #tpu.memory_space<vmem>>
    %dma_wait3A_163 = tpu.memref_squeeze %dma_wait3A_162 : memref<1x128x16xf32, #tpu.memory_space<vmem>> -> memref<128x16xf32, #tpu.memory_space<vmem>>
    %dma_wait3A_164 = arith.constant 0 : i32
    %dma_wait3A_165 = tpu.memref_slice %arg16[%dma_wait3A_158, %dma_wait3A_164] : memref<2x128xi32, #tpu.memory_space<vmem>> -> memref<1x128xi32, #tpu.memory_space<vmem>>
    %dma_wait3A_166 = tpu.memref_squeeze %dma_wait3A_165 : memref<1x128xi32, #tpu.memory_space<vmem>> -> memref<128xi32, #tpu.memory_space<vmem>>
    %dma_wait3A_167 = arith.constant 0 : i32
    %dma_wait3A_168 = arith.constant 0 : i32
    %dma_wait3A_169 = tpu.memref_slice %arg3[%dma_wait3A_167, %dma_wait3A_168] : memref<800000x16xf32, #tpu.memory_space<hbm>> -> memref<800000x16xf32, #tpu.memory_space<hbm>>
    tpu.wait_indirect_dma semaphore(%arg21 : memref<!tpu.dma_semaphore, #tpu.memory_space<semaphore_mem>>) src(%dma_wait3A_169 : memref<800000x16xf32, #tpu.memory_space<hbm>>) dst(%dma_wait3A_163 : memref<128x16xf32, #tpu.memory_space<vmem>>)
    %run_scoped3A_170 = arith.constant 0 : i32
    "tpu.region"() ({
      %run_scoped3A_233 = tpu.sem_alloc : memref<!tpu.dma_semaphore, #tpu.memory_space<semaphore_mem>>
      %dma_start3A_234 = arith.constant 0 : i32
      %dma_start3A_235 = arith.constant 0 : i32
      %dma_start3A_236 = tpu.memref_slice %arg17[%run_scoped3A_170, %dma_start3A_234, %dma_start3A_235] : memref<2x128x16xf32, #tpu.memory_space<vmem>> -> memref<1x128x16xf32, #tpu.memory_space<vmem>>
      %dma_start3A_237 = tpu.memref_squeeze %dma_start3A_236 : memref<1x128x16xf32, #tpu.memory_space<vmem>> -> memref<128x16xf32, #tpu.memory_space<vmem>>
      %dma_start3A_238 = arith.constant 0 : i32
      %dma_start3A_239 = tpu.memref_slice %arg12[%add3A_118, %dma_start3A_238] : memref<12288x16xf32, #tpu.memory_space<hbm>> -> memref<128x16xf32, #tpu.memory_space<hbm>>
      %dma_start3A_240 = arith.constant 0 : i32
      %dma_start3A_241 = tpu.memref_slice %arg12[%add3A_118, %dma_start3A_240] : memref<12288x16xf32, #tpu.memory_space<hbm>> -> memref<128x16xf32, #tpu.memory_space<hbm>>
      %dma_start3A_242 = arith.constant 0 : i32
      %dma_start3A_243 = arith.constant 0 : i32
      %dma_start3A_244 = tpu.memref_slice %arg17[%run_scoped3A_170, %dma_start3A_242, %dma_start3A_243] : memref<2x128x16xf32, #tpu.memory_space<vmem>> -> memref<1x128x16xf32, #tpu.memory_space<vmem>>
      %dma_start3A_245 = tpu.memref_squeeze %dma_start3A_244 : memref<1x128x16xf32, #tpu.memory_space<vmem>> -> memref<128x16xf32, #tpu.memory_space<vmem>>
      tpu.enqueue_dma source(%dma_start3A_245 : memref<128x16xf32, #tpu.memory_space<vmem>>) target(%dma_start3A_241 : memref<128x16xf32, #tpu.memory_space<hbm>>) target_semaphore(%run_scoped3A_233 : memref<!tpu.dma_semaphore, #tpu.memory_space<semaphore_mem>>)
      %dma_wait3A_246 = arith.constant 0 : i32
      %dma_wait3A_247 = arith.constant 0 : i32
      %dma_wait3A_248 = tpu.memref_slice %arg17[%run_scoped3A_170, %dma_wait3A_246, %dma_wait3A_247] : memref<2x128x16xf32, #tpu.memory_space<vmem>> -> memref<1x128x16xf32, #tpu.memory_space<vmem>>
      %dma_wait3A_249 = tpu.memref_squeeze %dma_wait3A_248 : memref<1x128x16xf32, #tpu.memory_space<vmem>> -> memref<128x16xf32, #tpu.memory_space<vmem>>
      %dma_wait3A_250 = arith.constant 0 : i32
      %dma_wait3A_251 = tpu.memref_slice %arg12[%add3A_118, %dma_wait3A_250] : memref<12288x16xf32, #tpu.memory_space<hbm>> -> memref<128x16xf32, #tpu.memory_space<hbm>>
      %dma_wait3A_252 = arith.constant 0 : i32
      %dma_wait3A_253 = tpu.memref_slice %arg12[%add3A_118, %dma_wait3A_252] : memref<12288x16xf32, #tpu.memory_space<hbm>> -> memref<128x16xf32, #tpu.memory_space<hbm>>
      %dma_wait3A_254 = arith.constant 0 : i32
      %dma_wait3A_255 = arith.constant 0 : i32
      %dma_wait3A_256 = tpu.memref_slice %arg17[%run_scoped3A_170, %dma_wait3A_254, %dma_wait3A_255] : memref<2x128x16xf32, #tpu.memory_space<vmem>> -> memref<1x128x16xf32, #tpu.memory_space<vmem>>
      %dma_wait3A_257 = tpu.memref_squeeze %dma_wait3A_256 : memref<1x128x16xf32, #tpu.memory_space<vmem>> -> memref<128x16xf32, #tpu.memory_space<vmem>>
      tpu.wait_dma2 semaphore(%run_scoped3A_233 : memref<!tpu.dma_semaphore, #tpu.memory_space<semaphore_mem>>) src(%dma_wait3A_257 : memref<128x16xf32, #tpu.memory_space<vmem>>) dst(%dma_wait3A_253 : memref<128x16xf32, #tpu.memory_space<hbm>>)
      tpu.yield
    }) : () -> ()
    %add3A_171 = arith.constant 256 : i32
    %add3A_172 = arith.addi %mul3A_63, %add3A_171 : i32
    %run_scoped3A_173 = arith.constant 0 : i32
    "tpu.region"() ({
      %run_scoped3A_233 = tpu.sem_alloc : memref<!tpu.dma_semaphore, #tpu.memory_space<semaphore_mem>>
      %dma_start3A_234 = arith.constant 0 : i32
      %dma_start3A_235 = tpu.memref_slice %arg14[%run_scoped3A_173, %dma_start3A_234] : memref<2x128xi32, #tpu.memory_space<vmem>> -> memref<1x128xi32, #tpu.memory_space<vmem>>
      %dma_start3A_236 = tpu.memref_squeeze %dma_start3A_235 : memref<1x128xi32, #tpu.memory_space<vmem>> -> memref<128xi32, #tpu.memory_space<vmem>>
      %dma_start3A_237 = tpu.memref_slice %arg6[%add3A_172] : memref<12288xi32, #tpu.memory_space<hbm>> -> memref<128xi32, #tpu.memory_space<hbm>>
      %dma_start3A_238 = arith.constant 0 : i32
      %dma_start3A_239 = tpu.memref_slice %arg14[%run_scoped3A_173, %dma_start3A_238] : memref<2x128xi32, #tpu.memory_space<vmem>> -> memref<1x128xi32, #tpu.memory_space<vmem>>
      %dma_start3A_240 = tpu.memref_squeeze %dma_start3A_239 : memref<1x128xi32, #tpu.memory_space<vmem>> -> memref<128xi32, #tpu.memory_space<vmem>>
      %dma_start3A_241 = tpu.memref_slice %arg6[%add3A_172] : memref<12288xi32, #tpu.memory_space<hbm>> -> memref<128xi32, #tpu.memory_space<hbm>>
      tpu.enqueue_dma source(%dma_start3A_241 : memref<128xi32, #tpu.memory_space<hbm>>) target(%dma_start3A_240 : memref<128xi32, #tpu.memory_space<vmem>>) target_semaphore(%run_scoped3A_233 : memref<!tpu.dma_semaphore, #tpu.memory_space<semaphore_mem>>)
      %dma_wait3A_242 = arith.constant 0 : i32
      %dma_wait3A_243 = tpu.memref_slice %arg14[%run_scoped3A_173, %dma_wait3A_242] : memref<2x128xi32, #tpu.memory_space<vmem>> -> memref<1x128xi32, #tpu.memory_space<vmem>>
      %dma_wait3A_244 = tpu.memref_squeeze %dma_wait3A_243 : memref<1x128xi32, #tpu.memory_space<vmem>> -> memref<128xi32, #tpu.memory_space<vmem>>
      %dma_wait3A_245 = tpu.memref_slice %arg6[%add3A_172] : memref<12288xi32, #tpu.memory_space<hbm>> -> memref<128xi32, #tpu.memory_space<hbm>>
      %dma_wait3A_246 = arith.constant 0 : i32
      %dma_wait3A_247 = tpu.memref_slice %arg14[%run_scoped3A_173, %dma_wait3A_246] : memref<2x128xi32, #tpu.memory_space<vmem>> -> memref<1x128xi32, #tpu.memory_space<vmem>>
      %dma_wait3A_248 = tpu.memref_squeeze %dma_wait3A_247 : memref<1x128xi32, #tpu.memory_space<vmem>> -> memref<128xi32, #tpu.memory_space<vmem>>
      %dma_wait3A_249 = tpu.memref_slice %arg6[%add3A_172] : memref<12288xi32, #tpu.memory_space<hbm>> -> memref<128xi32, #tpu.memory_space<hbm>>
      tpu.wait_dma2 semaphore(%run_scoped3A_233 : memref<!tpu.dma_semaphore, #tpu.memory_space<semaphore_mem>>) src(%dma_wait3A_249 : memref<128xi32, #tpu.memory_space<hbm>>) dst(%dma_wait3A_248 : memref<128xi32, #tpu.memory_space<vmem>>)
      tpu.yield
    }) : () -> ()
    %dma_start3A_174 = arith.constant 0 : i32
    %dma_start3A_175 = arith.constant 0 : i32
    %dma_start3A_176 = arith.constant 0 : i32
    %dma_start3A_177 = arith.constant 0 : i32
    %dma_start3A_178 = tpu.memref_slice %arg15[%dma_start3A_175, %dma_start3A_176, %dma_start3A_177] : memref<2x128x128xbf16, #tpu.memory_space<vmem>> -> memref<1x128x128xbf16, #tpu.memory_space<vmem>>
    %dma_start3A_179 = tpu.memref_squeeze %dma_start3A_178 : memref<1x128x128xbf16, #tpu.memory_space<vmem>> -> memref<128x128xbf16, #tpu.memory_space<vmem>>
    %dma_start3A_180 = arith.constant 0 : i32
    %dma_start3A_181 = tpu.memref_slice %arg14[%dma_start3A_174, %dma_start3A_180] : memref<2x128xi32, #tpu.memory_space<vmem>> -> memref<1x128xi32, #tpu.memory_space<vmem>>
    %dma_start3A_182 = tpu.memref_squeeze %dma_start3A_181 : memref<1x128xi32, #tpu.memory_space<vmem>> -> memref<128xi32, #tpu.memory_space<vmem>>
    %dma_start3A_183 = arith.constant 0 : i32
    %dma_start3A_184 = arith.constant 0 : i32
    %dma_start3A_185 = tpu.memref_slice %arg2[%dma_start3A_183, %dma_start3A_184] : memref<50000x128xbf16, #tpu.memory_space<hbm>> -> memref<50000x128xbf16, #tpu.memory_space<hbm>>
    tpu.enqueue_indirect_dma source(%dma_start3A_185 : memref<50000x128xbf16, #tpu.memory_space<hbm>>) target(%dma_start3A_179 : memref<128x128xbf16, #tpu.memory_space<vmem>>) offsets(%dma_start3A_182 : memref<128xi32, #tpu.memory_space<vmem>>) semaphore(%arg20 : memref<!tpu.dma_semaphore, #tpu.memory_space<semaphore_mem>>)
    %dma_wait3A_186 = arith.constant 0 : i32
    %dma_wait3A_187 = arith.constant 0 : i32
    %dma_wait3A_188 = arith.constant 0 : i32
    %dma_wait3A_189 = arith.constant 0 : i32
    %dma_wait3A_190 = tpu.memref_slice %arg15[%dma_wait3A_187, %dma_wait3A_188, %dma_wait3A_189] : memref<2x128x128xbf16, #tpu.memory_space<vmem>> -> memref<1x128x128xbf16, #tpu.memory_space<vmem>>
    %dma_wait3A_191 = tpu.memref_squeeze %dma_wait3A_190 : memref<1x128x128xbf16, #tpu.memory_space<vmem>> -> memref<128x128xbf16, #tpu.memory_space<vmem>>
    %dma_wait3A_192 = arith.constant 0 : i32
    %dma_wait3A_193 = tpu.memref_slice %arg14[%dma_wait3A_186, %dma_wait3A_192] : memref<2x128xi32, #tpu.memory_space<vmem>> -> memref<1x128xi32, #tpu.memory_space<vmem>>
    %dma_wait3A_194 = tpu.memref_squeeze %dma_wait3A_193 : memref<1x128xi32, #tpu.memory_space<vmem>> -> memref<128xi32, #tpu.memory_space<vmem>>
    %dma_wait3A_195 = arith.constant 0 : i32
    %dma_wait3A_196 = arith.constant 0 : i32
    %dma_wait3A_197 = tpu.memref_slice %arg2[%dma_wait3A_195, %dma_wait3A_196] : memref<50000x128xbf16, #tpu.memory_space<hbm>> -> memref<50000x128xbf16, #tpu.memory_space<hbm>>
    tpu.wait_indirect_dma semaphore(%arg20 : memref<!tpu.dma_semaphore, #tpu.memory_space<semaphore_mem>>) src(%dma_wait3A_197 : memref<50000x128xbf16, #tpu.memory_space<hbm>>) dst(%dma_wait3A_191 : memref<128x128xbf16, #tpu.memory_space<vmem>>)
    %run_scoped3A_198 = arith.constant 0 : i32
    "tpu.region"() ({
      %run_scoped3A_233 = tpu.sem_alloc : memref<!tpu.dma_semaphore, #tpu.memory_space<semaphore_mem>>
      %dma_start3A_234 = arith.constant 0 : i32
      %dma_start3A_235 = arith.constant 0 : i32
      %dma_start3A_236 = tpu.memref_slice %arg15[%run_scoped3A_198, %dma_start3A_234, %dma_start3A_235] : memref<2x128x128xbf16, #tpu.memory_space<vmem>> -> memref<1x128x128xbf16, #tpu.memory_space<vmem>>
      %dma_start3A_237 = tpu.memref_squeeze %dma_start3A_236 : memref<1x128x128xbf16, #tpu.memory_space<vmem>> -> memref<128x128xbf16, #tpu.memory_space<vmem>>
      %dma_start3A_238 = arith.constant 0 : i32
      %dma_start3A_239 = tpu.memref_slice %arg11[%add3A_172, %dma_start3A_238] : memref<12288x128xbf16, #tpu.memory_space<hbm>> -> memref<128x128xbf16, #tpu.memory_space<hbm>>
      %dma_start3A_240 = arith.constant 0 : i32
      %dma_start3A_241 = tpu.memref_slice %arg11[%add3A_172, %dma_start3A_240] : memref<12288x128xbf16, #tpu.memory_space<hbm>> -> memref<128x128xbf16, #tpu.memory_space<hbm>>
      %dma_start3A_242 = arith.constant 0 : i32
      %dma_start3A_243 = arith.constant 0 : i32
      %dma_start3A_244 = tpu.memref_slice %arg15[%run_scoped3A_198, %dma_start3A_242, %dma_start3A_243] : memref<2x128x128xbf16, #tpu.memory_space<vmem>> -> memref<1x128x128xbf16, #tpu.memory_space<vmem>>
      %dma_start3A_245 = tpu.memref_squeeze %dma_start3A_244 : memref<1x128x128xbf16, #tpu.memory_space<vmem>> -> memref<128x128xbf16, #tpu.memory_space<vmem>>
      tpu.enqueue_dma source(%dma_start3A_245 : memref<128x128xbf16, #tpu.memory_space<vmem>>) target(%dma_start3A_241 : memref<128x128xbf16, #tpu.memory_space<hbm>>) target_semaphore(%run_scoped3A_233 : memref<!tpu.dma_semaphore, #tpu.memory_space<semaphore_mem>>)
      %dma_wait3A_246 = arith.constant 0 : i32
      %dma_wait3A_247 = arith.constant 0 : i32
      %dma_wait3A_248 = tpu.memref_slice %arg15[%run_scoped3A_198, %dma_wait3A_246, %dma_wait3A_247] : memref<2x128x128xbf16, #tpu.memory_space<vmem>> -> memref<1x128x128xbf16, #tpu.memory_space<vmem>>
      %dma_wait3A_249 = tpu.memref_squeeze %dma_wait3A_248 : memref<1x128x128xbf16, #tpu.memory_space<vmem>> -> memref<128x128xbf16, #tpu.memory_space<vmem>>
      %dma_wait3A_250 = arith.constant 0 : i32
      %dma_wait3A_251 = tpu.memref_slice %arg11[%add3A_172, %dma_wait3A_250] : memref<12288x128xbf16, #tpu.memory_space<hbm>> -> memref<128x128xbf16, #tpu.memory_space<hbm>>
      %dma_wait3A_252 = arith.constant 0 : i32
      %dma_wait3A_253 = tpu.memref_slice %arg11[%add3A_172, %dma_wait3A_252] : memref<12288x128xbf16, #tpu.memory_space<hbm>> -> memref<128x128xbf16, #tpu.memory_space<hbm>>
      %dma_wait3A_254 = arith.constant 0 : i32
      %dma_wait3A_255 = arith.constant 0 : i32
      %dma_wait3A_256 = tpu.memref_slice %arg15[%run_scoped3A_198, %dma_wait3A_254, %dma_wait3A_255] : memref<2x128x128xbf16, #tpu.memory_space<vmem>> -> memref<1x128x128xbf16, #tpu.memory_space<vmem>>
      %dma_wait3A_257 = tpu.memref_squeeze %dma_wait3A_256 : memref<1x128x128xbf16, #tpu.memory_space<vmem>> -> memref<128x128xbf16, #tpu.memory_space<vmem>>
      tpu.wait_dma2 semaphore(%run_scoped3A_233 : memref<!tpu.dma_semaphore, #tpu.memory_space<semaphore_mem>>) src(%dma_wait3A_257 : memref<128x128xbf16, #tpu.memory_space<vmem>>) dst(%dma_wait3A_253 : memref<128x128xbf16, #tpu.memory_space<hbm>>)
      tpu.yield
    }) : () -> ()
    %run_scoped3A_199 = arith.constant 0 : i32
    "tpu.region"() ({
      %run_scoped3A_233 = tpu.sem_alloc : memref<!tpu.dma_semaphore, #tpu.memory_space<semaphore_mem>>
      %dma_start3A_234 = arith.constant 0 : i32
      %dma_start3A_235 = tpu.memref_slice %arg16[%run_scoped3A_199, %dma_start3A_234] : memref<2x128xi32, #tpu.memory_space<vmem>> -> memref<1x128xi32, #tpu.memory_space<vmem>>
      %dma_start3A_236 = tpu.memref_squeeze %dma_start3A_235 : memref<1x128xi32, #tpu.memory_space<vmem>> -> memref<128xi32, #tpu.memory_space<vmem>>
      %dma_start3A_237 = tpu.memref_slice %arg7[%add3A_172] : memref<12288xi32, #tpu.memory_space<hbm>> -> memref<128xi32, #tpu.memory_space<hbm>>
      %dma_start3A_238 = arith.constant 0 : i32
      %dma_start3A_239 = tpu.memref_slice %arg16[%run_scoped3A_199, %dma_start3A_238] : memref<2x128xi32, #tpu.memory_space<vmem>> -> memref<1x128xi32, #tpu.memory_space<vmem>>
      %dma_start3A_240 = tpu.memref_squeeze %dma_start3A_239 : memref<1x128xi32, #tpu.memory_space<vmem>> -> memref<128xi32, #tpu.memory_space<vmem>>
      %dma_start3A_241 = tpu.memref_slice %arg7[%add3A_172] : memref<12288xi32, #tpu.memory_space<hbm>> -> memref<128xi32, #tpu.memory_space<hbm>>
      tpu.enqueue_dma source(%dma_start3A_241 : memref<128xi32, #tpu.memory_space<hbm>>) target(%dma_start3A_240 : memref<128xi32, #tpu.memory_space<vmem>>) target_semaphore(%run_scoped3A_233 : memref<!tpu.dma_semaphore, #tpu.memory_space<semaphore_mem>>)
      %dma_wait3A_242 = arith.constant 0 : i32
      %dma_wait3A_243 = tpu.memref_slice %arg16[%run_scoped3A_199, %dma_wait3A_242] : memref<2x128xi32, #tpu.memory_space<vmem>> -> memref<1x128xi32, #tpu.memory_space<vmem>>
      %dma_wait3A_244 = tpu.memref_squeeze %dma_wait3A_243 : memref<1x128xi32, #tpu.memory_space<vmem>> -> memref<128xi32, #tpu.memory_space<vmem>>
      %dma_wait3A_245 = tpu.memref_slice %arg7[%add3A_172] : memref<12288xi32, #tpu.memory_space<hbm>> -> memref<128xi32, #tpu.memory_space<hbm>>
      %dma_wait3A_246 = arith.constant 0 : i32
      %dma_wait3A_247 = tpu.memref_slice %arg16[%run_scoped3A_199, %dma_wait3A_246] : memref<2x128xi32, #tpu.memory_space<vmem>> -> memref<1x128xi32, #tpu.memory_space<vmem>>
      %dma_wait3A_248 = tpu.memref_squeeze %dma_wait3A_247 : memref<1x128xi32, #tpu.memory_space<vmem>> -> memref<128xi32, #tpu.memory_space<vmem>>
      %dma_wait3A_249 = tpu.memref_slice %arg7[%add3A_172] : memref<12288xi32, #tpu.memory_space<hbm>> -> memref<128xi32, #tpu.memory_space<hbm>>
      tpu.wait_dma2 semaphore(%run_scoped3A_233 : memref<!tpu.dma_semaphore, #tpu.memory_space<semaphore_mem>>) src(%dma_wait3A_249 : memref<128xi32, #tpu.memory_space<hbm>>) dst(%dma_wait3A_248 : memref<128xi32, #tpu.memory_space<vmem>>)
      tpu.yield
    }) : () -> ()
    %dma_start3A_200 = arith.constant 0 : i32
    %dma_start3A_201 = arith.constant 0 : i32
    %dma_start3A_202 = arith.constant 0 : i32
    %dma_start3A_203 = arith.constant 0 : i32
    %dma_start3A_204 = tpu.memref_slice %arg17[%dma_start3A_201, %dma_start3A_202, %dma_start3A_203] : memref<2x128x16xf32, #tpu.memory_space<vmem>> -> memref<1x128x16xf32, #tpu.memory_space<vmem>>
    %dma_start3A_205 = tpu.memref_squeeze %dma_start3A_204 : memref<1x128x16xf32, #tpu.memory_space<vmem>> -> memref<128x16xf32, #tpu.memory_space<vmem>>
    %dma_start3A_206 = arith.constant 0 : i32
    %dma_start3A_207 = tpu.memref_slice %arg16[%dma_start3A_200, %dma_start3A_206] : memref<2x128xi32, #tpu.memory_space<vmem>> -> memref<1x128xi32, #tpu.memory_space<vmem>>
    %dma_start3A_208 = tpu.memref_squeeze %dma_start3A_207 : memref<1x128xi32, #tpu.memory_space<vmem>> -> memref<128xi32, #tpu.memory_space<vmem>>
    %dma_start3A_209 = arith.constant 0 : i32
    %dma_start3A_210 = arith.constant 0 : i32
    %dma_start3A_211 = tpu.memref_slice %arg3[%dma_start3A_209, %dma_start3A_210] : memref<800000x16xf32, #tpu.memory_space<hbm>> -> memref<800000x16xf32, #tpu.memory_space<hbm>>
    tpu.enqueue_indirect_dma source(%dma_start3A_211 : memref<800000x16xf32, #tpu.memory_space<hbm>>) target(%dma_start3A_205 : memref<128x16xf32, #tpu.memory_space<vmem>>) offsets(%dma_start3A_208 : memref<128xi32, #tpu.memory_space<vmem>>) semaphore(%arg21 : memref<!tpu.dma_semaphore, #tpu.memory_space<semaphore_mem>>)
    %dma_wait3A_212 = arith.constant 0 : i32
    %dma_wait3A_213 = arith.constant 0 : i32
    %dma_wait3A_214 = arith.constant 0 : i32
    %dma_wait3A_215 = arith.constant 0 : i32
    %dma_wait3A_216 = tpu.memref_slice %arg17[%dma_wait3A_213, %dma_wait3A_214, %dma_wait3A_215] : memref<2x128x16xf32, #tpu.memory_space<vmem>> -> memref<1x128x16xf32, #tpu.memory_space<vmem>>
    %dma_wait3A_217 = tpu.memref_squeeze %dma_wait3A_216 : memref<1x128x16xf32, #tpu.memory_space<vmem>> -> memref<128x16xf32, #tpu.memory_space<vmem>>
    %dma_wait3A_218 = arith.constant 0 : i32
    %dma_wait3A_219 = tpu.memref_slice %arg16[%dma_wait3A_212, %dma_wait3A_218] : memref<2x128xi32, #tpu.memory_space<vmem>> -> memref<1x128xi32, #tpu.memory_space<vmem>>
    %dma_wait3A_220 = tpu.memref_squeeze %dma_wait3A_219 : memref<1x128xi32, #tpu.memory_space<vmem>> -> memref<128xi32, #tpu.memory_space<vmem>>
    %dma_wait3A_221 = arith.constant 0 : i32
    %dma_wait3A_222 = arith.constant 0 : i32
    %dma_wait3A_223 = tpu.memref_slice %arg3[%dma_wait3A_221, %dma_wait3A_222] : memref<800000x16xf32, #tpu.memory_space<hbm>> -> memref<800000x16xf32, #tpu.memory_space<hbm>>
    tpu.wait_indirect_dma semaphore(%arg21 : memref<!tpu.dma_semaphore, #tpu.memory_space<semaphore_mem>>) src(%dma_wait3A_223 : memref<800000x16xf32, #tpu.memory_space<hbm>>) dst(%dma_wait3A_217 : memref<128x16xf32, #tpu.memory_space<vmem>>)
    %run_scoped3A_224 = arith.constant 0 : i32
    "tpu.region"() ({
      %run_scoped3A_233 = tpu.sem_alloc : memref<!tpu.dma_semaphore, #tpu.memory_space<semaphore_mem>>
      %dma_start3A_234 = arith.constant 0 : i32
      %dma_start3A_235 = arith.constant 0 : i32
      %dma_start3A_236 = tpu.memref_slice %arg17[%run_scoped3A_224, %dma_start3A_234, %dma_start3A_235] : memref<2x128x16xf32, #tpu.memory_space<vmem>> -> memref<1x128x16xf32, #tpu.memory_space<vmem>>
      %dma_start3A_237 = tpu.memref_squeeze %dma_start3A_236 : memref<1x128x16xf32, #tpu.memory_space<vmem>> -> memref<128x16xf32, #tpu.memory_space<vmem>>
      %dma_start3A_238 = arith.constant 0 : i32
      %dma_start3A_239 = tpu.memref_slice %arg12[%add3A_172, %dma_start3A_238] : memref<12288x16xf32, #tpu.memory_space<hbm>> -> memref<128x16xf32, #tpu.memory_space<hbm>>
      %dma_start3A_240 = arith.constant 0 : i32
      %dma_start3A_241 = tpu.memref_slice %arg12[%add3A_172, %dma_start3A_240] : memref<12288x16xf32, #tpu.memory_space<hbm>> -> memref<128x16xf32, #tpu.memory_space<hbm>>
      %dma_start3A_242 = arith.constant 0 : i32
      %dma_start3A_243 = arith.constant 0 : i32
      %dma_start3A_244 = tpu.memref_slice %arg17[%run_scoped3A_224, %dma_start3A_242, %dma_start3A_243] : memref<2x128x16xf32, #tpu.memory_space<vmem>> -> memref<1x128x16xf32, #tpu.memory_space<vmem>>
      %dma_start3A_245 = tpu.memref_squeeze %dma_start3A_244 : memref<1x128x16xf32, #tpu.memory_space<vmem>> -> memref<128x16xf32, #tpu.memory_space<vmem>>
      tpu.enqueue_dma source(%dma_start3A_245 : memref<128x16xf32, #tpu.memory_space<vmem>>) target(%dma_start3A_241 : memref<128x16xf32, #tpu.memory_space<hbm>>) target_semaphore(%run_scoped3A_233 : memref<!tpu.dma_semaphore, #tpu.memory_space<semaphore_mem>>)
      %dma_wait3A_246 = arith.constant 0 : i32
      %dma_wait3A_247 = arith.constant 0 : i32
      %dma_wait3A_248 = tpu.memref_slice %arg17[%run_scoped3A_224, %dma_wait3A_246, %dma_wait3A_247] : memref<2x128x16xf32, #tpu.memory_space<vmem>> -> memref<1x128x16xf32, #tpu.memory_space<vmem>>
      %dma_wait3A_249 = tpu.memref_squeeze %dma_wait3A_248 : memref<1x128x16xf32, #tpu.memory_space<vmem>> -> memref<128x16xf32, #tpu.memory_space<vmem>>
      %dma_wait3A_250 = arith.constant 0 : i32
      %dma_wait3A_251 = tpu.memref_slice %arg12[%add3A_172, %dma_wait3A_250] : memref<12288x16xf32, #tpu.memory_space<hbm>> -> memref<128x16xf32, #tpu.memory_space<hbm>>
      %dma_wait3A_252 = arith.constant 0 : i32
      %dma_wait3A_253 = tpu.memref_slice %arg12[%add3A_172, %dma_wait3A_252] : memref<12288x16xf32, #tpu.memory_space<hbm>> -> memref<128x16xf32, #tpu.memory_space<hbm>>
      %dma_wait3A_254 = arith.constant 0 : i32
      %dma_wait3A_255 = arith.constant 0 : i32
      %dma_wait3A_256 = tpu.memref_slice %arg17[%run_scoped3A_224, %dma_wait3A_254, %dma_wait3A_255] : memref<2x128x16xf32, #tpu.memory_space<vmem>> -> memref<1x128x16xf32, #tpu.memory_space<vmem>>
      %dma_wait3A_257 = tpu.memref_squeeze %dma_wait3A_256 : memref<1x128x16xf32, #tpu.memory_space<vmem>> -> memref<128x16xf32, #tpu.memory_space<vmem>>
      tpu.wait_dma2 semaphore(%run_scoped3A_233 : memref<!tpu.dma_semaphore, #tpu.memory_space<semaphore_mem>>) src(%dma_wait3A_257 : memref<128x16xf32, #tpu.memory_space<vmem>>) dst(%dma_wait3A_253 : memref<128x16xf32, #tpu.memory_space<hbm>>)
      tpu.yield
    }) : () -> ()
    %mul3A_225 = arith.constant 16 : i32
    %mul3A_226 = arith.muli %add3A, %mul3A_225 : i32
    "tpu.region"() ({
      %run_scoped3A_233 = tpu.sem_alloc : memref<!tpu.dma_semaphore, #tpu.memory_space<semaphore_mem>>
      %dma_start3A_234 = tpu.memref_slice %arg8[%mul3A_226] : memref<512xi32, #tpu.memory_space<hbm>> -> memref<16xi32, #tpu.memory_space<hbm>>
      %dma_start3A_235 = tpu.memref_slice %arg8[%mul3A_226] : memref<512xi32, #tpu.memory_space<hbm>> -> memref<16xi32, #tpu.memory_space<hbm>>
      tpu.enqueue_dma source(%dma_start3A_235 : memref<16xi32, #tpu.memory_space<hbm>>) target(%arg18 : memref<16xi32, #tpu.memory_space<vmem>>) target_semaphore(%run_scoped3A_233 : memref<!tpu.dma_semaphore, #tpu.memory_space<semaphore_mem>>)
      %dma_wait3A_236 = tpu.memref_slice %arg8[%mul3A_226] : memref<512xi32, #tpu.memory_space<hbm>> -> memref<16xi32, #tpu.memory_space<hbm>>
      %dma_wait3A_237 = tpu.memref_slice %arg8[%mul3A_226] : memref<512xi32, #tpu.memory_space<hbm>> -> memref<16xi32, #tpu.memory_space<hbm>>
      tpu.wait_dma2 semaphore(%run_scoped3A_233 : memref<!tpu.dma_semaphore, #tpu.memory_space<semaphore_mem>>) src(%dma_wait3A_237 : memref<16xi32, #tpu.memory_space<hbm>>) dst(%arg18 : memref<16xi32, #tpu.memory_space<vmem>>)
      tpu.yield
    }) : () -> ()
    %dma_start3A_227 = arith.constant 0 : i32
    %dma_start3A_228 = arith.constant 0 : i32
    %dma_start3A_229 = tpu.memref_slice %arg2[%dma_start3A_227, %dma_start3A_228] : memref<50000x128xbf16, #tpu.memory_space<hbm>> -> memref<50000x128xbf16, #tpu.memory_space<hbm>>
    tpu.enqueue_indirect_dma source(%dma_start3A_229 : memref<50000x128xbf16, #tpu.memory_space<hbm>>) target(%arg19 : memref<16x128xbf16, #tpu.memory_space<vmem>>) offsets(%arg18 : memref<16xi32, #tpu.memory_space<vmem>>) semaphore(%arg22 : memref<!tpu.dma_semaphore, #tpu.memory_space<semaphore_mem>>)
    %dma_wait3A_230 = arith.constant 0 : i32
    %dma_wait3A_231 = arith.constant 0 : i32
    %dma_wait3A_232 = tpu.memref_slice %arg2[%dma_wait3A_230, %dma_wait3A_231] : memref<50000x128xbf16, #tpu.memory_space<hbm>> -> memref<50000x128xbf16, #tpu.memory_space<hbm>>
    tpu.wait_indirect_dma semaphore(%arg22 : memref<!tpu.dma_semaphore, #tpu.memory_space<semaphore_mem>>) src(%dma_wait3A_232 : memref<50000x128xbf16, #tpu.memory_space<hbm>>) dst(%arg19 : memref<16x128xbf16, #tpu.memory_space<vmem>>)
    "tpu.region"() ({
      %run_scoped3A_233 = tpu.sem_alloc : memref<!tpu.dma_semaphore, #tpu.memory_space<semaphore_mem>>
      %dma_start3A_234 = arith.constant 0 : i32
      %dma_start3A_235 = tpu.memref_slice %arg13[%mul3A_226, %dma_start3A_234] : memref<512x128xbf16, #tpu.memory_space<hbm>> -> memref<16x128xbf16, #tpu.memory_space<hbm>>
      %dma_start3A_236 = arith.constant 0 : i32
      %dma_start3A_237 = tpu.memref_slice %arg13[%mul3A_226, %dma_start3A_236] : memref<512x128xbf16, #tpu.memory_space<hbm>> -> memref<16x128xbf16, #tpu.memory_space<hbm>>
      tpu.enqueue_dma source(%arg19 : memref<16x128xbf16, #tpu.memory_space<vmem>>) target(%dma_start3A_237 : memref<16x128xbf16, #tpu.memory_space<hbm>>) target_semaphore(%run_scoped3A_233 : memref<!tpu.dma_semaphore, #tpu.memory_space<semaphore_mem>>)
      %dma_wait3A_238 = arith.constant 0 : i32
      %dma_wait3A_239 = tpu.memref_slice %arg13[%mul3A_226, %dma_wait3A_238] : memref<512x128xbf16, #tpu.memory_space<hbm>> -> memref<16x128xbf16, #tpu.memory_space<hbm>>
      %dma_wait3A_240 = arith.constant 0 : i32
      %dma_wait3A_241 = tpu.memref_slice %arg13[%mul3A_226, %dma_wait3A_240] : memref<512x128xbf16, #tpu.memory_space<hbm>> -> memref<16x128xbf16, #tpu.memory_space<hbm>>
      tpu.wait_dma2 semaphore(%run_scoped3A_233 : memref<!tpu.dma_semaphore, #tpu.memory_space<semaphore_mem>>) src(%arg19 : memref<16x128xbf16, #tpu.memory_space<vmem>>) dst(%dma_wait3A_241 : memref<16x128xbf16, #tpu.memory_space<hbm>>)
      tpu.yield
    }) : () -> ()
    return
  }
}

module attributes {stable_mosaic.version = 14 : i64} {
  func.func @_add_body(%arg0: i32, %arg1: memref<2000x128xf32, #tpu.memory_space<vmem>>, %arg2: memref<2000x128xf32, #tpu.memory_space<vmem>>, %arg3: memref<2000x128xbf16, #tpu.memory_space<vmem>>) attributes {dimension_semantics = [#tpu.dimension_semantics<arbitrary>], iteration_bounds = array<i64: 25>, scalar_prefetch = 0 : i64, scratch_operands = 0 : i64, tpu.core_type = #tpu.core_type<tc>, window_params = [{transform_indices = @transform_0, window_bounds = array<i64: 2000, 128>}, {transform_indices = @transform_1, window_bounds = array<i64: 2000, 128>}, {transform_indices = @transform_2, window_bounds = array<i64: 2000, 128>}]} {
    %get3A = arith.constant 0 : index
    %get3A_0 = arith.constant 0 : index
    %get3A_1 = vector.load %arg1[%get3A, %get3A_0] : memref<2000x128xf32, #tpu.memory_space<vmem>>, vector<2000x128xf32>
    %get3A_2 = arith.constant 0 : index
    %get3A_3 = arith.constant 0 : index
    %get3A_4 = vector.load %arg2[%get3A_2, %get3A_3] : memref<2000x128xf32, #tpu.memory_space<vmem>>, vector<2000x128xf32>
    %add3A = arith.addf %get3A_1, %get3A_4 : vector<2000x128xf32>
    %convert_element_type3A = arith.truncf %add3A : vector<2000x128xf32> to vector<2000x128xbf16>
    %swap3A = arith.constant 0 : index
    %swap3A_5 = arith.constant 0 : index
    %swap3A_6 = vector.load %arg3[%swap3A, %swap3A_5] : memref<2000x128xbf16, #tpu.memory_space<vmem>>, vector<2000x128xbf16>
    tpu.vector_store %arg3[%swap3A, %swap3A_5], %convert_element_type3A {strides = array<i32>} : memref<2000x128xbf16, #tpu.memory_space<vmem>>, vector<2000x128xbf16>,
    return
  }
  func.func @transform_0(%arg0: i32) -> (i32, i32) {
    %c0_i32 = arith.constant 0 : i32
    %c0_i32_0 = arith.constant 0 : i32
    return %arg0, %c0_i32 : i32, i32
  }
  func.func @transform_1(%arg0: i32) -> (i32, i32) {
    %c0_i32 = arith.constant 0 : i32
    %c0_i32_0 = arith.constant 0 : i32
    return %arg0, %c0_i32 : i32, i32
  }
  func.func @transform_2(%arg0: i32) -> (i32, i32) {
    %c0_i32 = arith.constant 0 : i32
    %c0_i32_0 = arith.constant 0 : i32
    return %arg0, %c0_i32 : i32, i32
  }
}

module attributes {stable_mosaic.version = 14 : i64} {
  func.func @_attn_body(%arg0: i32, %arg1: memref<20x256x128xbf16, #tpu.memory_space<vmem>>, %arg2: memref<20x256x16xf32, #tpu.memory_space<vmem>>, %arg3: memref<256x128xbf16, #tpu.memory_space<vmem>>, %arg4: memref<256x20xf32, #tpu.memory_space<vmem>>, %arg5: memref<256x20xi32, #tpu.memory_space<vmem>>, %arg6: memref<256x1xf32, #tpu.memory_space<vmem>>, %arg7: memref<256x128xbf16, #tpu.memory_space<vmem>>, %arg8: memref<272x256xbf16, #tpu.memory_space<vmem>>, %arg9: memref<256x128xbf16, #tpu.memory_space<vmem>>, %arg10: memref<1x128xf32, #tpu.memory_space<vmem>>, %arg11: memref<128x128xbf16, #tpu.memory_space<vmem>>, %arg12: memref<1x128xf32, #tpu.memory_space<vmem>>, %arg13: memref<1x128xf32, #tpu.memory_space<vmem>>, %arg14: memref<1x128xf32, #tpu.memory_space<vmem>>, %arg15: memref<256x128xbf16, #tpu.memory_space<vmem>>) attributes {dimension_semantics = [#tpu.dimension_semantics<arbitrary>], iteration_bounds = array<i64: 40>, scalar_prefetch = 0 : i64, scratch_operands = 0 : i64, tpu.core_type = #tpu.core_type<tc>, window_params = [{transform_indices = @transform_0, window_bounds = array<i64: 20, 256, 128>}, {transform_indices = @transform_1, window_bounds = array<i64: 20, 256, 16>}, {transform_indices = @transform_2, window_bounds = array<i64: 256, 128>}, {transform_indices = @transform_3, window_bounds = array<i64: 256, 20>}, {transform_indices = @transform_4, window_bounds = array<i64: 256, 20>}, {transform_indices = @transform_5, window_bounds = array<i64: 256, 1>}, {pipeline_mode = #tpu.pipeline_mode<synchronous>, transform_indices = @transform_6, window_bounds = array<i64: 256, 128>}, {pipeline_mode = #tpu.pipeline_mode<synchronous>, transform_indices = @transform_7, window_bounds = array<i64: 272, 256>}, {pipeline_mode = #tpu.pipeline_mode<synchronous>, transform_indices = @transform_8, window_bounds = array<i64: 256, 128>}, {pipeline_mode = #tpu.pipeline_mode<synchronous>, transform_indices = @transform_9, window_bounds = array<i64: 1, 128>}, {pipeline_mode = #tpu.pipeline_mode<synchronous>, transform_indices = @transform_10, window_bounds = array<i64: 128, 128>}, {pipeline_mode = #tpu.pipeline_mode<synchronous>, transform_indices = @transform_11, window_bounds = array<i64: 1, 128>}, {pipeline_mode = #tpu.pipeline_mode<synchronous>, transform_indices = @transform_12, window_bounds = array<i64: 1, 128>}, {pipeline_mode = #tpu.pipeline_mode<synchronous>, transform_indices = @transform_13, window_bounds = array<i64: 1, 128>}, {transform_indices = @transform_14, window_bounds = array<i64: 256, 128>}]} {
    %get3A = arith.constant 0 : index
    %get3A_0 = arith.constant 0 : index
    %get3A_1 = vector.load %arg13[%get3A, %get3A_0] : memref<1x128xf32, #tpu.memory_space<vmem>>, vector<1x128xf32>
    %get3A_2 = arith.constant 0 : index
    %get3A_3 = arith.constant 0 : index
    %get3A_4 = vector.load %arg14[%get3A_2, %get3A_3] : memref<1x128xf32, #tpu.memory_space<vmem>>, vector<1x128xf32>
    %get3A_5 = arith.constant 0 : index
    %get3A_6 = arith.constant 0 : index
    %get3A_7 = vector.load %arg3[%get3A_5, %get3A_6] : memref<256x128xbf16, #tpu.memory_space<vmem>>, vector<256x128xbf16>
    %get3A_8 = arith.constant 0 : index
    %get3A_9 = arith.constant 0 : index
    %get3A_10 = vector.load %arg7[%get3A_8, %get3A_9] : memref<256x128xbf16, #tpu.memory_space<vmem>>, vector<128x128xbf16>
    %dot_general3A = arith.constant dense<0.000000e+00> : vector<256x128xf32>
    %dot_general3A_11 = tpu.matmul %get3A_7, %get3A_10, %dot_general3A {dimension_numbers = #tpu.dot_dimension_numbers<[1], [0], [0], [1], [0, 0, 1, 1], [], []>, transpose_lhs_hint = false} : vector<256x128xbf16>, vector<128x128xbf16>, vector<256x128xf32> -> vector<256x128xf32>
    %cos3A = math.cos %get3A_4 : vector<1x128xf32>
    %convert_element_type3A = arith.truncf %cos3A : vector<1x128xf32> to vector<1x128xbf16>
    %get3A_12 = arith.constant 128 : index
    %get3A_13 = arith.constant 0 : index
    %get3A_14 = vector.load %arg7[%get3A_12, %get3A_13] : memref<256x128xbf16, #tpu.memory_space<vmem>>, vector<128x128xbf16>
    %dot_general3A_15 = arith.constant dense<0.000000e+00> : vector<1x128xf32>
    %dot_general3A_16 = tpu.matmul %convert_element_type3A, %get3A_14, %dot_general3A_15 {dimension_numbers = #tpu.dot_dimension_numbers<[1], [0], [0], [1], [0, 0, 1, 1], [], []>, transpose_lhs_hint = false} : vector<1x128xbf16>, vector<128x128xbf16>, vector<1x128xf32> -> vector<1x128xf32>
    %add3A = vector.broadcast %dot_general3A_16 : vector<1x128xf32> to vector<256x128xf32>
    %add3A_17 = arith.addf %dot_general3A_11, %add3A : vector<256x128xf32>
    %get3A_18 = arith.constant 0 : index
    %get3A_19 = arith.constant 0 : index
    %get3A_20 = vector.load %arg6[%get3A_18, %get3A_19] : memref<256x1xf32, #tpu.memory_space<vmem>>, vector<256x1xf32>
    %get3A_21 = arith.constant 0 : index
    %get3A_22 = arith.constant 0 : index
    %get3A_23 = vector.load %arg4[%get3A_21, %get3A_22] : memref<256x20xf32, #tpu.memory_space<vmem>>, vector<256x1xf32>
    %sub3A = arith.subf %get3A_20, %get3A_23 : vector<256x1xf32>
    %get3A_24 = arith.constant 0 : index
    %get3A_25 = arith.constant 1 : index
    %get3A_26 = vector.load %arg4[%get3A_24, %get3A_25] : memref<256x20xf32, #tpu.memory_space<vmem>>, vector<256x1xf32>
    %sub3A_27 = arith.subf %get3A_20, %get3A_26 : vector<256x1xf32>
    %get3A_28 = arith.constant 0 : index
    %get3A_29 = arith.constant 2 : index
    %get3A_30 = vector.load %arg4[%get3A_28, %get3A_29] : memref<256x20xf32, #tpu.memory_space<vmem>>, vector<256x1xf32>
    %sub3A_31 = arith.subf %get3A_20, %get3A_30 : vector<256x1xf32>
    %get3A_32 = arith.constant 0 : index
    %get3A_33 = arith.constant 3 : index
    %get3A_34 = vector.load %arg4[%get3A_32, %get3A_33] : memref<256x20xf32, #tpu.memory_space<vmem>>, vector<256x1xf32>
    %sub3A_35 = arith.subf %get3A_20, %get3A_34 : vector<256x1xf32>
    %get3A_36 = arith.constant 0 : index
    %get3A_37 = arith.constant 4 : index
    %get3A_38 = vector.load %arg4[%get3A_36, %get3A_37] : memref<256x20xf32, #tpu.memory_space<vmem>>, vector<256x1xf32>
    %sub3A_39 = arith.subf %get3A_20, %get3A_38 : vector<256x1xf32>
    %get3A_40 = arith.constant 0 : index
    %get3A_41 = arith.constant 5 : index
    %get3A_42 = vector.load %arg4[%get3A_40, %get3A_41] : memref<256x20xf32, #tpu.memory_space<vmem>>, vector<256x1xf32>
    %sub3A_43 = arith.subf %get3A_20, %get3A_42 : vector<256x1xf32>
    %get3A_44 = arith.constant 0 : index
    %get3A_45 = arith.constant 6 : index
    %get3A_46 = vector.load %arg4[%get3A_44, %get3A_45] : memref<256x20xf32, #tpu.memory_space<vmem>>, vector<256x1xf32>
    %sub3A_47 = arith.subf %get3A_20, %get3A_46 : vector<256x1xf32>
    %get3A_48 = arith.constant 0 : index
    %get3A_49 = arith.constant 7 : index
    %get3A_50 = vector.load %arg4[%get3A_48, %get3A_49] : memref<256x20xf32, #tpu.memory_space<vmem>>, vector<256x1xf32>
    %sub3A_51 = arith.subf %get3A_20, %get3A_50 : vector<256x1xf32>
    %get3A_52 = arith.constant 0 : index
    %get3A_53 = arith.constant 8 : index
    %get3A_54 = vector.load %arg4[%get3A_52, %get3A_53] : memref<256x20xf32, #tpu.memory_space<vmem>>, vector<256x1xf32>
    %sub3A_55 = arith.subf %get3A_20, %get3A_54 : vector<256x1xf32>
    %get3A_56 = arith.constant 0 : index
    %get3A_57 = arith.constant 9 : index
    %get3A_58 = vector.load %arg4[%get3A_56, %get3A_57] : memref<256x20xf32, #tpu.memory_space<vmem>>, vector<256x1xf32>
    %sub3A_59 = arith.subf %get3A_20, %get3A_58 : vector<256x1xf32>
    %get3A_60 = arith.constant 0 : index
    %get3A_61 = arith.constant 10 : index
    %get3A_62 = vector.load %arg4[%get3A_60, %get3A_61] : memref<256x20xf32, #tpu.memory_space<vmem>>, vector<256x1xf32>
    %sub3A_63 = arith.subf %get3A_20, %get3A_62 : vector<256x1xf32>
    %get3A_64 = arith.constant 0 : index
    %get3A_65 = arith.constant 11 : index
    %get3A_66 = vector.load %arg4[%get3A_64, %get3A_65] : memref<256x20xf32, #tpu.memory_space<vmem>>, vector<256x1xf32>
    %sub3A_67 = arith.subf %get3A_20, %get3A_66 : vector<256x1xf32>
    %get3A_68 = arith.constant 0 : index
    %get3A_69 = arith.constant 12 : index
    %get3A_70 = vector.load %arg4[%get3A_68, %get3A_69] : memref<256x20xf32, #tpu.memory_space<vmem>>, vector<256x1xf32>
    %sub3A_71 = arith.subf %get3A_20, %get3A_70 : vector<256x1xf32>
    %get3A_72 = arith.constant 0 : index
    %get3A_73 = arith.constant 13 : index
    %get3A_74 = vector.load %arg4[%get3A_72, %get3A_73] : memref<256x20xf32, #tpu.memory_space<vmem>>, vector<256x1xf32>
    %sub3A_75 = arith.subf %get3A_20, %get3A_74 : vector<256x1xf32>
    %get3A_76 = arith.constant 0 : index
    %get3A_77 = arith.constant 14 : index
    %get3A_78 = vector.load %arg4[%get3A_76, %get3A_77] : memref<256x20xf32, #tpu.memory_space<vmem>>, vector<256x1xf32>
    %sub3A_79 = arith.subf %get3A_20, %get3A_78 : vector<256x1xf32>
    %get3A_80 = arith.constant 0 : index
    %get3A_81 = arith.constant 15 : index
    %get3A_82 = vector.load %arg4[%get3A_80, %get3A_81] : memref<256x20xf32, #tpu.memory_space<vmem>>, vector<256x1xf32>
    %sub3A_83 = arith.subf %get3A_20, %get3A_82 : vector<256x1xf32>
    %get3A_84 = arith.constant 0 : index
    %get3A_85 = arith.constant 16 : index
    %get3A_86 = vector.load %arg4[%get3A_84, %get3A_85] : memref<256x20xf32, #tpu.memory_space<vmem>>, vector<256x1xf32>
    %sub3A_87 = arith.subf %get3A_20, %get3A_86 : vector<256x1xf32>
    %get3A_88 = arith.constant 0 : index
    %get3A_89 = arith.constant 17 : index
    %get3A_90 = vector.load %arg4[%get3A_88, %get3A_89] : memref<256x20xf32, #tpu.memory_space<vmem>>, vector<256x1xf32>
    %sub3A_91 = arith.subf %get3A_20, %get3A_90 : vector<256x1xf32>
    %get3A_92 = arith.constant 0 : index
    %get3A_93 = arith.constant 18 : index
    %get3A_94 = vector.load %arg4[%get3A_92, %get3A_93] : memref<256x20xf32, #tpu.memory_space<vmem>>, vector<256x1xf32>
    %sub3A_95 = arith.subf %get3A_20, %get3A_94 : vector<256x1xf32>
    %get3A_96 = arith.constant 0 : index
    %get3A_97 = arith.constant 19 : index
    %get3A_98 = vector.load %arg4[%get3A_96, %get3A_97] : memref<256x20xf32, #tpu.memory_space<vmem>>, vector<256x1xf32>
    %sub3A_99 = arith.subf %get3A_20, %get3A_98 : vector<256x1xf32>
    %stack3A = vector.shape_cast %sub3A : vector<256x1xf32> to vector<1x256x1xf32>
    %stack3A_100 = vector.shape_cast %sub3A_27 : vector<256x1xf32> to vector<1x256x1xf32>
    %stack3A_101 = vector.shape_cast %sub3A_31 : vector<256x1xf32> to vector<1x256x1xf32>
    %stack3A_102 = vector.shape_cast %sub3A_35 : vector<256x1xf32> to vector<1x256x1xf32>
    %stack3A_103 = vector.shape_cast %sub3A_39 : vector<256x1xf32> to vector<1x256x1xf32>
    %stack3A_104 = vector.shape_cast %sub3A_43 : vector<256x1xf32> to vector<1x256x1xf32>
    %stack3A_105 = vector.shape_cast %sub3A_47 : vector<256x1xf32> to vector<1x256x1xf32>
    %stack3A_106 = vector.shape_cast %sub3A_51 : vector<256x1xf32> to vector<1x256x1xf32>
    %stack3A_107 = vector.shape_cast %sub3A_55 : vector<256x1xf32> to vector<1x256x1xf32>
    %stack3A_108 = vector.shape_cast %sub3A_59 : vector<256x1xf32> to vector<1x256x1xf32>
    %stack3A_109 = vector.shape_cast %sub3A_63 : vector<256x1xf32> to vector<1x256x1xf32>
    %stack3A_110 = vector.shape_cast %sub3A_67 : vector<256x1xf32> to vector<1x256x1xf32>
    %stack3A_111 = vector.shape_cast %sub3A_71 : vector<256x1xf32> to vector<1x256x1xf32>
    %stack3A_112 = vector.shape_cast %sub3A_75 : vector<256x1xf32> to vector<1x256x1xf32>
    %stack3A_113 = vector.shape_cast %sub3A_79 : vector<256x1xf32> to vector<1x256x1xf32>
    %stack3A_114 = vector.shape_cast %sub3A_83 : vector<256x1xf32> to vector<1x256x1xf32>
    %stack3A_115 = vector.shape_cast %sub3A_87 : vector<256x1xf32> to vector<1x256x1xf32>
    %stack3A_116 = vector.shape_cast %sub3A_91 : vector<256x1xf32> to vector<1x256x1xf32>
    %stack3A_117 = vector.shape_cast %sub3A_95 : vector<256x1xf32> to vector<1x256x1xf32>
    %stack3A_118 = vector.shape_cast %sub3A_99 : vector<256x1xf32> to vector<1x256x1xf32>
    %stack3A_119 = tpu.concatenate %stack3A, %stack3A_100, %stack3A_101, %stack3A_102, %stack3A_103, %stack3A_104, %stack3A_105, %stack3A_106, %stack3A_107, %stack3A_108, %stack3A_109, %stack3A_110, %stack3A_111, %stack3A_112, %stack3A_113, %stack3A_114, %stack3A_115, %stack3A_116, %stack3A_117, %stack3A_118 in 0 : vector<1x256x1xf32>, vector<1x256x1xf32>, vector<1x256x1xf32>, vector<1x256x1xf32>, vector<1x256x1xf32>, vector<1x256x1xf32>, vector<1x256x1xf32>, vector<1x256x1xf32>, vector<1x256x1xf32>, vector<1x256x1xf32>, vector<1x256x1xf32>, vector<1x256x1xf32>, vector<1x256x1xf32>, vector<1x256x1xf32>, vector<1x256x1xf32>, vector<1x256x1xf32>, vector<1x256x1xf32>, vector<1x256x1xf32>, vector<1x256x1xf32>, vector<1x256x1xf32> -> vector<20x256x1xf32>
    %broadcast_in_dim3A = vector.shape_cast %get3A_1 : vector<1x128xf32> to vector<1x1x128xf32>
    %mul3A = vector.broadcast %stack3A_119 : vector<20x256x1xf32> to vector<20x256x128xf32>
    %mul3A_120 = vector.broadcast %broadcast_in_dim3A : vector<1x1x128xf32> to vector<20x256x128xf32>
    %mul3A_121 = arith.mulf %mul3A, %mul3A_120 : vector<20x256x128xf32>
    %broadcast_in_dim3A_122 = vector.shape_cast %get3A_4 : vector<1x128xf32> to vector<1x1x128xf32>
    %add3A_123 = vector.broadcast %broadcast_in_dim3A_122 : vector<1x1x128xf32> to vector<20x256x128xf32>
    %add3A_124 = arith.addf %mul3A_121, %add3A_123 : vector<20x256x128xf32>
    %mul3A_125 = arith.constant 0.159154937 : f32
    %mul3A_126 = vector.broadcast %mul3A_125 : f32 to vector<20x256x128xf32>
    %mul3A_127 = arith.mulf %add3A_124, %mul3A_126 : vector<20x256x128xf32>
    %round3A = math.roundeven %mul3A_127 : vector<20x256x128xf32>
    %sub3A_128 = arith.subf %mul3A_127, %round3A : vector<20x256x128xf32>
    %mul3A_129 = arith.mulf %sub3A_128, %sub3A_128 : vector<20x256x128xf32>
    %broadcast_in_dim3A_130 = arith.constant -21.2831936 : f32
    %broadcast_in_dim3A_131 = vector.broadcast %broadcast_in_dim3A_130 : f32 to vector<20x256x128xf32>
    %mul3A_132 = arith.mulf %broadcast_in_dim3A_131, %mul3A_129 : vector<20x256x128xf32>
    %add3A_133 = arith.constant 58.9126472 : f32
    %add3A_134 = vector.broadcast %add3A_133 : f32 to vector<20x256x128xf32>
    %add3A_135 = arith.addf %mul3A_132, %add3A_134 : vector<20x256x128xf32>
    %mul3A_136 = arith.mulf %add3A_135, %mul3A_129 : vector<20x256x128xf32>
    %add3A_137 = arith.constant -85.2959899 : f32
    %add3A_138 = vector.broadcast %add3A_137 : f32 to vector<20x256x128xf32>
    %add3A_139 = arith.addf %mul3A_136, %add3A_138 : vector<20x256x128xf32>
    %mul3A_140 = arith.mulf %add3A_139, %mul3A_129 : vector<20x256x128xf32>
    %add3A_141 = arith.constant 64.9306182 : f32
    %add3A_142 = vector.broadcast %add3A_141 : f32 to vector<20x256x128xf32>
    %add3A_143 = arith.addf %mul3A_140, %add3A_142 : vector<20x256x128xf32>
    %mul3A_144 = arith.mulf %add3A_143, %mul3A_129 : vector<20x256x128xf32>
    %add3A_145 = arith.constant -19.7390347 : f32
    %add3A_146 = vector.broadcast %add3A_145 : f32 to vector<20x256x128xf32>
    %add3A_147 = arith.addf %mul3A_144, %add3A_146 : vector<20x256x128xf32>
    %mul3A_148 = arith.mulf %add3A_147, %mul3A_129 : vector<20x256x128xf32>
    %add3A_149 = arith.constant 0.999999463 : f32
    %add3A_150 = vector.broadcast %add3A_149 : f32 to vector<20x256x128xf32>
    %add3A_151 = arith.addf %mul3A_148, %add3A_150 : vector<20x256x128xf32>
    %reshape3A = vector.shape_cast %add3A_151 : vector<20x256x128xf32> to vector<5120x128xf32>
    %convert_element_type3A_152 = arith.truncf %reshape3A : vector<5120x128xf32> to vector<5120x128xbf16>
    %get3A_153 = arith.constant 0 : index
    %get3A_154 = arith.constant 0 : index
    %get3A_155 = arith.constant 0 : index
    %get3A_156 = vector.load %arg1[%get3A_153, %get3A_154, %get3A_155] : memref<20x256x128xbf16, #tpu.memory_space<vmem>>, vector<20x256x128xbf16>
    %reshape3A_157 = vector.shape_cast %get3A_156 : vector<20x256x128xbf16> to vector<5120x128xbf16>
    %get3A_158 = arith.constant 0 : index
    %get3A_159 = arith.constant 0 : index
    %get3A_160 = arith.constant 0 : index
    %get3A_161 = vector.load %arg2[%get3A_158, %get3A_159, %get3A_160] : memref<20x256x16xf32, #tpu.memory_space<vmem>>, vector<20x256x16xf32>
    %reshape3A_162 = vector.shape_cast %get3A_161 : vector<20x256x16xf32> to vector<5120x16xf32>
    %convert_element_type3A_163 = arith.truncf %reshape3A_162 : vector<5120x16xf32> to vector<5120x16xbf16>
    %get3A_164 = arith.constant 0 : index
    %get3A_165 = arith.constant 0 : index
    %get3A_166 = vector.load %arg8[%get3A_164, %get3A_165] : memref<272x256xbf16, #tpu.memory_space<vmem>>, vector<128x256xbf16>
    %dot_general3A_167 = arith.constant dense<0.000000e+00> : vector<5120x256xf32>
    %dot_general3A_168 = tpu.matmul %reshape3A_157, %get3A_166, %dot_general3A_167 {dimension_numbers = #tpu.dot_dimension_numbers<[1], [0], [0], [1], [0, 0, 1, 1], [], []>, transpose_lhs_hint = false} : vector<5120x128xbf16>, vector<128x256xbf16>, vector<5120x256xf32> -> vector<5120x256xf32>
    %get3A_169 = arith.constant 128 : index
    %get3A_170 = arith.constant 0 : index
    %get3A_171 = vector.load %arg8[%get3A_169, %get3A_170] : memref<272x256xbf16, #tpu.memory_space<vmem>>, vector<16x256xbf16>
    %dot_general3A_172 = arith.constant dense<0.000000e+00> : vector<5120x256xf32>
    %dot_general3A_173 = tpu.matmul %convert_element_type3A_163, %get3A_171, %dot_general3A_172 {dimension_numbers = #tpu.dot_dimension_numbers<[1], [0], [0], [1], [0, 0, 1, 1], [], []>, transpose_lhs_hint = false} : vector<5120x16xbf16>, vector<16x256xbf16>, vector<5120x256xf32> -> vector<5120x256xf32>
    %add3A_174 = arith.addf %dot_general3A_168, %dot_general3A_173 : vector<5120x256xf32>
    %get3A_175 = arith.constant 144 : index
    %get3A_176 = arith.constant 0 : index
    %get3A_177 = vector.load %arg8[%get3A_175, %get3A_176] : memref<272x256xbf16, #tpu.memory_space<vmem>>, vector<128x256xbf16>
    %dot_general3A_178 = arith.constant dense<0.000000e+00> : vector<5120x256xf32>
    %dot_general3A_179 = tpu.matmul %convert_element_type3A_152, %get3A_177, %dot_general3A_178 {dimension_numbers = #tpu.dot_dimension_numbers<[1], [0], [0], [1], [0, 0, 1, 1], [], []>, transpose_lhs_hint = false} : vector<5120x128xbf16>, vector<128x256xbf16>, vector<5120x256xf32> -> vector<5120x256xf32>
    %add3A_180 = arith.addf %add3A_174, %dot_general3A_179 : vector<5120x256xf32>
    %slice3A = vector.extract_strided_slice %add3A_180 {offsets = [0, 0], sizes = [256, 256], strides = [1, 1]} : vector<5120x256xf32> to vector<256x256xf32>
    %slice3A_181 = vector.extract_strided_slice %slice3A {offsets = [0, 0], sizes = [256, 128], strides = [1, 1]} : vector<256x256xf32> to vector<256x128xf32>
    %mul3A_182 = arith.mulf %add3A_17, %slice3A_181 : vector<256x128xf32>
    %reduce_sum3A = arith.constant dense<0.000000e+00> : vector<256xf32>
    %reduce_sum3A_183 = vector.multi_reduction <add>, %mul3A_182, %reduce_sum3A [1] : vector<256x128xf32> to vector<256xf32>
    %broadcast_in_dim3A_184 = vector.shape_cast %reduce_sum3A_183 : vector<256xf32> to vector<256x1xf32>
    %slice3A_185 = vector.extract_strided_slice %add3A_180 {offsets = [256, 0], sizes = [256, 256], strides = [1, 1]} : vector<5120x256xf32> to vector<256x256xf32>
    %slice3A_186 = vector.extract_strided_slice %slice3A_185 {offsets = [0, 0], sizes = [256, 128], strides = [1, 1]} : vector<256x256xf32> to vector<256x128xf32>
    %mul3A_187 = arith.mulf %add3A_17, %slice3A_186 : vector<256x128xf32>
    %reduce_sum3A_188 = arith.constant dense<0.000000e+00> : vector<256xf32>
    %reduce_sum3A_189 = vector.multi_reduction <add>, %mul3A_187, %reduce_sum3A_188 [1] : vector<256x128xf32> to vector<256xf32>
    %broadcast_in_dim3A_190 = vector.shape_cast %reduce_sum3A_189 : vector<256xf32> to vector<256x1xf32>
    %slice3A_191 = vector.extract_strided_slice %add3A_180 {offsets = [512, 0], sizes = [256, 256], strides = [1, 1]} : vector<5120x256xf32> to vector<256x256xf32>
    %slice3A_192 = vector.extract_strided_slice %slice3A_191 {offsets = [0, 0], sizes = [256, 128], strides = [1, 1]} : vector<256x256xf32> to vector<256x128xf32>
    %mul3A_193 = arith.mulf %add3A_17, %slice3A_192 : vector<256x128xf32>
    %reduce_sum3A_194 = arith.constant dense<0.000000e+00> : vector<256xf32>
    %reduce_sum3A_195 = vector.multi_reduction <add>, %mul3A_193, %reduce_sum3A_194 [1] : vector<256x128xf32> to vector<256xf32>
    %broadcast_in_dim3A_196 = vector.shape_cast %reduce_sum3A_195 : vector<256xf32> to vector<256x1xf32>
    %slice3A_197 = vector.extract_strided_slice %add3A_180 {offsets = [768, 0], sizes = [256, 256], strides = [1, 1]} : vector<5120x256xf32> to vector<256x256xf32>
    %slice3A_198 = vector.extract_strided_slice %slice3A_197 {offsets = [0, 0], sizes = [256, 128], strides = [1, 1]} : vector<256x256xf32> to vector<256x128xf32>
    %mul3A_199 = arith.mulf %add3A_17, %slice3A_198 : vector<256x128xf32>
    %reduce_sum3A_200 = arith.constant dense<0.000000e+00> : vector<256xf32>
    %reduce_sum3A_201 = vector.multi_reduction <add>, %mul3A_199, %reduce_sum3A_200 [1] : vector<256x128xf32> to vector<256xf32>
    %broadcast_in_dim3A_202 = vector.shape_cast %reduce_sum3A_201 : vector<256xf32> to vector<256x1xf32>
    %slice3A_203 = vector.extract_strided_slice %add3A_180 {offsets = [1024, 0], sizes = [256, 256], strides = [1, 1]} : vector<5120x256xf32> to vector<256x256xf32>
    %slice3A_204 = vector.extract_strided_slice %slice3A_203 {offsets = [0, 0], sizes = [256, 128], strides = [1, 1]} : vector<256x256xf32> to vector<256x128xf32>
    %mul3A_205 = arith.mulf %add3A_17, %slice3A_204 : vector<256x128xf32>
    %reduce_sum3A_206 = arith.constant dense<0.000000e+00> : vector<256xf32>
    %reduce_sum3A_207 = vector.multi_reduction <add>, %mul3A_205, %reduce_sum3A_206 [1] : vector<256x128xf32> to vector<256xf32>
    %broadcast_in_dim3A_208 = vector.shape_cast %reduce_sum3A_207 : vector<256xf32> to vector<256x1xf32>
    %slice3A_209 = vector.extract_strided_slice %add3A_180 {offsets = [1280, 0], sizes = [256, 256], strides = [1, 1]} : vector<5120x256xf32> to vector<256x256xf32>
    %slice3A_210 = vector.extract_strided_slice %slice3A_209 {offsets = [0, 0], sizes = [256, 128], strides = [1, 1]} : vector<256x256xf32> to vector<256x128xf32>
    %mul3A_211 = arith.mulf %add3A_17, %slice3A_210 : vector<256x128xf32>
    %reduce_sum3A_212 = arith.constant dense<0.000000e+00> : vector<256xf32>
    %reduce_sum3A_213 = vector.multi_reduction <add>, %mul3A_211, %reduce_sum3A_212 [1] : vector<256x128xf32> to vector<256xf32>
    %broadcast_in_dim3A_214 = vector.shape_cast %reduce_sum3A_213 : vector<256xf32> to vector<256x1xf32>
    %slice3A_215 = vector.extract_strided_slice %add3A_180 {offsets = [1536, 0], sizes = [256, 256], strides = [1, 1]} : vector<5120x256xf32> to vector<256x256xf32>
    %slice3A_216 = vector.extract_strided_slice %slice3A_215 {offsets = [0, 0], sizes = [256, 128], strides = [1, 1]} : vector<256x256xf32> to vector<256x128xf32>
    %mul3A_217 = arith.mulf %add3A_17, %slice3A_216 : vector<256x128xf32>
    %reduce_sum3A_218 = arith.constant dense<0.000000e+00> : vector<256xf32>
    %reduce_sum3A_219 = vector.multi_reduction <add>, %mul3A_217, %reduce_sum3A_218 [1] : vector<256x128xf32> to vector<256xf32>
    %broadcast_in_dim3A_220 = vector.shape_cast %reduce_sum3A_219 : vector<256xf32> to vector<256x1xf32>
    %slice3A_221 = vector.extract_strided_slice %add3A_180 {offsets = [1792, 0], sizes = [256, 256], strides = [1, 1]} : vector<5120x256xf32> to vector<256x256xf32>
    %slice3A_222 = vector.extract_strided_slice %slice3A_221 {offsets = [0, 0], sizes = [256, 128], strides = [1, 1]} : vector<256x256xf32> to vector<256x128xf32>
    %mul3A_223 = arith.mulf %add3A_17, %slice3A_222 : vector<256x128xf32>
    %reduce_sum3A_224 = arith.constant dense<0.000000e+00> : vector<256xf32>
    %reduce_sum3A_225 = vector.multi_reduction <add>, %mul3A_223, %reduce_sum3A_224 [1] : vector<256x128xf32> to vector<256xf32>
    %broadcast_in_dim3A_226 = vector.shape_cast %reduce_sum3A_225 : vector<256xf32> to vector<256x1xf32>
    %slice3A_227 = vector.extract_strided_slice %add3A_180 {offsets = [2048, 0], sizes = [256, 256], strides = [1, 1]} : vector<5120x256xf32> to vector<256x256xf32>
    %slice3A_228 = vector.extract_strided_slice %slice3A_227 {offsets = [0, 0], sizes = [256, 128], strides = [1, 1]} : vector<256x256xf32> to vector<256x128xf32>
    %mul3A_229 = arith.mulf %add3A_17, %slice3A_228 : vector<256x128xf32>
    %reduce_sum3A_230 = arith.constant dense<0.000000e+00> : vector<256xf32>
    %reduce_sum3A_231 = vector.multi_reduction <add>, %mul3A_229, %reduce_sum3A_230 [1] : vector<256x128xf32> to vector<256xf32>
    %broadcast_in_dim3A_232 = vector.shape_cast %reduce_sum3A_231 : vector<256xf32> to vector<256x1xf32>
    %slice3A_233 = vector.extract_strided_slice %add3A_180 {offsets = [2304, 0], sizes = [256, 256], strides = [1, 1]} : vector<5120x256xf32> to vector<256x256xf32>
    %slice3A_234 = vector.extract_strided_slice %slice3A_233 {offsets = [0, 0], sizes = [256, 128], strides = [1, 1]} : vector<256x256xf32> to vector<256x128xf32>
    %mul3A_235 = arith.mulf %add3A_17, %slice3A_234 : vector<256x128xf32>
    %reduce_sum3A_236 = arith.constant dense<0.000000e+00> : vector<256xf32>
    %reduce_sum3A_237 = vector.multi_reduction <add>, %mul3A_235, %reduce_sum3A_236 [1] : vector<256x128xf32> to vector<256xf32>
    %broadcast_in_dim3A_238 = vector.shape_cast %reduce_sum3A_237 : vector<256xf32> to vector<256x1xf32>
    %slice3A_239 = vector.extract_strided_slice %add3A_180 {offsets = [2560, 0], sizes = [256, 256], strides = [1, 1]} : vector<5120x256xf32> to vector<256x256xf32>
    %slice3A_240 = vector.extract_strided_slice %slice3A_239 {offsets = [0, 0], sizes = [256, 128], strides = [1, 1]} : vector<256x256xf32> to vector<256x128xf32>
    %mul3A_241 = arith.mulf %add3A_17, %slice3A_240 : vector<256x128xf32>
    %reduce_sum3A_242 = arith.constant dense<0.000000e+00> : vector<256xf32>
    %reduce_sum3A_243 = vector.multi_reduction <add>, %mul3A_241, %reduce_sum3A_242 [1] : vector<256x128xf32> to vector<256xf32>
    %broadcast_in_dim3A_244 = vector.shape_cast %reduce_sum3A_243 : vector<256xf32> to vector<256x1xf32>
    %slice3A_245 = vector.extract_strided_slice %add3A_180 {offsets = [2816, 0], sizes = [256, 256], strides = [1, 1]} : vector<5120x256xf32> to vector<256x256xf32>
    %slice3A_246 = vector.extract_strided_slice %slice3A_245 {offsets = [0, 0], sizes = [256, 128], strides = [1, 1]} : vector<256x256xf32> to vector<256x128xf32>
    %mul3A_247 = arith.mulf %add3A_17, %slice3A_246 : vector<256x128xf32>
    %reduce_sum3A_248 = arith.constant dense<0.000000e+00> : vector<256xf32>
    %reduce_sum3A_249 = vector.multi_reduction <add>, %mul3A_247, %reduce_sum3A_248 [1] : vector<256x128xf32> to vector<256xf32>
    %broadcast_in_dim3A_250 = vector.shape_cast %reduce_sum3A_249 : vector<256xf32> to vector<256x1xf32>
    %slice3A_251 = vector.extract_strided_slice %add3A_180 {offsets = [3072, 0], sizes = [256, 256], strides = [1, 1]} : vector<5120x256xf32> to vector<256x256xf32>
    %slice3A_252 = vector.extract_strided_slice %slice3A_251 {offsets = [0, 0], sizes = [256, 128], strides = [1, 1]} : vector<256x256xf32> to vector<256x128xf32>
    %mul3A_253 = arith.mulf %add3A_17, %slice3A_252 : vector<256x128xf32>
    %reduce_sum3A_254 = arith.constant dense<0.000000e+00> : vector<256xf32>
    %reduce_sum3A_255 = vector.multi_reduction <add>, %mul3A_253, %reduce_sum3A_254 [1] : vector<256x128xf32> to vector<256xf32>
    %broadcast_in_dim3A_256 = vector.shape_cast %reduce_sum3A_255 : vector<256xf32> to vector<256x1xf32>
    %slice3A_257 = vector.extract_strided_slice %add3A_180 {offsets = [3328, 0], sizes = [256, 256], strides = [1, 1]} : vector<5120x256xf32> to vector<256x256xf32>
    %slice3A_258 = vector.extract_strided_slice %slice3A_257 {offsets = [0, 0], sizes = [256, 128], strides = [1, 1]} : vector<256x256xf32> to vector<256x128xf32>
    %mul3A_259 = arith.mulf %add3A_17, %slice3A_258 : vector<256x128xf32>
    %reduce_sum3A_260 = arith.constant dense<0.000000e+00> : vector<256xf32>
    %reduce_sum3A_261 = vector.multi_reduction <add>, %mul3A_259, %reduce_sum3A_260 [1] : vector<256x128xf32> to vector<256xf32>
    %broadcast_in_dim3A_262 = vector.shape_cast %reduce_sum3A_261 : vector<256xf32> to vector<256x1xf32>
    %slice3A_263 = vector.extract_strided_slice %add3A_180 {offsets = [3584, 0], sizes = [256, 256], strides = [1, 1]} : vector<5120x256xf32> to vector<256x256xf32>
    %slice3A_264 = vector.extract_strided_slice %slice3A_263 {offsets = [0, 0], sizes = [256, 128], strides = [1, 1]} : vector<256x256xf32> to vector<256x128xf32>
    %mul3A_265 = arith.mulf %add3A_17, %slice3A_264 : vector<256x128xf32>
    %reduce_sum3A_266 = arith.constant dense<0.000000e+00> : vector<256xf32>
    %reduce_sum3A_267 = vector.multi_reduction <add>, %mul3A_265, %reduce_sum3A_266 [1] : vector<256x128xf32> to vector<256xf32>
    %broadcast_in_dim3A_268 = vector.shape_cast %reduce_sum3A_267 : vector<256xf32> to vector<256x1xf32>
    %slice3A_269 = vector.extract_strided_slice %add3A_180 {offsets = [3840, 0], sizes = [256, 256], strides = [1, 1]} : vector<5120x256xf32> to vector<256x256xf32>
    %slice3A_270 = vector.extract_strided_slice %slice3A_269 {offsets = [0, 0], sizes = [256, 128], strides = [1, 1]} : vector<256x256xf32> to vector<256x128xf32>
    %mul3A_271 = arith.mulf %add3A_17, %slice3A_270 : vector<256x128xf32>
    %reduce_sum3A_272 = arith.constant dense<0.000000e+00> : vector<256xf32>
    %reduce_sum3A_273 = vector.multi_reduction <add>, %mul3A_271, %reduce_sum3A_272 [1] : vector<256x128xf32> to vector<256xf32>
    %broadcast_in_dim3A_274 = vector.shape_cast %reduce_sum3A_273 : vector<256xf32> to vector<256x1xf32>
    %slice3A_275 = vector.extract_strided_slice %add3A_180 {offsets = [4096, 0], sizes = [256, 256], strides = [1, 1]} : vector<5120x256xf32> to vector<256x256xf32>
    %slice3A_276 = vector.extract_strided_slice %slice3A_275 {offsets = [0, 0], sizes = [256, 128], strides = [1, 1]} : vector<256x256xf32> to vector<256x128xf32>
    %mul3A_277 = arith.mulf %add3A_17, %slice3A_276 : vector<256x128xf32>
    %reduce_sum3A_278 = arith.constant dense<0.000000e+00> : vector<256xf32>
    %reduce_sum3A_279 = vector.multi_reduction <add>, %mul3A_277, %reduce_sum3A_278 [1] : vector<256x128xf32> to vector<256xf32>
    %broadcast_in_dim3A_280 = vector.shape_cast %reduce_sum3A_279 : vector<256xf32> to vector<256x1xf32>
    %slice3A_281 = vector.extract_strided_slice %add3A_180 {offsets = [4352, 0], sizes = [256, 256], strides = [1, 1]} : vector<5120x256xf32> to vector<256x256xf32>
    %slice3A_282 = vector.extract_strided_slice %slice3A_281 {offsets = [0, 0], sizes = [256, 128], strides = [1, 1]} : vector<256x256xf32> to vector<256x128xf32>
    %mul3A_283 = arith.mulf %add3A_17, %slice3A_282 : vector<256x128xf32>
    %reduce_sum3A_284 = arith.constant dense<0.000000e+00> : vector<256xf32>
    %reduce_sum3A_285 = vector.multi_reduction <add>, %mul3A_283, %reduce_sum3A_284 [1] : vector<256x128xf32> to vector<256xf32>
    %broadcast_in_dim3A_286 = vector.shape_cast %reduce_sum3A_285 : vector<256xf32> to vector<256x1xf32>
    %slice3A_287 = vector.extract_strided_slice %add3A_180 {offsets = [4608, 0], sizes = [256, 256], strides = [1, 1]} : vector<5120x256xf32> to vector<256x256xf32>
    %slice3A_288 = vector.extract_strided_slice %slice3A_287 {offsets = [0, 0], sizes = [256, 128], strides = [1, 1]} : vector<256x256xf32> to vector<256x128xf32>
    %mul3A_289 = arith.mulf %add3A_17, %slice3A_288 : vector<256x128xf32>
    %reduce_sum3A_290 = arith.constant dense<0.000000e+00> : vector<256xf32>
    %reduce_sum3A_291 = vector.multi_reduction <add>, %mul3A_289, %reduce_sum3A_290 [1] : vector<256x128xf32> to vector<256xf32>
    %broadcast_in_dim3A_292 = vector.shape_cast %reduce_sum3A_291 : vector<256xf32> to vector<256x1xf32>
    %slice3A_293 = vector.extract_strided_slice %add3A_180 {offsets = [4864, 0], sizes = [256, 256], strides = [1, 1]} : vector<5120x256xf32> to vector<256x256xf32>
    %slice3A_294 = vector.extract_strided_slice %slice3A_293 {offsets = [0, 0], sizes = [256, 128], strides = [1, 1]} : vector<256x256xf32> to vector<256x128xf32>
    %mul3A_295 = arith.mulf %add3A_17, %slice3A_294 : vector<256x128xf32>
    %reduce_sum3A_296 = arith.constant dense<0.000000e+00> : vector<256xf32>
    %reduce_sum3A_297 = vector.multi_reduction <add>, %mul3A_295, %reduce_sum3A_296 [1] : vector<256x128xf32> to vector<256xf32>
    %broadcast_in_dim3A_298 = vector.shape_cast %reduce_sum3A_297 : vector<256xf32> to vector<256x1xf32>
    %concatenate3A = tpu.concatenate %broadcast_in_dim3A_184, %broadcast_in_dim3A_190, %broadcast_in_dim3A_196, %broadcast_in_dim3A_202, %broadcast_in_dim3A_208, %broadcast_in_dim3A_214, %broadcast_in_dim3A_220, %broadcast_in_dim3A_226, %broadcast_in_dim3A_232, %broadcast_in_dim3A_238, %broadcast_in_dim3A_244, %broadcast_in_dim3A_250, %broadcast_in_dim3A_256, %broadcast_in_dim3A_262, %broadcast_in_dim3A_268, %broadcast_in_dim3A_274, %broadcast_in_dim3A_280, %broadcast_in_dim3A_286, %broadcast_in_dim3A_292, %broadcast_in_dim3A_298 in 1 : vector<256x1xf32>, vector<256x1xf32>, vector<256x1xf32>, vector<256x1xf32>, vector<256x1xf32>, vector<256x1xf32>, vector<256x1xf32>, vector<256x1xf32>, vector<256x1xf32>, vector<256x1xf32>, vector<256x1xf32>, vector<256x1xf32>, vector<256x1xf32>, vector<256x1xf32>, vector<256x1xf32>, vector<256x1xf32>, vector<256x1xf32>, vector<256x1xf32>, vector<256x1xf32>, vector<256x1xf32> -> vector<256x20xf32>
    %mul3A_299 = arith.constant 0.0883883461 : f32
    %mul3A_300 = vector.broadcast %mul3A_299 : f32 to vector<256x20xf32>
    %mul3A_301 = arith.mulf %concatenate3A, %mul3A_300 : vector<256x20xf32>
    %get3A_302 = arith.constant 0 : index
    %get3A_303 = arith.constant 0 : index
    %get3A_304 = vector.load %arg5[%get3A_302, %get3A_303] : memref<256x20xi32, #tpu.memory_space<vmem>>, vector<256x20xi32>
    %eq3A = arith.constant 0 : i32
    %eq3A_305 = vector.broadcast %eq3A : i32 to vector<256x20xi32>
    %eq3A_306 = arith.cmpi eq, %get3A_304, %eq3A_305 : vector<256x20xi32>
    %jit3A = arith.constant -1.000000e+10 : f32
    %broadcast_in_dim3A_307 = vector.broadcast %jit3A : f32 to vector<256x20xf32>
    %select_n3A = arith.select %eq3A_306, %broadcast_in_dim3A_307, %mul3A_301 : vector<256x20xi1>, vector<256x20xf32>
    %reduce_max3A = arith.constant dense<0xFF800000> : vector<256xf32>
    %reduce_max3A_308 = vector.multi_reduction <maximumf>, %select_n3A, %reduce_max3A [1] : vector<256x20xf32> to vector<256xf32>
    %broadcast_in_dim3A_309 = vector.shape_cast %reduce_max3A_308 : vector<256xf32> to vector<256x1xf32>
    %sub3A_310 = vector.broadcast %broadcast_in_dim3A_309 : vector<256x1xf32> to vector<256x20xf32>
    %sub3A_311 = arith.subf %select_n3A, %sub3A_310 : vector<256x20xf32>
    %exp3A = math.exp %sub3A_311 : vector<256x20xf32>
    %reduce_sum3A_312 = arith.constant dense<0.000000e+00> : vector<256xf32>
    %reduce_sum3A_313 = vector.multi_reduction <add>, %exp3A, %reduce_sum3A_312 [1] : vector<256x20xf32> to vector<256xf32>
    %broadcast_in_dim3A_314 = vector.shape_cast %reduce_sum3A_313 : vector<256xf32> to vector<256x1xf32>
    %div3A = vector.broadcast %broadcast_in_dim3A_314 : vector<256x1xf32> to vector<256x20xf32>
    %div3A_315 = arith.divf %exp3A, %div3A : vector<256x20xf32>
    %broadcast_in_dim3A_316 = arith.constant 0.000000e+00 : f32
    %broadcast_in_dim3A_317 = vector.broadcast %broadcast_in_dim3A_316 : f32 to vector<256x128xf32>
    %slice3A_318 = vector.extract_strided_slice %add3A_180 {offsets = [0, 0], sizes = [256, 256], strides = [1, 1]} : vector<5120x256xf32> to vector<256x256xf32>
    %slice3A_319 = vector.extract_strided_slice %slice3A_318 {offsets = [0, 128], sizes = [256, 128], strides = [1, 1]} : vector<256x256xf32> to vector<256x128xf32>
    %slice3A_320 = vector.extract_strided_slice %div3A_315 {offsets = [0, 0], sizes = [256, 1], strides = [1, 1]} : vector<256x20xf32> to vector<256x1xf32>
    %mul3A_321 = vector.broadcast %slice3A_320 : vector<256x1xf32> to vector<256x128xf32>
    %mul3A_322 = arith.mulf %mul3A_321, %slice3A_319 : vector<256x128xf32>
    %add3A_323 = arith.addf %broadcast_in_dim3A_317, %mul3A_322 : vector<256x128xf32>
    %slice3A_324 = vector.extract_strided_slice %add3A_180 {offsets = [256, 0], sizes = [256, 256], strides = [1, 1]} : vector<5120x256xf32> to vector<256x256xf32>
    %slice3A_325 = vector.extract_strided_slice %slice3A_324 {offsets = [0, 128], sizes = [256, 128], strides = [1, 1]} : vector<256x256xf32> to vector<256x128xf32>
    %slice3A_326 = vector.extract_strided_slice %div3A_315 {offsets = [0, 1], sizes = [256, 1], strides = [1, 1]} : vector<256x20xf32> to vector<256x1xf32>
    %mul3A_327 = vector.broadcast %slice3A_326 : vector<256x1xf32> to vector<256x128xf32>
    %mul3A_328 = arith.mulf %mul3A_327, %slice3A_325 : vector<256x128xf32>
    %add3A_329 = arith.addf %add3A_323, %mul3A_328 : vector<256x128xf32>
    %slice3A_330 = vector.extract_strided_slice %add3A_180 {offsets = [512, 0], sizes = [256, 256], strides = [1, 1]} : vector<5120x256xf32> to vector<256x256xf32>
    %slice3A_331 = vector.extract_strided_slice %slice3A_330 {offsets = [0, 128], sizes = [256, 128], strides = [1, 1]} : vector<256x256xf32> to vector<256x128xf32>
    %slice3A_332 = vector.extract_strided_slice %div3A_315 {offsets = [0, 2], sizes = [256, 1], strides = [1, 1]} : vector<256x20xf32> to vector<256x1xf32>
    %mul3A_333 = vector.broadcast %slice3A_332 : vector<256x1xf32> to vector<256x128xf32>
    %mul3A_334 = arith.mulf %mul3A_333, %slice3A_331 : vector<256x128xf32>
    %add3A_335 = arith.addf %add3A_329, %mul3A_334 : vector<256x128xf32>
    %slice3A_336 = vector.extract_strided_slice %add3A_180 {offsets = [768, 0], sizes = [256, 256], strides = [1, 1]} : vector<5120x256xf32> to vector<256x256xf32>
    %slice3A_337 = vector.extract_strided_slice %slice3A_336 {offsets = [0, 128], sizes = [256, 128], strides = [1, 1]} : vector<256x256xf32> to vector<256x128xf32>
    %slice3A_338 = vector.extract_strided_slice %div3A_315 {offsets = [0, 3], sizes = [256, 1], strides = [1, 1]} : vector<256x20xf32> to vector<256x1xf32>
    %mul3A_339 = vector.broadcast %slice3A_338 : vector<256x1xf32> to vector<256x128xf32>
    %mul3A_340 = arith.mulf %mul3A_339, %slice3A_337 : vector<256x128xf32>
    %add3A_341 = arith.addf %add3A_335, %mul3A_340 : vector<256x128xf32>
    %slice3A_342 = vector.extract_strided_slice %add3A_180 {offsets = [1024, 0], sizes = [256, 256], strides = [1, 1]} : vector<5120x256xf32> to vector<256x256xf32>
    %slice3A_343 = vector.extract_strided_slice %slice3A_342 {offsets = [0, 128], sizes = [256, 128], strides = [1, 1]} : vector<256x256xf32> to vector<256x128xf32>
    %slice3A_344 = vector.extract_strided_slice %div3A_315 {offsets = [0, 4], sizes = [256, 1], strides = [1, 1]} : vector<256x20xf32> to vector<256x1xf32>
    %mul3A_345 = vector.broadcast %slice3A_344 : vector<256x1xf32> to vector<256x128xf32>
    %mul3A_346 = arith.mulf %mul3A_345, %slice3A_343 : vector<256x128xf32>
    %add3A_347 = arith.addf %add3A_341, %mul3A_346 : vector<256x128xf32>
    %slice3A_348 = vector.extract_strided_slice %add3A_180 {offsets = [1280, 0], sizes = [256, 256], strides = [1, 1]} : vector<5120x256xf32> to vector<256x256xf32>
    %slice3A_349 = vector.extract_strided_slice %slice3A_348 {offsets = [0, 128], sizes = [256, 128], strides = [1, 1]} : vector<256x256xf32> to vector<256x128xf32>
    %slice3A_350 = vector.extract_strided_slice %div3A_315 {offsets = [0, 5], sizes = [256, 1], strides = [1, 1]} : vector<256x20xf32> to vector<256x1xf32>
    %mul3A_351 = vector.broadcast %slice3A_350 : vector<256x1xf32> to vector<256x128xf32>
    %mul3A_352 = arith.mulf %mul3A_351, %slice3A_349 : vector<256x128xf32>
    %add3A_353 = arith.addf %add3A_347, %mul3A_352 : vector<256x128xf32>
    %slice3A_354 = vector.extract_strided_slice %add3A_180 {offsets = [1536, 0], sizes = [256, 256], strides = [1, 1]} : vector<5120x256xf32> to vector<256x256xf32>
    %slice3A_355 = vector.extract_strided_slice %slice3A_354 {offsets = [0, 128], sizes = [256, 128], strides = [1, 1]} : vector<256x256xf32> to vector<256x128xf32>
    %slice3A_356 = vector.extract_strided_slice %div3A_315 {offsets = [0, 6], sizes = [256, 1], strides = [1, 1]} : vector<256x20xf32> to vector<256x1xf32>
    %mul3A_357 = vector.broadcast %slice3A_356 : vector<256x1xf32> to vector<256x128xf32>
    %mul3A_358 = arith.mulf %mul3A_357, %slice3A_355 : vector<256x128xf32>
    %add3A_359 = arith.addf %add3A_353, %mul3A_358 : vector<256x128xf32>
    %slice3A_360 = vector.extract_strided_slice %add3A_180 {offsets = [1792, 0], sizes = [256, 256], strides = [1, 1]} : vector<5120x256xf32> to vector<256x256xf32>
    %slice3A_361 = vector.extract_strided_slice %slice3A_360 {offsets = [0, 128], sizes = [256, 128], strides = [1, 1]} : vector<256x256xf32> to vector<256x128xf32>
    %slice3A_362 = vector.extract_strided_slice %div3A_315 {offsets = [0, 7], sizes = [256, 1], strides = [1, 1]} : vector<256x20xf32> to vector<256x1xf32>
    %mul3A_363 = vector.broadcast %slice3A_362 : vector<256x1xf32> to vector<256x128xf32>
    %mul3A_364 = arith.mulf %mul3A_363, %slice3A_361 : vector<256x128xf32>
    %add3A_365 = arith.addf %add3A_359, %mul3A_364 : vector<256x128xf32>
    %slice3A_366 = vector.extract_strided_slice %add3A_180 {offsets = [2048, 0], sizes = [256, 256], strides = [1, 1]} : vector<5120x256xf32> to vector<256x256xf32>
    %slice3A_367 = vector.extract_strided_slice %slice3A_366 {offsets = [0, 128], sizes = [256, 128], strides = [1, 1]} : vector<256x256xf32> to vector<256x128xf32>
    %slice3A_368 = vector.extract_strided_slice %div3A_315 {offsets = [0, 8], sizes = [256, 1], strides = [1, 1]} : vector<256x20xf32> to vector<256x1xf32>
    %mul3A_369 = vector.broadcast %slice3A_368 : vector<256x1xf32> to vector<256x128xf32>
    %mul3A_370 = arith.mulf %mul3A_369, %slice3A_367 : vector<256x128xf32>
    %add3A_371 = arith.addf %add3A_365, %mul3A_370 : vector<256x128xf32>
    %slice3A_372 = vector.extract_strided_slice %add3A_180 {offsets = [2304, 0], sizes = [256, 256], strides = [1, 1]} : vector<5120x256xf32> to vector<256x256xf32>
    %slice3A_373 = vector.extract_strided_slice %slice3A_372 {offsets = [0, 128], sizes = [256, 128], strides = [1, 1]} : vector<256x256xf32> to vector<256x128xf32>
    %slice3A_374 = vector.extract_strided_slice %div3A_315 {offsets = [0, 9], sizes = [256, 1], strides = [1, 1]} : vector<256x20xf32> to vector<256x1xf32>
    %mul3A_375 = vector.broadcast %slice3A_374 : vector<256x1xf32> to vector<256x128xf32>
    %mul3A_376 = arith.mulf %mul3A_375, %slice3A_373 : vector<256x128xf32>
    %add3A_377 = arith.addf %add3A_371, %mul3A_376 : vector<256x128xf32>
    %slice3A_378 = vector.extract_strided_slice %add3A_180 {offsets = [2560, 0], sizes = [256, 256], strides = [1, 1]} : vector<5120x256xf32> to vector<256x256xf32>
    %slice3A_379 = vector.extract_strided_slice %slice3A_378 {offsets = [0, 128], sizes = [256, 128], strides = [1, 1]} : vector<256x256xf32> to vector<256x128xf32>
    %slice3A_380 = vector.extract_strided_slice %div3A_315 {offsets = [0, 10], sizes = [256, 1], strides = [1, 1]} : vector<256x20xf32> to vector<256x1xf32>
    %mul3A_381 = vector.broadcast %slice3A_380 : vector<256x1xf32> to vector<256x128xf32>
    %mul3A_382 = arith.mulf %mul3A_381, %slice3A_379 : vector<256x128xf32>
    %add3A_383 = arith.addf %add3A_377, %mul3A_382 : vector<256x128xf32>
    %slice3A_384 = vector.extract_strided_slice %add3A_180 {offsets = [2816, 0], sizes = [256, 256], strides = [1, 1]} : vector<5120x256xf32> to vector<256x256xf32>
    %slice3A_385 = vector.extract_strided_slice %slice3A_384 {offsets = [0, 128], sizes = [256, 128], strides = [1, 1]} : vector<256x256xf32> to vector<256x128xf32>
    %slice3A_386 = vector.extract_strided_slice %div3A_315 {offsets = [0, 11], sizes = [256, 1], strides = [1, 1]} : vector<256x20xf32> to vector<256x1xf32>
    %mul3A_387 = vector.broadcast %slice3A_386 : vector<256x1xf32> to vector<256x128xf32>
    %mul3A_388 = arith.mulf %mul3A_387, %slice3A_385 : vector<256x128xf32>
    %add3A_389 = arith.addf %add3A_383, %mul3A_388 : vector<256x128xf32>
    %slice3A_390 = vector.extract_strided_slice %add3A_180 {offsets = [3072, 0], sizes = [256, 256], strides = [1, 1]} : vector<5120x256xf32> to vector<256x256xf32>
    %slice3A_391 = vector.extract_strided_slice %slice3A_390 {offsets = [0, 128], sizes = [256, 128], strides = [1, 1]} : vector<256x256xf32> to vector<256x128xf32>
    %slice3A_392 = vector.extract_strided_slice %div3A_315 {offsets = [0, 12], sizes = [256, 1], strides = [1, 1]} : vector<256x20xf32> to vector<256x1xf32>
    %mul3A_393 = vector.broadcast %slice3A_392 : vector<256x1xf32> to vector<256x128xf32>
    %mul3A_394 = arith.mulf %mul3A_393, %slice3A_391 : vector<256x128xf32>
    %add3A_395 = arith.addf %add3A_389, %mul3A_394 : vector<256x128xf32>
    %slice3A_396 = vector.extract_strided_slice %add3A_180 {offsets = [3328, 0], sizes = [256, 256], strides = [1, 1]} : vector<5120x256xf32> to vector<256x256xf32>
    %slice3A_397 = vector.extract_strided_slice %slice3A_396 {offsets = [0, 128], sizes = [256, 128], strides = [1, 1]} : vector<256x256xf32> to vector<256x128xf32>
    %slice3A_398 = vector.extract_strided_slice %div3A_315 {offsets = [0, 13], sizes = [256, 1], strides = [1, 1]} : vector<256x20xf32> to vector<256x1xf32>
    %mul3A_399 = vector.broadcast %slice3A_398 : vector<256x1xf32> to vector<256x128xf32>
    %mul3A_400 = arith.mulf %mul3A_399, %slice3A_397 : vector<256x128xf32>
    %add3A_401 = arith.addf %add3A_395, %mul3A_400 : vector<256x128xf32>
    %slice3A_402 = vector.extract_strided_slice %add3A_180 {offsets = [3584, 0], sizes = [256, 256], strides = [1, 1]} : vector<5120x256xf32> to vector<256x256xf32>
    %slice3A_403 = vector.extract_strided_slice %slice3A_402 {offsets = [0, 128], sizes = [256, 128], strides = [1, 1]} : vector<256x256xf32> to vector<256x128xf32>
    %slice3A_404 = vector.extract_strided_slice %div3A_315 {offsets = [0, 14], sizes = [256, 1], strides = [1, 1]} : vector<256x20xf32> to vector<256x1xf32>
    %mul3A_405 = vector.broadcast %slice3A_404 : vector<256x1xf32> to vector<256x128xf32>
    %mul3A_406 = arith.mulf %mul3A_405, %slice3A_403 : vector<256x128xf32>
    %add3A_407 = arith.addf %add3A_401, %mul3A_406 : vector<256x128xf32>
    %slice3A_408 = vector.extract_strided_slice %add3A_180 {offsets = [3840, 0], sizes = [256, 256], strides = [1, 1]} : vector<5120x256xf32> to vector<256x256xf32>
    %slice3A_409 = vector.extract_strided_slice %slice3A_408 {offsets = [0, 128], sizes = [256, 128], strides = [1, 1]} : vector<256x256xf32> to vector<256x128xf32>
    %slice3A_410 = vector.extract_strided_slice %div3A_315 {offsets = [0, 15], sizes = [256, 1], strides = [1, 1]} : vector<256x20xf32> to vector<256x1xf32>
    %mul3A_411 = vector.broadcast %slice3A_410 : vector<256x1xf32> to vector<256x128xf32>
    %mul3A_412 = arith.mulf %mul3A_411, %slice3A_409 : vector<256x128xf32>
    %add3A_413 = arith.addf %add3A_407, %mul3A_412 : vector<256x128xf32>
    %slice3A_414 = vector.extract_strided_slice %add3A_180 {offsets = [4096, 0], sizes = [256, 256], strides = [1, 1]} : vector<5120x256xf32> to vector<256x256xf32>
    %slice3A_415 = vector.extract_strided_slice %slice3A_414 {offsets = [0, 128], sizes = [256, 128], strides = [1, 1]} : vector<256x256xf32> to vector<256x128xf32>
    %slice3A_416 = vector.extract_strided_slice %div3A_315 {offsets = [0, 16], sizes = [256, 1], strides = [1, 1]} : vector<256x20xf32> to vector<256x1xf32>
    %mul3A_417 = vector.broadcast %slice3A_416 : vector<256x1xf32> to vector<256x128xf32>
    %mul3A_418 = arith.mulf %mul3A_417, %slice3A_415 : vector<256x128xf32>
    %add3A_419 = arith.addf %add3A_413, %mul3A_418 : vector<256x128xf32>
    %slice3A_420 = vector.extract_strided_slice %add3A_180 {offsets = [4352, 0], sizes = [256, 256], strides = [1, 1]} : vector<5120x256xf32> to vector<256x256xf32>
    %slice3A_421 = vector.extract_strided_slice %slice3A_420 {offsets = [0, 128], sizes = [256, 128], strides = [1, 1]} : vector<256x256xf32> to vector<256x128xf32>
    %slice3A_422 = vector.extract_strided_slice %div3A_315 {offsets = [0, 17], sizes = [256, 1], strides = [1, 1]} : vector<256x20xf32> to vector<256x1xf32>
    %mul3A_423 = vector.broadcast %slice3A_422 : vector<256x1xf32> to vector<256x128xf32>
    %mul3A_424 = arith.mulf %mul3A_423, %slice3A_421 : vector<256x128xf32>
    %add3A_425 = arith.addf %add3A_419, %mul3A_424 : vector<256x128xf32>
    %slice3A_426 = vector.extract_strided_slice %add3A_180 {offsets = [4608, 0], sizes = [256, 256], strides = [1, 1]} : vector<5120x256xf32> to vector<256x256xf32>
    %slice3A_427 = vector.extract_strided_slice %slice3A_426 {offsets = [0, 128], sizes = [256, 128], strides = [1, 1]} : vector<256x256xf32> to vector<256x128xf32>
    %slice3A_428 = vector.extract_strided_slice %div3A_315 {offsets = [0, 18], sizes = [256, 1], strides = [1, 1]} : vector<256x20xf32> to vector<256x1xf32>
    %mul3A_429 = vector.broadcast %slice3A_428 : vector<256x1xf32> to vector<256x128xf32>
    %mul3A_430 = arith.mulf %mul3A_429, %slice3A_427 : vector<256x128xf32>
    %add3A_431 = arith.addf %add3A_425, %mul3A_430 : vector<256x128xf32>
    %slice3A_432 = vector.extract_strided_slice %add3A_180 {offsets = [4864, 0], sizes = [256, 256], strides = [1, 1]} : vector<5120x256xf32> to vector<256x256xf32>
    %slice3A_433 = vector.extract_strided_slice %slice3A_432 {offsets = [0, 128], sizes = [256, 128], strides = [1, 1]} : vector<256x256xf32> to vector<256x128xf32>
    %slice3A_434 = vector.extract_strided_slice %div3A_315 {offsets = [0, 19], sizes = [256, 1], strides = [1, 1]} : vector<256x20xf32> to vector<256x1xf32>
    %mul3A_435 = vector.broadcast %slice3A_434 : vector<256x1xf32> to vector<256x128xf32>
    %mul3A_436 = arith.mulf %mul3A_435, %slice3A_433 : vector<256x128xf32>
    %add3A_437 = arith.addf %add3A_431, %mul3A_436 : vector<256x128xf32>
    %convert_element_type3A_438 = arith.truncf %add3A_437 : vector<256x128xf32> to vector<256x128xbf16>
    %get3A_439 = arith.constant 0 : index
    %get3A_440 = arith.constant 0 : index
    %get3A_441 = vector.load %arg9[%get3A_439, %get3A_440] : memref<256x128xbf16, #tpu.memory_space<vmem>>, vector<128x128xbf16>
    %dot_general3A_442 = arith.constant dense<0.000000e+00> : vector<256x128xf32>
    %dot_general3A_443 = tpu.matmul %convert_element_type3A_438, %get3A_441, %dot_general3A_442 {dimension_numbers = #tpu.dot_dimension_numbers<[1], [0], [0], [1], [0, 0, 1, 1], [], []>, transpose_lhs_hint = false} : vector<256x128xbf16>, vector<128x128xbf16>, vector<256x128xf32> -> vector<256x128xf32>
    %get3A_444 = arith.constant 128 : index
    %get3A_445 = arith.constant 0 : index
    %get3A_446 = vector.load %arg9[%get3A_444, %get3A_445] : memref<256x128xbf16, #tpu.memory_space<vmem>>, vector<128x128xbf16>
    %dot_general3A_447 = arith.constant dense<0.000000e+00> : vector<256x128xf32>
    %dot_general3A_448 = tpu.matmul %get3A_7, %get3A_446, %dot_general3A_447 {dimension_numbers = #tpu.dot_dimension_numbers<[1], [0], [0], [1], [0, 0, 1, 1], [], []>, transpose_lhs_hint = false} : vector<256x128xbf16>, vector<128x128xbf16>, vector<256x128xf32> -> vector<256x128xf32>
    %add3A_449 = arith.addf %dot_general3A_443, %dot_general3A_448 : vector<256x128xf32>
    %get3A_450 = arith.constant 0 : index
    %get3A_451 = arith.constant 0 : index
    %get3A_452 = vector.load %arg10[%get3A_450, %get3A_451] : memref<1x128xf32, #tpu.memory_space<vmem>>, vector<1x128xf32>
    %add3A_453 = vector.broadcast %get3A_452 : vector<1x128xf32> to vector<256x128xf32>
    %add3A_454 = arith.addf %add3A_449, %add3A_453 : vector<256x128xf32>
    %max3A = arith.constant 0.000000e+00 : f32
    %max3A_455 = vector.broadcast %max3A : f32 to vector<256x128xf32>
    %max3A_456 = arith.maximumf %add3A_454, %max3A_455 : vector<256x128xf32>
    %convert_element_type3A_457 = arith.truncf %max3A_456 : vector<256x128xf32> to vector<256x128xbf16>
    %get3A_458 = arith.constant 0 : index
    %get3A_459 = arith.constant 0 : index
    %get3A_460 = vector.load %arg11[%get3A_458, %get3A_459] : memref<128x128xbf16, #tpu.memory_space<vmem>>, vector<128x128xbf16>
    %dot_general3A_461 = arith.constant dense<0.000000e+00> : vector<256x128xf32>
    %dot_general3A_462 = tpu.matmul %convert_element_type3A_457, %get3A_460, %dot_general3A_461 {dimension_numbers = #tpu.dot_dimension_numbers<[1], [0], [0], [1], [0, 0, 1, 1], [], []>, transpose_lhs_hint = false} : vector<256x128xbf16>, vector<128x128xbf16>, vector<256x128xf32> -> vector<256x128xf32>
    %get3A_463 = arith.constant 0 : index
    %get3A_464 = arith.constant 0 : index
    %get3A_465 = vector.load %arg12[%get3A_463, %get3A_464] : memref<1x128xf32, #tpu.memory_space<vmem>>, vector<1x128xf32>
    %add3A_466 = vector.broadcast %get3A_465 : vector<1x128xf32> to vector<256x128xf32>
    %add3A_467 = arith.addf %dot_general3A_462, %add3A_466 : vector<256x128xf32>
    %convert_element_type3A_468 = arith.truncf %add3A_467 : vector<256x128xf32> to vector<256x128xbf16>
    %swap3A = arith.constant 0 : index
    %swap3A_469 = arith.constant 0 : index
    %swap3A_470 = vector.load %arg15[%swap3A, %swap3A_469] : memref<256x128xbf16, #tpu.memory_space<vmem>>, vector<256x128xbf16>
    tpu.vector_store %arg15[%swap3A, %swap3A_469], %convert_element_type3A_468 {strides = array<i32>} : memref<256x128xbf16, #tpu.memory_space<vmem>>, vector<256x128xbf16>,
    return
  }
  func.func @transform_0(%arg0: i32) -> (i32, i32, i32) {
    %c0_i32 = arith.constant 0 : i32
    %c0_i32_0 = arith.constant 0 : i32
    %c0_i32_1 = arith.constant 0 : i32
    return %c0_i32, %arg0, %c0_i32_0 : i32, i32, i32
  }
  func.func @transform_1(%arg0: i32) -> (i32, i32, i32) {
    %c0_i32 = arith.constant 0 : i32
    %c0_i32_0 = arith.constant 0 : i32
    %c0_i32_1 = arith.constant 0 : i32
    return %c0_i32, %arg0, %c0_i32_0 : i32, i32, i32
  }
  func.func @transform_2(%arg0: i32) -> (i32, i32) {
    %c0_i32 = arith.constant 0 : i32
    %c0_i32_0 = arith.constant 0 : i32
    return %arg0, %c0_i32 : i32, i32
  }
  func.func @transform_3(%arg0: i32) -> (i32, i32) {
    %c0_i32 = arith.constant 0 : i32
    %c0_i32_0 = arith.constant 0 : i32
    return %arg0, %c0_i32 : i32, i32
  }
  func.func @transform_4(%arg0: i32) -> (i32, i32) {
    %c0_i32 = arith.constant 0 : i32
    %c0_i32_0 = arith.constant 0 : i32
    return %arg0, %c0_i32 : i32, i32
  }
  func.func @transform_5(%arg0: i32) -> (i32, i32) {
    %c0_i32 = arith.constant 0 : i32
    %c0_i32_0 = arith.constant 0 : i32
    return %arg0, %c0_i32 : i32, i32
  }
  func.func @transform_6(%arg0: i32) -> (i32, i32) {
    %c0_i32 = arith.constant 0 : i32
    %c0_i32_0 = arith.constant 0 : i32
    %c0_i32_1 = arith.constant 0 : i32
    return %c0_i32, %c0_i32_0 : i32, i32
  }
  func.func @transform_7(%arg0: i32) -> (i32, i32) {
    %c0_i32 = arith.constant 0 : i32
    %c0_i32_0 = arith.constant 0 : i32
    %c0_i32_1 = arith.constant 0 : i32
    return %c0_i32, %c0_i32_0 : i32, i32
  }
  func.func @transform_8(%arg0: i32) -> (i32, i32) {
    %c0_i32 = arith.constant 0 : i32
    %c0_i32_0 = arith.constant 0 : i32
    %c0_i32_1 = arith.constant 0 : i32
    return %c0_i32, %c0_i32_0 : i32, i32
  }
  func.func @transform_9(%arg0: i32) -> (i32, i32) {
    %c0_i32 = arith.constant 0 : i32
    %c0_i32_0 = arith.constant 0 : i32
    %c0_i32_1 = arith.constant 0 : i32
    return %c0_i32, %c0_i32_0 : i32, i32
  }
  func.func @transform_10(%arg0: i32) -> (i32, i32) {
    %c0_i32 = arith.constant 0 : i32
    %c0_i32_0 = arith.constant 0 : i32
    %c0_i32_1 = arith.constant 0 : i32
    return %c0_i32, %c0_i32_0 : i32, i32
  }
  func.func @transform_11(%arg0: i32) -> (i32, i32) {
    %c0_i32 = arith.constant 0 : i32
    %c0_i32_0 = arith.constant 0 : i32
    %c0_i32_1 = arith.constant 0 : i32
    return %c0_i32, %c0_i32_0 : i32, i32
  }
  func.func @transform_12(%arg0: i32) -> (i32, i32) {
    %c0_i32 = arith.constant 0 : i32
    %c0_i32_0 = arith.constant 0 : i32
    %c0_i32_1 = arith.constant 0 : i32
    return %c0_i32, %c0_i32_0 : i32, i32
  }
  func.func @transform_13(%arg0: i32) -> (i32, i32) {
    %c0_i32 = arith.constant 0 : i32
    %c0_i32_0 = arith.constant 0 : i32
    %c0_i32_1 = arith.constant 0 : i32
    return %c0_i32, %c0_i32_0 : i32, i32
  }
  func.func @transform_14(%arg0: i32) -> (i32, i32) {
    %c0_i32 = arith.constant 0 : i32
    %c0_i32_0 = arith.constant 0 : i32
    return %arg0, %c0_i32 : i32, i32
  }
}

module attributes {stable_mosaic.version = 14 : i64} {
  func.func @_attn_body(%arg0: i32, %arg1: memref<20x512x128xbf16, #tpu.memory_space<vmem>>, %arg2: memref<20x512x16xf32, #tpu.memory_space<vmem>>, %arg3: memref<512x128xbf16, #tpu.memory_space<vmem>>, %arg4: memref<512x20xf32, #tpu.memory_space<vmem>>, %arg5: memref<512x20xi32, #tpu.memory_space<vmem>>, %arg6: memref<512x1xf32, #tpu.memory_space<vmem>>, %arg7: memref<256x128xf32, #tpu.memory_space<vmem>>, %arg8: memref<272x256xf32, #tpu.memory_space<vmem>>, %arg9: memref<256x128xf32, #tpu.memory_space<vmem>>, %arg10: memref<1x128xf32, #tpu.memory_space<vmem>>, %arg11: memref<128x128xf32, #tpu.memory_space<vmem>>, %arg12: memref<1x128xf32, #tpu.memory_space<vmem>>, %arg13: memref<1x128xf32, #tpu.memory_space<vmem>>, %arg14: memref<1x128xf32, #tpu.memory_space<vmem>>, %arg15: memref<512x128xf32, #tpu.memory_space<vmem>>) attributes {dimension_semantics = [#tpu.dimension_semantics<arbitrary>], iteration_bounds = array<i64: 1>, scalar_prefetch = 0 : i64, scratch_operands = 0 : i64, tpu.core_type = #tpu.core_type<tc>, window_params = [{transform_indices = @transform_0, window_bounds = array<i64: 20, 512, 128>}, {transform_indices = @transform_1, window_bounds = array<i64: 20, 512, 16>}, {transform_indices = @transform_2, window_bounds = array<i64: 512, 128>}, {transform_indices = @transform_3, window_bounds = array<i64: 512, 20>}, {transform_indices = @transform_4, window_bounds = array<i64: 512, 20>}, {transform_indices = @transform_5, window_bounds = array<i64: 512, 1>}, {pipeline_mode = #tpu.pipeline_mode<synchronous>, transform_indices = @transform_6, window_bounds = array<i64: 256, 128>}, {pipeline_mode = #tpu.pipeline_mode<synchronous>, transform_indices = @transform_7, window_bounds = array<i64: 272, 256>}, {pipeline_mode = #tpu.pipeline_mode<synchronous>, transform_indices = @transform_8, window_bounds = array<i64: 256, 128>}, {pipeline_mode = #tpu.pipeline_mode<synchronous>, transform_indices = @transform_9, window_bounds = array<i64: 1, 128>}, {pipeline_mode = #tpu.pipeline_mode<synchronous>, transform_indices = @transform_10, window_bounds = array<i64: 128, 128>}, {pipeline_mode = #tpu.pipeline_mode<synchronous>, transform_indices = @transform_11, window_bounds = array<i64: 1, 128>}, {pipeline_mode = #tpu.pipeline_mode<synchronous>, transform_indices = @transform_12, window_bounds = array<i64: 1, 128>}, {pipeline_mode = #tpu.pipeline_mode<synchronous>, transform_indices = @transform_13, window_bounds = array<i64: 1, 128>}, {transform_indices = @transform_14, window_bounds = array<i64: 512, 128>}]} {
    %get3A = arith.constant 0 : index
    %get3A_0 = arith.constant 0 : index
    %get3A_1 = vector.load %arg13[%get3A, %get3A_0] : memref<1x128xf32, #tpu.memory_space<vmem>>, vector<1x128xf32>
    %get3A_2 = arith.constant 0 : index
    %get3A_3 = arith.constant 0 : index
    %get3A_4 = vector.load %arg14[%get3A_2, %get3A_3] : memref<1x128xf32, #tpu.memory_space<vmem>>, vector<1x128xf32>
    %get3A_5 = arith.constant 0 : index
    %get3A_6 = arith.constant 0 : index
    %get3A_7 = vector.load %arg3[%get3A_5, %get3A_6] : memref<512x128xbf16, #tpu.memory_space<vmem>>, vector<512x128xbf16>
    %convert_element_type3A = arith.extf %get3A_7 : vector<512x128xbf16> to vector<512x128xf32>
    %get3A_8 = arith.constant 0 : index
    %get3A_9 = arith.constant 0 : index
    %get3A_10 = vector.load %arg7[%get3A_8, %get3A_9] : memref<256x128xf32, #tpu.memory_space<vmem>>, vector<128x128xf32>
    %dot_general3A = arith.constant dense<0.000000e+00> : vector<512x128xf32>
    %dot_general3A_11 = tpu.matmul %convert_element_type3A, %get3A_10, %dot_general3A {dimension_numbers = #tpu.dot_dimension_numbers<[1], [0], [0], [1], [0, 0, 1, 1], [], []>, transpose_lhs_hint = false} : vector<512x128xf32>, vector<128x128xf32>, vector<512x128xf32> -> vector<512x128xf32>
    %cos3A = math.cos %get3A_4 : vector<1x128xf32>
    %get3A_12 = arith.constant 128 : index
    %get3A_13 = arith.constant 0 : index
    %get3A_14 = vector.load %arg7[%get3A_12, %get3A_13] : memref<256x128xf32, #tpu.memory_space<vmem>>, vector<128x128xf32>
    %dot_general3A_15 = arith.constant dense<0.000000e+00> : vector<1x128xf32>
    %dot_general3A_16 = tpu.matmul %cos3A, %get3A_14, %dot_general3A_15 {dimension_numbers = #tpu.dot_dimension_numbers<[1], [0], [0], [1], [0, 0, 1, 1], [], []>, transpose_lhs_hint = false} : vector<1x128xf32>, vector<128x128xf32>, vector<1x128xf32> -> vector<1x128xf32>
    %add3A = vector.broadcast %dot_general3A_16 : vector<1x128xf32> to vector<512x128xf32>
    %add3A_17 = arith.addf %dot_general3A_11, %add3A : vector<512x128xf32>
    %get3A_18 = arith.constant 0 : index
    %get3A_19 = arith.constant 0 : index
    %get3A_20 = vector.load %arg6[%get3A_18, %get3A_19] : memref<512x1xf32, #tpu.memory_space<vmem>>, vector<512x1xf32>
    %get3A_21 = arith.constant 0 : index
    %get3A_22 = arith.constant 0 : index
    %get3A_23 = vector.load %arg4[%get3A_21, %get3A_22] : memref<512x20xf32, #tpu.memory_space<vmem>>, vector<512x1xf32>
    %sub3A = arith.subf %get3A_20, %get3A_23 : vector<512x1xf32>
    %get3A_24 = arith.constant 0 : index
    %get3A_25 = arith.constant 1 : index
    %get3A_26 = vector.load %arg4[%get3A_24, %get3A_25] : memref<512x20xf32, #tpu.memory_space<vmem>>, vector<512x1xf32>
    %sub3A_27 = arith.subf %get3A_20, %get3A_26 : vector<512x1xf32>
    %get3A_28 = arith.constant 0 : index
    %get3A_29 = arith.constant 2 : index
    %get3A_30 = vector.load %arg4[%get3A_28, %get3A_29] : memref<512x20xf32, #tpu.memory_space<vmem>>, vector<512x1xf32>
    %sub3A_31 = arith.subf %get3A_20, %get3A_30 : vector<512x1xf32>
    %get3A_32 = arith.constant 0 : index
    %get3A_33 = arith.constant 3 : index
    %get3A_34 = vector.load %arg4[%get3A_32, %get3A_33] : memref<512x20xf32, #tpu.memory_space<vmem>>, vector<512x1xf32>
    %sub3A_35 = arith.subf %get3A_20, %get3A_34 : vector<512x1xf32>
    %get3A_36 = arith.constant 0 : index
    %get3A_37 = arith.constant 4 : index
    %get3A_38 = vector.load %arg4[%get3A_36, %get3A_37] : memref<512x20xf32, #tpu.memory_space<vmem>>, vector<512x1xf32>
    %sub3A_39 = arith.subf %get3A_20, %get3A_38 : vector<512x1xf32>
    %get3A_40 = arith.constant 0 : index
    %get3A_41 = arith.constant 5 : index
    %get3A_42 = vector.load %arg4[%get3A_40, %get3A_41] : memref<512x20xf32, #tpu.memory_space<vmem>>, vector<512x1xf32>
    %sub3A_43 = arith.subf %get3A_20, %get3A_42 : vector<512x1xf32>
    %get3A_44 = arith.constant 0 : index
    %get3A_45 = arith.constant 6 : index
    %get3A_46 = vector.load %arg4[%get3A_44, %get3A_45] : memref<512x20xf32, #tpu.memory_space<vmem>>, vector<512x1xf32>
    %sub3A_47 = arith.subf %get3A_20, %get3A_46 : vector<512x1xf32>
    %get3A_48 = arith.constant 0 : index
    %get3A_49 = arith.constant 7 : index
    %get3A_50 = vector.load %arg4[%get3A_48, %get3A_49] : memref<512x20xf32, #tpu.memory_space<vmem>>, vector<512x1xf32>
    %sub3A_51 = arith.subf %get3A_20, %get3A_50 : vector<512x1xf32>
    %get3A_52 = arith.constant 0 : index
    %get3A_53 = arith.constant 8 : index
    %get3A_54 = vector.load %arg4[%get3A_52, %get3A_53] : memref<512x20xf32, #tpu.memory_space<vmem>>, vector<512x1xf32>
    %sub3A_55 = arith.subf %get3A_20, %get3A_54 : vector<512x1xf32>
    %get3A_56 = arith.constant 0 : index
    %get3A_57 = arith.constant 9 : index
    %get3A_58 = vector.load %arg4[%get3A_56, %get3A_57] : memref<512x20xf32, #tpu.memory_space<vmem>>, vector<512x1xf32>
    %sub3A_59 = arith.subf %get3A_20, %get3A_58 : vector<512x1xf32>
    %get3A_60 = arith.constant 0 : index
    %get3A_61 = arith.constant 10 : index
    %get3A_62 = vector.load %arg4[%get3A_60, %get3A_61] : memref<512x20xf32, #tpu.memory_space<vmem>>, vector<512x1xf32>
    %sub3A_63 = arith.subf %get3A_20, %get3A_62 : vector<512x1xf32>
    %get3A_64 = arith.constant 0 : index
    %get3A_65 = arith.constant 11 : index
    %get3A_66 = vector.load %arg4[%get3A_64, %get3A_65] : memref<512x20xf32, #tpu.memory_space<vmem>>, vector<512x1xf32>
    %sub3A_67 = arith.subf %get3A_20, %get3A_66 : vector<512x1xf32>
    %get3A_68 = arith.constant 0 : index
    %get3A_69 = arith.constant 12 : index
    %get3A_70 = vector.load %arg4[%get3A_68, %get3A_69] : memref<512x20xf32, #tpu.memory_space<vmem>>, vector<512x1xf32>
    %sub3A_71 = arith.subf %get3A_20, %get3A_70 : vector<512x1xf32>
    %get3A_72 = arith.constant 0 : index
    %get3A_73 = arith.constant 13 : index
    %get3A_74 = vector.load %arg4[%get3A_72, %get3A_73] : memref<512x20xf32, #tpu.memory_space<vmem>>, vector<512x1xf32>
    %sub3A_75 = arith.subf %get3A_20, %get3A_74 : vector<512x1xf32>
    %get3A_76 = arith.constant 0 : index
    %get3A_77 = arith.constant 14 : index
    %get3A_78 = vector.load %arg4[%get3A_76, %get3A_77] : memref<512x20xf32, #tpu.memory_space<vmem>>, vector<512x1xf32>
    %sub3A_79 = arith.subf %get3A_20, %get3A_78 : vector<512x1xf32>
    %get3A_80 = arith.constant 0 : index
    %get3A_81 = arith.constant 15 : index
    %get3A_82 = vector.load %arg4[%get3A_80, %get3A_81] : memref<512x20xf32, #tpu.memory_space<vmem>>, vector<512x1xf32>
    %sub3A_83 = arith.subf %get3A_20, %get3A_82 : vector<512x1xf32>
    %get3A_84 = arith.constant 0 : index
    %get3A_85 = arith.constant 16 : index
    %get3A_86 = vector.load %arg4[%get3A_84, %get3A_85] : memref<512x20xf32, #tpu.memory_space<vmem>>, vector<512x1xf32>
    %sub3A_87 = arith.subf %get3A_20, %get3A_86 : vector<512x1xf32>
    %get3A_88 = arith.constant 0 : index
    %get3A_89 = arith.constant 17 : index
    %get3A_90 = vector.load %arg4[%get3A_88, %get3A_89] : memref<512x20xf32, #tpu.memory_space<vmem>>, vector<512x1xf32>
    %sub3A_91 = arith.subf %get3A_20, %get3A_90 : vector<512x1xf32>
    %get3A_92 = arith.constant 0 : index
    %get3A_93 = arith.constant 18 : index
    %get3A_94 = vector.load %arg4[%get3A_92, %get3A_93] : memref<512x20xf32, #tpu.memory_space<vmem>>, vector<512x1xf32>
    %sub3A_95 = arith.subf %get3A_20, %get3A_94 : vector<512x1xf32>
    %get3A_96 = arith.constant 0 : index
    %get3A_97 = arith.constant 19 : index
    %get3A_98 = vector.load %arg4[%get3A_96, %get3A_97] : memref<512x20xf32, #tpu.memory_space<vmem>>, vector<512x1xf32>
    %sub3A_99 = arith.subf %get3A_20, %get3A_98 : vector<512x1xf32>
    %stack3A = vector.shape_cast %sub3A : vector<512x1xf32> to vector<1x512x1xf32>
    %stack3A_100 = vector.shape_cast %sub3A_27 : vector<512x1xf32> to vector<1x512x1xf32>
    %stack3A_101 = vector.shape_cast %sub3A_31 : vector<512x1xf32> to vector<1x512x1xf32>
    %stack3A_102 = vector.shape_cast %sub3A_35 : vector<512x1xf32> to vector<1x512x1xf32>
    %stack3A_103 = vector.shape_cast %sub3A_39 : vector<512x1xf32> to vector<1x512x1xf32>
    %stack3A_104 = vector.shape_cast %sub3A_43 : vector<512x1xf32> to vector<1x512x1xf32>
    %stack3A_105 = vector.shape_cast %sub3A_47 : vector<512x1xf32> to vector<1x512x1xf32>
    %stack3A_106 = vector.shape_cast %sub3A_51 : vector<512x1xf32> to vector<1x512x1xf32>
    %stack3A_107 = vector.shape_cast %sub3A_55 : vector<512x1xf32> to vector<1x512x1xf32>
    %stack3A_108 = vector.shape_cast %sub3A_59 : vector<512x1xf32> to vector<1x512x1xf32>
    %stack3A_109 = vector.shape_cast %sub3A_63 : vector<512x1xf32> to vector<1x512x1xf32>
    %stack3A_110 = vector.shape_cast %sub3A_67 : vector<512x1xf32> to vector<1x512x1xf32>
    %stack3A_111 = vector.shape_cast %sub3A_71 : vector<512x1xf32> to vector<1x512x1xf32>
    %stack3A_112 = vector.shape_cast %sub3A_75 : vector<512x1xf32> to vector<1x512x1xf32>
    %stack3A_113 = vector.shape_cast %sub3A_79 : vector<512x1xf32> to vector<1x512x1xf32>
    %stack3A_114 = vector.shape_cast %sub3A_83 : vector<512x1xf32> to vector<1x512x1xf32>
    %stack3A_115 = vector.shape_cast %sub3A_87 : vector<512x1xf32> to vector<1x512x1xf32>
    %stack3A_116 = vector.shape_cast %sub3A_91 : vector<512x1xf32> to vector<1x512x1xf32>
    %stack3A_117 = vector.shape_cast %sub3A_95 : vector<512x1xf32> to vector<1x512x1xf32>
    %stack3A_118 = vector.shape_cast %sub3A_99 : vector<512x1xf32> to vector<1x512x1xf32>
    %stack3A_119 = tpu.concatenate %stack3A, %stack3A_100, %stack3A_101, %stack3A_102, %stack3A_103, %stack3A_104, %stack3A_105, %stack3A_106, %stack3A_107, %stack3A_108, %stack3A_109, %stack3A_110, %stack3A_111, %stack3A_112, %stack3A_113, %stack3A_114, %stack3A_115, %stack3A_116, %stack3A_117, %stack3A_118 in 0 : vector<1x512x1xf32>, vector<1x512x1xf32>, vector<1x512x1xf32>, vector<1x512x1xf32>, vector<1x512x1xf32>, vector<1x512x1xf32>, vector<1x512x1xf32>, vector<1x512x1xf32>, vector<1x512x1xf32>, vector<1x512x1xf32>, vector<1x512x1xf32>, vector<1x512x1xf32>, vector<1x512x1xf32>, vector<1x512x1xf32>, vector<1x512x1xf32>, vector<1x512x1xf32>, vector<1x512x1xf32>, vector<1x512x1xf32>, vector<1x512x1xf32>, vector<1x512x1xf32> -> vector<20x512x1xf32>
    %broadcast_in_dim3A = vector.shape_cast %get3A_1 : vector<1x128xf32> to vector<1x1x128xf32>
    %mul3A = vector.broadcast %stack3A_119 : vector<20x512x1xf32> to vector<20x512x128xf32>
    %mul3A_120 = vector.broadcast %broadcast_in_dim3A : vector<1x1x128xf32> to vector<20x512x128xf32>
    %mul3A_121 = arith.mulf %mul3A, %mul3A_120 : vector<20x512x128xf32>
    %broadcast_in_dim3A_122 = vector.shape_cast %get3A_4 : vector<1x128xf32> to vector<1x1x128xf32>
    %add3A_123 = vector.broadcast %broadcast_in_dim3A_122 : vector<1x1x128xf32> to vector<20x512x128xf32>
    %add3A_124 = arith.addf %mul3A_121, %add3A_123 : vector<20x512x128xf32>
    %mul3A_125 = arith.constant 0.159154937 : f32
    %mul3A_126 = vector.broadcast %mul3A_125 : f32 to vector<20x512x128xf32>
    %mul3A_127 = arith.mulf %add3A_124, %mul3A_126 : vector<20x512x128xf32>
    %round3A = math.roundeven %mul3A_127 : vector<20x512x128xf32>
    %sub3A_128 = arith.subf %mul3A_127, %round3A : vector<20x512x128xf32>
    %mul3A_129 = arith.mulf %sub3A_128, %sub3A_128 : vector<20x512x128xf32>
    %broadcast_in_dim3A_130 = arith.constant -21.2831936 : f32
    %broadcast_in_dim3A_131 = vector.broadcast %broadcast_in_dim3A_130 : f32 to vector<20x512x128xf32>
    %mul3A_132 = arith.mulf %broadcast_in_dim3A_131, %mul3A_129 : vector<20x512x128xf32>
    %add3A_133 = arith.constant 58.9126472 : f32
    %add3A_134 = vector.broadcast %add3A_133 : f32 to vector<20x512x128xf32>
    %add3A_135 = arith.addf %mul3A_132, %add3A_134 : vector<20x512x128xf32>
    %mul3A_136 = arith.mulf %add3A_135, %mul3A_129 : vector<20x512x128xf32>
    %add3A_137 = arith.constant -85.2959899 : f32
    %add3A_138 = vector.broadcast %add3A_137 : f32 to vector<20x512x128xf32>
    %add3A_139 = arith.addf %mul3A_136, %add3A_138 : vector<20x512x128xf32>
    %mul3A_140 = arith.mulf %add3A_139, %mul3A_129 : vector<20x512x128xf32>
    %add3A_141 = arith.constant 64.9306182 : f32
    %add3A_142 = vector.broadcast %add3A_141 : f32 to vector<20x512x128xf32>
    %add3A_143 = arith.addf %mul3A_140, %add3A_142 : vector<20x512x128xf32>
    %mul3A_144 = arith.mulf %add3A_143, %mul3A_129 : vector<20x512x128xf32>
    %add3A_145 = arith.constant -19.7390347 : f32
    %add3A_146 = vector.broadcast %add3A_145 : f32 to vector<20x512x128xf32>
    %add3A_147 = arith.addf %mul3A_144, %add3A_146 : vector<20x512x128xf32>
    %mul3A_148 = arith.mulf %add3A_147, %mul3A_129 : vector<20x512x128xf32>
    %add3A_149 = arith.constant 0.999999463 : f32
    %add3A_150 = vector.broadcast %add3A_149 : f32 to vector<20x512x128xf32>
    %add3A_151 = arith.addf %mul3A_148, %add3A_150 : vector<20x512x128xf32>
    %reshape3A = vector.shape_cast %add3A_151 : vector<20x512x128xf32> to vector<10240x128xf32>
    %get3A_152 = arith.constant 0 : index
    %get3A_153 = arith.constant 0 : index
    %get3A_154 = arith.constant 0 : index
    %get3A_155 = vector.load %arg1[%get3A_152, %get3A_153, %get3A_154] : memref<20x512x128xbf16, #tpu.memory_space<vmem>>, vector<20x512x128xbf16>
    %reshape3A_156 = vector.shape_cast %get3A_155 : vector<20x512x128xbf16> to vector<10240x128xbf16>
    %convert_element_type3A_157 = arith.extf %reshape3A_156 : vector<10240x128xbf16> to vector<10240x128xf32>
    %get3A_158 = arith.constant 0 : index
    %get3A_159 = arith.constant 0 : index
    %get3A_160 = arith.constant 0 : index
    %get3A_161 = vector.load %arg2[%get3A_158, %get3A_159, %get3A_160] : memref<20x512x16xf32, #tpu.memory_space<vmem>>, vector<20x512x16xf32>
    %reshape3A_162 = vector.shape_cast %get3A_161 : vector<20x512x16xf32> to vector<10240x16xf32>
    %get3A_163 = arith.constant 0 : index
    %get3A_164 = arith.constant 0 : index
    %get3A_165 = vector.load %arg8[%get3A_163, %get3A_164] : memref<272x256xf32, #tpu.memory_space<vmem>>, vector<128x256xf32>
    %dot_general3A_166 = arith.constant dense<0.000000e+00> : vector<10240x256xf32>
    %dot_general3A_167 = tpu.matmul %convert_element_type3A_157, %get3A_165, %dot_general3A_166 {dimension_numbers = #tpu.dot_dimension_numbers<[1], [0], [0], [1], [0, 0, 1, 1], [], []>, transpose_lhs_hint = false} : vector<10240x128xf32>, vector<128x256xf32>, vector<10240x256xf32> -> vector<10240x256xf32>
    %get3A_168 = arith.constant 128 : index
    %get3A_169 = arith.constant 0 : index
    %get3A_170 = vector.load %arg8[%get3A_168, %get3A_169] : memref<272x256xf32, #tpu.memory_space<vmem>>, vector<16x256xf32>
    %dot_general3A_171 = arith.constant dense<0.000000e+00> : vector<10240x256xf32>
    %dot_general3A_172 = tpu.matmul %reshape3A_162, %get3A_170, %dot_general3A_171 {dimension_numbers = #tpu.dot_dimension_numbers<[1], [0], [0], [1], [0, 0, 1, 1], [], []>, transpose_lhs_hint = false} : vector<10240x16xf32>, vector<16x256xf32>, vector<10240x256xf32> -> vector<10240x256xf32>
    %add3A_173 = arith.addf %dot_general3A_167, %dot_general3A_172 : vector<10240x256xf32>
    %get3A_174 = arith.constant 144 : index
    %get3A_175 = arith.constant 0 : index
    %get3A_176 = vector.load %arg8[%get3A_174, %get3A_175] : memref<272x256xf32, #tpu.memory_space<vmem>>, vector<128x256xf32>
    %dot_general3A_177 = arith.constant dense<0.000000e+00> : vector<10240x256xf32>
    %dot_general3A_178 = tpu.matmul %reshape3A, %get3A_176, %dot_general3A_177 {dimension_numbers = #tpu.dot_dimension_numbers<[1], [0], [0], [1], [0, 0, 1, 1], [], []>, transpose_lhs_hint = false} : vector<10240x128xf32>, vector<128x256xf32>, vector<10240x256xf32> -> vector<10240x256xf32>
    %add3A_179 = arith.addf %add3A_173, %dot_general3A_178 : vector<10240x256xf32>
    %slice3A = vector.extract_strided_slice %add3A_179 {offsets = [0, 0], sizes = [512, 256], strides = [1, 1]} : vector<10240x256xf32> to vector<512x256xf32>
    %slice3A_180 = vector.extract_strided_slice %slice3A {offsets = [0, 0], sizes = [512, 128], strides = [1, 1]} : vector<512x256xf32> to vector<512x128xf32>
    %mul3A_181 = arith.mulf %add3A_17, %slice3A_180 : vector<512x128xf32>
    %reduce_sum3A = arith.constant dense<0.000000e+00> : vector<512xf32>
    %reduce_sum3A_182 = vector.multi_reduction <add>, %mul3A_181, %reduce_sum3A [1] : vector<512x128xf32> to vector<512xf32>
    %broadcast_in_dim3A_183 = vector.shape_cast %reduce_sum3A_182 : vector<512xf32> to vector<512x1xf32>
    %slice3A_184 = vector.extract_strided_slice %add3A_179 {offsets = [512, 0], sizes = [512, 256], strides = [1, 1]} : vector<10240x256xf32> to vector<512x256xf32>
    %slice3A_185 = vector.extract_strided_slice %slice3A_184 {offsets = [0, 0], sizes = [512, 128], strides = [1, 1]} : vector<512x256xf32> to vector<512x128xf32>
    %mul3A_186 = arith.mulf %add3A_17, %slice3A_185 : vector<512x128xf32>
    %reduce_sum3A_187 = arith.constant dense<0.000000e+00> : vector<512xf32>
    %reduce_sum3A_188 = vector.multi_reduction <add>, %mul3A_186, %reduce_sum3A_187 [1] : vector<512x128xf32> to vector<512xf32>
    %broadcast_in_dim3A_189 = vector.shape_cast %reduce_sum3A_188 : vector<512xf32> to vector<512x1xf32>
    %slice3A_190 = vector.extract_strided_slice %add3A_179 {offsets = [1024, 0], sizes = [512, 256], strides = [1, 1]} : vector<10240x256xf32> to vector<512x256xf32>
    %slice3A_191 = vector.extract_strided_slice %slice3A_190 {offsets = [0, 0], sizes = [512, 128], strides = [1, 1]} : vector<512x256xf32> to vector<512x128xf32>
    %mul3A_192 = arith.mulf %add3A_17, %slice3A_191 : vector<512x128xf32>
    %reduce_sum3A_193 = arith.constant dense<0.000000e+00> : vector<512xf32>
    %reduce_sum3A_194 = vector.multi_reduction <add>, %mul3A_192, %reduce_sum3A_193 [1] : vector<512x128xf32> to vector<512xf32>
    %broadcast_in_dim3A_195 = vector.shape_cast %reduce_sum3A_194 : vector<512xf32> to vector<512x1xf32>
    %slice3A_196 = vector.extract_strided_slice %add3A_179 {offsets = [1536, 0], sizes = [512, 256], strides = [1, 1]} : vector<10240x256xf32> to vector<512x256xf32>
    %slice3A_197 = vector.extract_strided_slice %slice3A_196 {offsets = [0, 0], sizes = [512, 128], strides = [1, 1]} : vector<512x256xf32> to vector<512x128xf32>
    %mul3A_198 = arith.mulf %add3A_17, %slice3A_197 : vector<512x128xf32>
    %reduce_sum3A_199 = arith.constant dense<0.000000e+00> : vector<512xf32>
    %reduce_sum3A_200 = vector.multi_reduction <add>, %mul3A_198, %reduce_sum3A_199 [1] : vector<512x128xf32> to vector<512xf32>
    %broadcast_in_dim3A_201 = vector.shape_cast %reduce_sum3A_200 : vector<512xf32> to vector<512x1xf32>
    %slice3A_202 = vector.extract_strided_slice %add3A_179 {offsets = [2048, 0], sizes = [512, 256], strides = [1, 1]} : vector<10240x256xf32> to vector<512x256xf32>
    %slice3A_203 = vector.extract_strided_slice %slice3A_202 {offsets = [0, 0], sizes = [512, 128], strides = [1, 1]} : vector<512x256xf32> to vector<512x128xf32>
    %mul3A_204 = arith.mulf %add3A_17, %slice3A_203 : vector<512x128xf32>
    %reduce_sum3A_205 = arith.constant dense<0.000000e+00> : vector<512xf32>
    %reduce_sum3A_206 = vector.multi_reduction <add>, %mul3A_204, %reduce_sum3A_205 [1] : vector<512x128xf32> to vector<512xf32>
    %broadcast_in_dim3A_207 = vector.shape_cast %reduce_sum3A_206 : vector<512xf32> to vector<512x1xf32>
    %slice3A_208 = vector.extract_strided_slice %add3A_179 {offsets = [2560, 0], sizes = [512, 256], strides = [1, 1]} : vector<10240x256xf32> to vector<512x256xf32>
    %slice3A_209 = vector.extract_strided_slice %slice3A_208 {offsets = [0, 0], sizes = [512, 128], strides = [1, 1]} : vector<512x256xf32> to vector<512x128xf32>
    %mul3A_210 = arith.mulf %add3A_17, %slice3A_209 : vector<512x128xf32>
    %reduce_sum3A_211 = arith.constant dense<0.000000e+00> : vector<512xf32>
    %reduce_sum3A_212 = vector.multi_reduction <add>, %mul3A_210, %reduce_sum3A_211 [1] : vector<512x128xf32> to vector<512xf32>
    %broadcast_in_dim3A_213 = vector.shape_cast %reduce_sum3A_212 : vector<512xf32> to vector<512x1xf32>
    %slice3A_214 = vector.extract_strided_slice %add3A_179 {offsets = [3072, 0], sizes = [512, 256], strides = [1, 1]} : vector<10240x256xf32> to vector<512x256xf32>
    %slice3A_215 = vector.extract_strided_slice %slice3A_214 {offsets = [0, 0], sizes = [512, 128], strides = [1, 1]} : vector<512x256xf32> to vector<512x128xf32>
    %mul3A_216 = arith.mulf %add3A_17, %slice3A_215 : vector<512x128xf32>
    %reduce_sum3A_217 = arith.constant dense<0.000000e+00> : vector<512xf32>
    %reduce_sum3A_218 = vector.multi_reduction <add>, %mul3A_216, %reduce_sum3A_217 [1] : vector<512x128xf32> to vector<512xf32>
    %broadcast_in_dim3A_219 = vector.shape_cast %reduce_sum3A_218 : vector<512xf32> to vector<512x1xf32>
    %slice3A_220 = vector.extract_strided_slice %add3A_179 {offsets = [3584, 0], sizes = [512, 256], strides = [1, 1]} : vector<10240x256xf32> to vector<512x256xf32>
    %slice3A_221 = vector.extract_strided_slice %slice3A_220 {offsets = [0, 0], sizes = [512, 128], strides = [1, 1]} : vector<512x256xf32> to vector<512x128xf32>
    %mul3A_222 = arith.mulf %add3A_17, %slice3A_221 : vector<512x128xf32>
    %reduce_sum3A_223 = arith.constant dense<0.000000e+00> : vector<512xf32>
    %reduce_sum3A_224 = vector.multi_reduction <add>, %mul3A_222, %reduce_sum3A_223 [1] : vector<512x128xf32> to vector<512xf32>
    %broadcast_in_dim3A_225 = vector.shape_cast %reduce_sum3A_224 : vector<512xf32> to vector<512x1xf32>
    %slice3A_226 = vector.extract_strided_slice %add3A_179 {offsets = [4096, 0], sizes = [512, 256], strides = [1, 1]} : vector<10240x256xf32> to vector<512x256xf32>
    %slice3A_227 = vector.extract_strided_slice %slice3A_226 {offsets = [0, 0], sizes = [512, 128], strides = [1, 1]} : vector<512x256xf32> to vector<512x128xf32>
    %mul3A_228 = arith.mulf %add3A_17, %slice3A_227 : vector<512x128xf32>
    %reduce_sum3A_229 = arith.constant dense<0.000000e+00> : vector<512xf32>
    %reduce_sum3A_230 = vector.multi_reduction <add>, %mul3A_228, %reduce_sum3A_229 [1] : vector<512x128xf32> to vector<512xf32>
    %broadcast_in_dim3A_231 = vector.shape_cast %reduce_sum3A_230 : vector<512xf32> to vector<512x1xf32>
    %slice3A_232 = vector.extract_strided_slice %add3A_179 {offsets = [4608, 0], sizes = [512, 256], strides = [1, 1]} : vector<10240x256xf32> to vector<512x256xf32>
    %slice3A_233 = vector.extract_strided_slice %slice3A_232 {offsets = [0, 0], sizes = [512, 128], strides = [1, 1]} : vector<512x256xf32> to vector<512x128xf32>
    %mul3A_234 = arith.mulf %add3A_17, %slice3A_233 : vector<512x128xf32>
    %reduce_sum3A_235 = arith.constant dense<0.000000e+00> : vector<512xf32>
    %reduce_sum3A_236 = vector.multi_reduction <add>, %mul3A_234, %reduce_sum3A_235 [1] : vector<512x128xf32> to vector<512xf32>
    %broadcast_in_dim3A_237 = vector.shape_cast %reduce_sum3A_236 : vector<512xf32> to vector<512x1xf32>
    %slice3A_238 = vector.extract_strided_slice %add3A_179 {offsets = [5120, 0], sizes = [512, 256], strides = [1, 1]} : vector<10240x256xf32> to vector<512x256xf32>
    %slice3A_239 = vector.extract_strided_slice %slice3A_238 {offsets = [0, 0], sizes = [512, 128], strides = [1, 1]} : vector<512x256xf32> to vector<512x128xf32>
    %mul3A_240 = arith.mulf %add3A_17, %slice3A_239 : vector<512x128xf32>
    %reduce_sum3A_241 = arith.constant dense<0.000000e+00> : vector<512xf32>
    %reduce_sum3A_242 = vector.multi_reduction <add>, %mul3A_240, %reduce_sum3A_241 [1] : vector<512x128xf32> to vector<512xf32>
    %broadcast_in_dim3A_243 = vector.shape_cast %reduce_sum3A_242 : vector<512xf32> to vector<512x1xf32>
    %slice3A_244 = vector.extract_strided_slice %add3A_179 {offsets = [5632, 0], sizes = [512, 256], strides = [1, 1]} : vector<10240x256xf32> to vector<512x256xf32>
    %slice3A_245 = vector.extract_strided_slice %slice3A_244 {offsets = [0, 0], sizes = [512, 128], strides = [1, 1]} : vector<512x256xf32> to vector<512x128xf32>
    %mul3A_246 = arith.mulf %add3A_17, %slice3A_245 : vector<512x128xf32>
    %reduce_sum3A_247 = arith.constant dense<0.000000e+00> : vector<512xf32>
    %reduce_sum3A_248 = vector.multi_reduction <add>, %mul3A_246, %reduce_sum3A_247 [1] : vector<512x128xf32> to vector<512xf32>
    %broadcast_in_dim3A_249 = vector.shape_cast %reduce_sum3A_248 : vector<512xf32> to vector<512x1xf32>
    %slice3A_250 = vector.extract_strided_slice %add3A_179 {offsets = [6144, 0], sizes = [512, 256], strides = [1, 1]} : vector<10240x256xf32> to vector<512x256xf32>
    %slice3A_251 = vector.extract_strided_slice %slice3A_250 {offsets = [0, 0], sizes = [512, 128], strides = [1, 1]} : vector<512x256xf32> to vector<512x128xf32>
    %mul3A_252 = arith.mulf %add3A_17, %slice3A_251 : vector<512x128xf32>
    %reduce_sum3A_253 = arith.constant dense<0.000000e+00> : vector<512xf32>
    %reduce_sum3A_254 = vector.multi_reduction <add>, %mul3A_252, %reduce_sum3A_253 [1] : vector<512x128xf32> to vector<512xf32>
    %broadcast_in_dim3A_255 = vector.shape_cast %reduce_sum3A_254 : vector<512xf32> to vector<512x1xf32>
    %slice3A_256 = vector.extract_strided_slice %add3A_179 {offsets = [6656, 0], sizes = [512, 256], strides = [1, 1]} : vector<10240x256xf32> to vector<512x256xf32>
    %slice3A_257 = vector.extract_strided_slice %slice3A_256 {offsets = [0, 0], sizes = [512, 128], strides = [1, 1]} : vector<512x256xf32> to vector<512x128xf32>
    %mul3A_258 = arith.mulf %add3A_17, %slice3A_257 : vector<512x128xf32>
    %reduce_sum3A_259 = arith.constant dense<0.000000e+00> : vector<512xf32>
    %reduce_sum3A_260 = vector.multi_reduction <add>, %mul3A_258, %reduce_sum3A_259 [1] : vector<512x128xf32> to vector<512xf32>
    %broadcast_in_dim3A_261 = vector.shape_cast %reduce_sum3A_260 : vector<512xf32> to vector<512x1xf32>
    %slice3A_262 = vector.extract_strided_slice %add3A_179 {offsets = [7168, 0], sizes = [512, 256], strides = [1, 1]} : vector<10240x256xf32> to vector<512x256xf32>
    %slice3A_263 = vector.extract_strided_slice %slice3A_262 {offsets = [0, 0], sizes = [512, 128], strides = [1, 1]} : vector<512x256xf32> to vector<512x128xf32>
    %mul3A_264 = arith.mulf %add3A_17, %slice3A_263 : vector<512x128xf32>
    %reduce_sum3A_265 = arith.constant dense<0.000000e+00> : vector<512xf32>
    %reduce_sum3A_266 = vector.multi_reduction <add>, %mul3A_264, %reduce_sum3A_265 [1] : vector<512x128xf32> to vector<512xf32>
    %broadcast_in_dim3A_267 = vector.shape_cast %reduce_sum3A_266 : vector<512xf32> to vector<512x1xf32>
    %slice3A_268 = vector.extract_strided_slice %add3A_179 {offsets = [7680, 0], sizes = [512, 256], strides = [1, 1]} : vector<10240x256xf32> to vector<512x256xf32>
    %slice3A_269 = vector.extract_strided_slice %slice3A_268 {offsets = [0, 0], sizes = [512, 128], strides = [1, 1]} : vector<512x256xf32> to vector<512x128xf32>
    %mul3A_270 = arith.mulf %add3A_17, %slice3A_269 : vector<512x128xf32>
    %reduce_sum3A_271 = arith.constant dense<0.000000e+00> : vector<512xf32>
    %reduce_sum3A_272 = vector.multi_reduction <add>, %mul3A_270, %reduce_sum3A_271 [1] : vector<512x128xf32> to vector<512xf32>
    %broadcast_in_dim3A_273 = vector.shape_cast %reduce_sum3A_272 : vector<512xf32> to vector<512x1xf32>
    %slice3A_274 = vector.extract_strided_slice %add3A_179 {offsets = [8192, 0], sizes = [512, 256], strides = [1, 1]} : vector<10240x256xf32> to vector<512x256xf32>
    %slice3A_275 = vector.extract_strided_slice %slice3A_274 {offsets = [0, 0], sizes = [512, 128], strides = [1, 1]} : vector<512x256xf32> to vector<512x128xf32>
    %mul3A_276 = arith.mulf %add3A_17, %slice3A_275 : vector<512x128xf32>
    %reduce_sum3A_277 = arith.constant dense<0.000000e+00> : vector<512xf32>
    %reduce_sum3A_278 = vector.multi_reduction <add>, %mul3A_276, %reduce_sum3A_277 [1] : vector<512x128xf32> to vector<512xf32>
    %broadcast_in_dim3A_279 = vector.shape_cast %reduce_sum3A_278 : vector<512xf32> to vector<512x1xf32>
    %slice3A_280 = vector.extract_strided_slice %add3A_179 {offsets = [8704, 0], sizes = [512, 256], strides = [1, 1]} : vector<10240x256xf32> to vector<512x256xf32>
    %slice3A_281 = vector.extract_strided_slice %slice3A_280 {offsets = [0, 0], sizes = [512, 128], strides = [1, 1]} : vector<512x256xf32> to vector<512x128xf32>
    %mul3A_282 = arith.mulf %add3A_17, %slice3A_281 : vector<512x128xf32>
    %reduce_sum3A_283 = arith.constant dense<0.000000e+00> : vector<512xf32>
    %reduce_sum3A_284 = vector.multi_reduction <add>, %mul3A_282, %reduce_sum3A_283 [1] : vector<512x128xf32> to vector<512xf32>
    %broadcast_in_dim3A_285 = vector.shape_cast %reduce_sum3A_284 : vector<512xf32> to vector<512x1xf32>
    %slice3A_286 = vector.extract_strided_slice %add3A_179 {offsets = [9216, 0], sizes = [512, 256], strides = [1, 1]} : vector<10240x256xf32> to vector<512x256xf32>
    %slice3A_287 = vector.extract_strided_slice %slice3A_286 {offsets = [0, 0], sizes = [512, 128], strides = [1, 1]} : vector<512x256xf32> to vector<512x128xf32>
    %mul3A_288 = arith.mulf %add3A_17, %slice3A_287 : vector<512x128xf32>
    %reduce_sum3A_289 = arith.constant dense<0.000000e+00> : vector<512xf32>
    %reduce_sum3A_290 = vector.multi_reduction <add>, %mul3A_288, %reduce_sum3A_289 [1] : vector<512x128xf32> to vector<512xf32>
    %broadcast_in_dim3A_291 = vector.shape_cast %reduce_sum3A_290 : vector<512xf32> to vector<512x1xf32>
    %slice3A_292 = vector.extract_strided_slice %add3A_179 {offsets = [9728, 0], sizes = [512, 256], strides = [1, 1]} : vector<10240x256xf32> to vector<512x256xf32>
    %slice3A_293 = vector.extract_strided_slice %slice3A_292 {offsets = [0, 0], sizes = [512, 128], strides = [1, 1]} : vector<512x256xf32> to vector<512x128xf32>
    %mul3A_294 = arith.mulf %add3A_17, %slice3A_293 : vector<512x128xf32>
    %reduce_sum3A_295 = arith.constant dense<0.000000e+00> : vector<512xf32>
    %reduce_sum3A_296 = vector.multi_reduction <add>, %mul3A_294, %reduce_sum3A_295 [1] : vector<512x128xf32> to vector<512xf32>
    %broadcast_in_dim3A_297 = vector.shape_cast %reduce_sum3A_296 : vector<512xf32> to vector<512x1xf32>
    %concatenate3A = tpu.concatenate %broadcast_in_dim3A_183, %broadcast_in_dim3A_189, %broadcast_in_dim3A_195, %broadcast_in_dim3A_201, %broadcast_in_dim3A_207, %broadcast_in_dim3A_213, %broadcast_in_dim3A_219, %broadcast_in_dim3A_225, %broadcast_in_dim3A_231, %broadcast_in_dim3A_237, %broadcast_in_dim3A_243, %broadcast_in_dim3A_249, %broadcast_in_dim3A_255, %broadcast_in_dim3A_261, %broadcast_in_dim3A_267, %broadcast_in_dim3A_273, %broadcast_in_dim3A_279, %broadcast_in_dim3A_285, %broadcast_in_dim3A_291, %broadcast_in_dim3A_297 in 1 : vector<512x1xf32>, vector<512x1xf32>, vector<512x1xf32>, vector<512x1xf32>, vector<512x1xf32>, vector<512x1xf32>, vector<512x1xf32>, vector<512x1xf32>, vector<512x1xf32>, vector<512x1xf32>, vector<512x1xf32>, vector<512x1xf32>, vector<512x1xf32>, vector<512x1xf32>, vector<512x1xf32>, vector<512x1xf32>, vector<512x1xf32>, vector<512x1xf32>, vector<512x1xf32>, vector<512x1xf32> -> vector<512x20xf32>
    %mul3A_298 = arith.constant 0.0883883461 : f32
    %mul3A_299 = vector.broadcast %mul3A_298 : f32 to vector<512x20xf32>
    %mul3A_300 = arith.mulf %concatenate3A, %mul3A_299 : vector<512x20xf32>
    %get3A_301 = arith.constant 0 : index
    %get3A_302 = arith.constant 0 : index
    %get3A_303 = vector.load %arg5[%get3A_301, %get3A_302] : memref<512x20xi32, #tpu.memory_space<vmem>>, vector<512x20xi32>
    %eq3A = arith.constant 0 : i32
    %eq3A_304 = vector.broadcast %eq3A : i32 to vector<512x20xi32>
    %eq3A_305 = arith.cmpi eq, %get3A_303, %eq3A_304 : vector<512x20xi32>
    %jit3A = arith.constant -1.000000e+10 : f32
    %broadcast_in_dim3A_306 = vector.broadcast %jit3A : f32 to vector<512x20xf32>
    %select_n3A = arith.select %eq3A_305, %broadcast_in_dim3A_306, %mul3A_300 : vector<512x20xi1>, vector<512x20xf32>
    %reduce_max3A = arith.constant dense<0xFF800000> : vector<512xf32>
    %reduce_max3A_307 = vector.multi_reduction <maximumf>, %select_n3A, %reduce_max3A [1] : vector<512x20xf32> to vector<512xf32>
    %broadcast_in_dim3A_308 = vector.shape_cast %reduce_max3A_307 : vector<512xf32> to vector<512x1xf32>
    %sub3A_309 = vector.broadcast %broadcast_in_dim3A_308 : vector<512x1xf32> to vector<512x20xf32>
    %sub3A_310 = arith.subf %select_n3A, %sub3A_309 : vector<512x20xf32>
    %exp3A = math.exp %sub3A_310 : vector<512x20xf32>
    %reduce_sum3A_311 = arith.constant dense<0.000000e+00> : vector<512xf32>
    %reduce_sum3A_312 = vector.multi_reduction <add>, %exp3A, %reduce_sum3A_311 [1] : vector<512x20xf32> to vector<512xf32>
    %broadcast_in_dim3A_313 = vector.shape_cast %reduce_sum3A_312 : vector<512xf32> to vector<512x1xf32>
    %div3A = vector.broadcast %broadcast_in_dim3A_313 : vector<512x1xf32> to vector<512x20xf32>
    %div3A_314 = arith.divf %exp3A, %div3A : vector<512x20xf32>
    %broadcast_in_dim3A_315 = arith.constant 0.000000e+00 : f32
    %broadcast_in_dim3A_316 = vector.broadcast %broadcast_in_dim3A_315 : f32 to vector<512x128xf32>
    %slice3A_317 = vector.extract_strided_slice %add3A_179 {offsets = [0, 0], sizes = [512, 256], strides = [1, 1]} : vector<10240x256xf32> to vector<512x256xf32>
    %slice3A_318 = vector.extract_strided_slice %slice3A_317 {offsets = [0, 128], sizes = [512, 128], strides = [1, 1]} : vector<512x256xf32> to vector<512x128xf32>
    %slice3A_319 = vector.extract_strided_slice %div3A_314 {offsets = [0, 0], sizes = [512, 1], strides = [1, 1]} : vector<512x20xf32> to vector<512x1xf32>
    %mul3A_320 = vector.broadcast %slice3A_319 : vector<512x1xf32> to vector<512x128xf32>
    %mul3A_321 = arith.mulf %mul3A_320, %slice3A_318 : vector<512x128xf32>
    %add3A_322 = arith.addf %broadcast_in_dim3A_316, %mul3A_321 : vector<512x128xf32>
    %slice3A_323 = vector.extract_strided_slice %add3A_179 {offsets = [512, 0], sizes = [512, 256], strides = [1, 1]} : vector<10240x256xf32> to vector<512x256xf32>
    %slice3A_324 = vector.extract_strided_slice %slice3A_323 {offsets = [0, 128], sizes = [512, 128], strides = [1, 1]} : vector<512x256xf32> to vector<512x128xf32>
    %slice3A_325 = vector.extract_strided_slice %div3A_314 {offsets = [0, 1], sizes = [512, 1], strides = [1, 1]} : vector<512x20xf32> to vector<512x1xf32>
    %mul3A_326 = vector.broadcast %slice3A_325 : vector<512x1xf32> to vector<512x128xf32>
    %mul3A_327 = arith.mulf %mul3A_326, %slice3A_324 : vector<512x128xf32>
    %add3A_328 = arith.addf %add3A_322, %mul3A_327 : vector<512x128xf32>
    %slice3A_329 = vector.extract_strided_slice %add3A_179 {offsets = [1024, 0], sizes = [512, 256], strides = [1, 1]} : vector<10240x256xf32> to vector<512x256xf32>
    %slice3A_330 = vector.extract_strided_slice %slice3A_329 {offsets = [0, 128], sizes = [512, 128], strides = [1, 1]} : vector<512x256xf32> to vector<512x128xf32>
    %slice3A_331 = vector.extract_strided_slice %div3A_314 {offsets = [0, 2], sizes = [512, 1], strides = [1, 1]} : vector<512x20xf32> to vector<512x1xf32>
    %mul3A_332 = vector.broadcast %slice3A_331 : vector<512x1xf32> to vector<512x128xf32>
    %mul3A_333 = arith.mulf %mul3A_332, %slice3A_330 : vector<512x128xf32>
    %add3A_334 = arith.addf %add3A_328, %mul3A_333 : vector<512x128xf32>
    %slice3A_335 = vector.extract_strided_slice %add3A_179 {offsets = [1536, 0], sizes = [512, 256], strides = [1, 1]} : vector<10240x256xf32> to vector<512x256xf32>
    %slice3A_336 = vector.extract_strided_slice %slice3A_335 {offsets = [0, 128], sizes = [512, 128], strides = [1, 1]} : vector<512x256xf32> to vector<512x128xf32>
    %slice3A_337 = vector.extract_strided_slice %div3A_314 {offsets = [0, 3], sizes = [512, 1], strides = [1, 1]} : vector<512x20xf32> to vector<512x1xf32>
    %mul3A_338 = vector.broadcast %slice3A_337 : vector<512x1xf32> to vector<512x128xf32>
    %mul3A_339 = arith.mulf %mul3A_338, %slice3A_336 : vector<512x128xf32>
    %add3A_340 = arith.addf %add3A_334, %mul3A_339 : vector<512x128xf32>
    %slice3A_341 = vector.extract_strided_slice %add3A_179 {offsets = [2048, 0], sizes = [512, 256], strides = [1, 1]} : vector<10240x256xf32> to vector<512x256xf32>
    %slice3A_342 = vector.extract_strided_slice %slice3A_341 {offsets = [0, 128], sizes = [512, 128], strides = [1, 1]} : vector<512x256xf32> to vector<512x128xf32>
    %slice3A_343 = vector.extract_strided_slice %div3A_314 {offsets = [0, 4], sizes = [512, 1], strides = [1, 1]} : vector<512x20xf32> to vector<512x1xf32>
    %mul3A_344 = vector.broadcast %slice3A_343 : vector<512x1xf32> to vector<512x128xf32>
    %mul3A_345 = arith.mulf %mul3A_344, %slice3A_342 : vector<512x128xf32>
    %add3A_346 = arith.addf %add3A_340, %mul3A_345 : vector<512x128xf32>
    %slice3A_347 = vector.extract_strided_slice %add3A_179 {offsets = [2560, 0], sizes = [512, 256], strides = [1, 1]} : vector<10240x256xf32> to vector<512x256xf32>
    %slice3A_348 = vector.extract_strided_slice %slice3A_347 {offsets = [0, 128], sizes = [512, 128], strides = [1, 1]} : vector<512x256xf32> to vector<512x128xf32>
    %slice3A_349 = vector.extract_strided_slice %div3A_314 {offsets = [0, 5], sizes = [512, 1], strides = [1, 1]} : vector<512x20xf32> to vector<512x1xf32>
    %mul3A_350 = vector.broadcast %slice3A_349 : vector<512x1xf32> to vector<512x128xf32>
    %mul3A_351 = arith.mulf %mul3A_350, %slice3A_348 : vector<512x128xf32>
    %add3A_352 = arith.addf %add3A_346, %mul3A_351 : vector<512x128xf32>
    %slice3A_353 = vector.extract_strided_slice %add3A_179 {offsets = [3072, 0], sizes = [512, 256], strides = [1, 1]} : vector<10240x256xf32> to vector<512x256xf32>
    %slice3A_354 = vector.extract_strided_slice %slice3A_353 {offsets = [0, 128], sizes = [512, 128], strides = [1, 1]} : vector<512x256xf32> to vector<512x128xf32>
    %slice3A_355 = vector.extract_strided_slice %div3A_314 {offsets = [0, 6], sizes = [512, 1], strides = [1, 1]} : vector<512x20xf32> to vector<512x1xf32>
    %mul3A_356 = vector.broadcast %slice3A_355 : vector<512x1xf32> to vector<512x128xf32>
    %mul3A_357 = arith.mulf %mul3A_356, %slice3A_354 : vector<512x128xf32>
    %add3A_358 = arith.addf %add3A_352, %mul3A_357 : vector<512x128xf32>
    %slice3A_359 = vector.extract_strided_slice %add3A_179 {offsets = [3584, 0], sizes = [512, 256], strides = [1, 1]} : vector<10240x256xf32> to vector<512x256xf32>
    %slice3A_360 = vector.extract_strided_slice %slice3A_359 {offsets = [0, 128], sizes = [512, 128], strides = [1, 1]} : vector<512x256xf32> to vector<512x128xf32>
    %slice3A_361 = vector.extract_strided_slice %div3A_314 {offsets = [0, 7], sizes = [512, 1], strides = [1, 1]} : vector<512x20xf32> to vector<512x1xf32>
    %mul3A_362 = vector.broadcast %slice3A_361 : vector<512x1xf32> to vector<512x128xf32>
    %mul3A_363 = arith.mulf %mul3A_362, %slice3A_360 : vector<512x128xf32>
    %add3A_364 = arith.addf %add3A_358, %mul3A_363 : vector<512x128xf32>
    %slice3A_365 = vector.extract_strided_slice %add3A_179 {offsets = [4096, 0], sizes = [512, 256], strides = [1, 1]} : vector<10240x256xf32> to vector<512x256xf32>
    %slice3A_366 = vector.extract_strided_slice %slice3A_365 {offsets = [0, 128], sizes = [512, 128], strides = [1, 1]} : vector<512x256xf32> to vector<512x128xf32>
    %slice3A_367 = vector.extract_strided_slice %div3A_314 {offsets = [0, 8], sizes = [512, 1], strides = [1, 1]} : vector<512x20xf32> to vector<512x1xf32>
    %mul3A_368 = vector.broadcast %slice3A_367 : vector<512x1xf32> to vector<512x128xf32>
    %mul3A_369 = arith.mulf %mul3A_368, %slice3A_366 : vector<512x128xf32>
    %add3A_370 = arith.addf %add3A_364, %mul3A_369 : vector<512x128xf32>
    %slice3A_371 = vector.extract_strided_slice %add3A_179 {offsets = [4608, 0], sizes = [512, 256], strides = [1, 1]} : vector<10240x256xf32> to vector<512x256xf32>
    %slice3A_372 = vector.extract_strided_slice %slice3A_371 {offsets = [0, 128], sizes = [512, 128], strides = [1, 1]} : vector<512x256xf32> to vector<512x128xf32>
    %slice3A_373 = vector.extract_strided_slice %div3A_314 {offsets = [0, 9], sizes = [512, 1], strides = [1, 1]} : vector<512x20xf32> to vector<512x1xf32>
    %mul3A_374 = vector.broadcast %slice3A_373 : vector<512x1xf32> to vector<512x128xf32>
    %mul3A_375 = arith.mulf %mul3A_374, %slice3A_372 : vector<512x128xf32>
    %add3A_376 = arith.addf %add3A_370, %mul3A_375 : vector<512x128xf32>
    %slice3A_377 = vector.extract_strided_slice %add3A_179 {offsets = [5120, 0], sizes = [512, 256], strides = [1, 1]} : vector<10240x256xf32> to vector<512x256xf32>
    %slice3A_378 = vector.extract_strided_slice %slice3A_377 {offsets = [0, 128], sizes = [512, 128], strides = [1, 1]} : vector<512x256xf32> to vector<512x128xf32>
    %slice3A_379 = vector.extract_strided_slice %div3A_314 {offsets = [0, 10], sizes = [512, 1], strides = [1, 1]} : vector<512x20xf32> to vector<512x1xf32>
    %mul3A_380 = vector.broadcast %slice3A_379 : vector<512x1xf32> to vector<512x128xf32>
    %mul3A_381 = arith.mulf %mul3A_380, %slice3A_378 : vector<512x128xf32>
    %add3A_382 = arith.addf %add3A_376, %mul3A_381 : vector<512x128xf32>
    %slice3A_383 = vector.extract_strided_slice %add3A_179 {offsets = [5632, 0], sizes = [512, 256], strides = [1, 1]} : vector<10240x256xf32> to vector<512x256xf32>
    %slice3A_384 = vector.extract_strided_slice %slice3A_383 {offsets = [0, 128], sizes = [512, 128], strides = [1, 1]} : vector<512x256xf32> to vector<512x128xf32>
    %slice3A_385 = vector.extract_strided_slice %div3A_314 {offsets = [0, 11], sizes = [512, 1], strides = [1, 1]} : vector<512x20xf32> to vector<512x1xf32>
    %mul3A_386 = vector.broadcast %slice3A_385 : vector<512x1xf32> to vector<512x128xf32>
    %mul3A_387 = arith.mulf %mul3A_386, %slice3A_384 : vector<512x128xf32>
    %add3A_388 = arith.addf %add3A_382, %mul3A_387 : vector<512x128xf32>
    %slice3A_389 = vector.extract_strided_slice %add3A_179 {offsets = [6144, 0], sizes = [512, 256], strides = [1, 1]} : vector<10240x256xf32> to vector<512x256xf32>
    %slice3A_390 = vector.extract_strided_slice %slice3A_389 {offsets = [0, 128], sizes = [512, 128], strides = [1, 1]} : vector<512x256xf32> to vector<512x128xf32>
    %slice3A_391 = vector.extract_strided_slice %div3A_314 {offsets = [0, 12], sizes = [512, 1], strides = [1, 1]} : vector<512x20xf32> to vector<512x1xf32>
    %mul3A_392 = vector.broadcast %slice3A_391 : vector<512x1xf32> to vector<512x128xf32>
    %mul3A_393 = arith.mulf %mul3A_392, %slice3A_390 : vector<512x128xf32>
    %add3A_394 = arith.addf %add3A_388, %mul3A_393 : vector<512x128xf32>
    %slice3A_395 = vector.extract_strided_slice %add3A_179 {offsets = [6656, 0], sizes = [512, 256], strides = [1, 1]} : vector<10240x256xf32> to vector<512x256xf32>
    %slice3A_396 = vector.extract_strided_slice %slice3A_395 {offsets = [0, 128], sizes = [512, 128], strides = [1, 1]} : vector<512x256xf32> to vector<512x128xf32>
    %slice3A_397 = vector.extract_strided_slice %div3A_314 {offsets = [0, 13], sizes = [512, 1], strides = [1, 1]} : vector<512x20xf32> to vector<512x1xf32>
    %mul3A_398 = vector.broadcast %slice3A_397 : vector<512x1xf32> to vector<512x128xf32>
    %mul3A_399 = arith.mulf %mul3A_398, %slice3A_396 : vector<512x128xf32>
    %add3A_400 = arith.addf %add3A_394, %mul3A_399 : vector<512x128xf32>
    %slice3A_401 = vector.extract_strided_slice %add3A_179 {offsets = [7168, 0], sizes = [512, 256], strides = [1, 1]} : vector<10240x256xf32> to vector<512x256xf32>
    %slice3A_402 = vector.extract_strided_slice %slice3A_401 {offsets = [0, 128], sizes = [512, 128], strides = [1, 1]} : vector<512x256xf32> to vector<512x128xf32>
    %slice3A_403 = vector.extract_strided_slice %div3A_314 {offsets = [0, 14], sizes = [512, 1], strides = [1, 1]} : vector<512x20xf32> to vector<512x1xf32>
    %mul3A_404 = vector.broadcast %slice3A_403 : vector<512x1xf32> to vector<512x128xf32>
    %mul3A_405 = arith.mulf %mul3A_404, %slice3A_402 : vector<512x128xf32>
    %add3A_406 = arith.addf %add3A_400, %mul3A_405 : vector<512x128xf32>
    %slice3A_407 = vector.extract_strided_slice %add3A_179 {offsets = [7680, 0], sizes = [512, 256], strides = [1, 1]} : vector<10240x256xf32> to vector<512x256xf32>
    %slice3A_408 = vector.extract_strided_slice %slice3A_407 {offsets = [0, 128], sizes = [512, 128], strides = [1, 1]} : vector<512x256xf32> to vector<512x128xf32>
    %slice3A_409 = vector.extract_strided_slice %div3A_314 {offsets = [0, 15], sizes = [512, 1], strides = [1, 1]} : vector<512x20xf32> to vector<512x1xf32>
    %mul3A_410 = vector.broadcast %slice3A_409 : vector<512x1xf32> to vector<512x128xf32>
    %mul3A_411 = arith.mulf %mul3A_410, %slice3A_408 : vector<512x128xf32>
    %add3A_412 = arith.addf %add3A_406, %mul3A_411 : vector<512x128xf32>
    %slice3A_413 = vector.extract_strided_slice %add3A_179 {offsets = [8192, 0], sizes = [512, 256], strides = [1, 1]} : vector<10240x256xf32> to vector<512x256xf32>
    %slice3A_414 = vector.extract_strided_slice %slice3A_413 {offsets = [0, 128], sizes = [512, 128], strides = [1, 1]} : vector<512x256xf32> to vector<512x128xf32>
    %slice3A_415 = vector.extract_strided_slice %div3A_314 {offsets = [0, 16], sizes = [512, 1], strides = [1, 1]} : vector<512x20xf32> to vector<512x1xf32>
    %mul3A_416 = vector.broadcast %slice3A_415 : vector<512x1xf32> to vector<512x128xf32>
    %mul3A_417 = arith.mulf %mul3A_416, %slice3A_414 : vector<512x128xf32>
    %add3A_418 = arith.addf %add3A_412, %mul3A_417 : vector<512x128xf32>
    %slice3A_419 = vector.extract_strided_slice %add3A_179 {offsets = [8704, 0], sizes = [512, 256], strides = [1, 1]} : vector<10240x256xf32> to vector<512x256xf32>
    %slice3A_420 = vector.extract_strided_slice %slice3A_419 {offsets = [0, 128], sizes = [512, 128], strides = [1, 1]} : vector<512x256xf32> to vector<512x128xf32>
    %slice3A_421 = vector.extract_strided_slice %div3A_314 {offsets = [0, 17], sizes = [512, 1], strides = [1, 1]} : vector<512x20xf32> to vector<512x1xf32>
    %mul3A_422 = vector.broadcast %slice3A_421 : vector<512x1xf32> to vector<512x128xf32>
    %mul3A_423 = arith.mulf %mul3A_422, %slice3A_420 : vector<512x128xf32>
    %add3A_424 = arith.addf %add3A_418, %mul3A_423 : vector<512x128xf32>
    %slice3A_425 = vector.extract_strided_slice %add3A_179 {offsets = [9216, 0], sizes = [512, 256], strides = [1, 1]} : vector<10240x256xf32> to vector<512x256xf32>
    %slice3A_426 = vector.extract_strided_slice %slice3A_425 {offsets = [0, 128], sizes = [512, 128], strides = [1, 1]} : vector<512x256xf32> to vector<512x128xf32>
    %slice3A_427 = vector.extract_strided_slice %div3A_314 {offsets = [0, 18], sizes = [512, 1], strides = [1, 1]} : vector<512x20xf32> to vector<512x1xf32>
    %mul3A_428 = vector.broadcast %slice3A_427 : vector<512x1xf32> to vector<512x128xf32>
    %mul3A_429 = arith.mulf %mul3A_428, %slice3A_426 : vector<512x128xf32>
    %add3A_430 = arith.addf %add3A_424, %mul3A_429 : vector<512x128xf32>
    %slice3A_431 = vector.extract_strided_slice %add3A_179 {offsets = [9728, 0], sizes = [512, 256], strides = [1, 1]} : vector<10240x256xf32> to vector<512x256xf32>
    %slice3A_432 = vector.extract_strided_slice %slice3A_431 {offsets = [0, 128], sizes = [512, 128], strides = [1, 1]} : vector<512x256xf32> to vector<512x128xf32>
    %slice3A_433 = vector.extract_strided_slice %div3A_314 {offsets = [0, 19], sizes = [512, 1], strides = [1, 1]} : vector<512x20xf32> to vector<512x1xf32>
    %mul3A_434 = vector.broadcast %slice3A_433 : vector<512x1xf32> to vector<512x128xf32>
    %mul3A_435 = arith.mulf %mul3A_434, %slice3A_432 : vector<512x128xf32>
    %add3A_436 = arith.addf %add3A_430, %mul3A_435 : vector<512x128xf32>
    %get3A_437 = arith.constant 0 : index
    %get3A_438 = arith.constant 0 : index
    %get3A_439 = vector.load %arg9[%get3A_437, %get3A_438] : memref<256x128xf32, #tpu.memory_space<vmem>>, vector<128x128xf32>
    %dot_general3A_440 = arith.constant dense<0.000000e+00> : vector<512x128xf32>
    %dot_general3A_441 = tpu.matmul %add3A_436, %get3A_439, %dot_general3A_440 {dimension_numbers = #tpu.dot_dimension_numbers<[1], [0], [0], [1], [0, 0, 1, 1], [], []>, transpose_lhs_hint = false} : vector<512x128xf32>, vector<128x128xf32>, vector<512x128xf32> -> vector<512x128xf32>
    %get3A_442 = arith.constant 128 : index
    %get3A_443 = arith.constant 0 : index
    %get3A_444 = vector.load %arg9[%get3A_442, %get3A_443] : memref<256x128xf32, #tpu.memory_space<vmem>>, vector<128x128xf32>
    %dot_general3A_445 = arith.constant dense<0.000000e+00> : vector<512x128xf32>
    %dot_general3A_446 = tpu.matmul %convert_element_type3A, %get3A_444, %dot_general3A_445 {dimension_numbers = #tpu.dot_dimension_numbers<[1], [0], [0], [1], [0, 0, 1, 1], [], []>, transpose_lhs_hint = false} : vector<512x128xf32>, vector<128x128xf32>, vector<512x128xf32> -> vector<512x128xf32>
    %add3A_447 = arith.addf %dot_general3A_441, %dot_general3A_446 : vector<512x128xf32>
    %get3A_448 = arith.constant 0 : index
    %get3A_449 = arith.constant 0 : index
    %get3A_450 = vector.load %arg10[%get3A_448, %get3A_449] : memref<1x128xf32, #tpu.memory_space<vmem>>, vector<1x128xf32>
    %add3A_451 = vector.broadcast %get3A_450 : vector<1x128xf32> to vector<512x128xf32>
    %add3A_452 = arith.addf %add3A_447, %add3A_451 : vector<512x128xf32>
    %max3A = arith.constant 0.000000e+00 : f32
    %max3A_453 = vector.broadcast %max3A : f32 to vector<512x128xf32>
    %max3A_454 = arith.maximumf %add3A_452, %max3A_453 : vector<512x128xf32>
    %get3A_455 = arith.constant 0 : index
    %get3A_456 = arith.constant 0 : index
    %get3A_457 = vector.load %arg11[%get3A_455, %get3A_456] : memref<128x128xf32, #tpu.memory_space<vmem>>, vector<128x128xf32>
    %dot_general3A_458 = arith.constant dense<0.000000e+00> : vector<512x128xf32>
    %dot_general3A_459 = tpu.matmul %max3A_454, %get3A_457, %dot_general3A_458 {dimension_numbers = #tpu.dot_dimension_numbers<[1], [0], [0], [1], [0, 0, 1, 1], [], []>, transpose_lhs_hint = false} : vector<512x128xf32>, vector<128x128xf32>, vector<512x128xf32> -> vector<512x128xf32>
    %get3A_460 = arith.constant 0 : index
    %get3A_461 = arith.constant 0 : index
    %get3A_462 = vector.load %arg12[%get3A_460, %get3A_461] : memref<1x128xf32, #tpu.memory_space<vmem>>, vector<1x128xf32>
    %add3A_463 = vector.broadcast %get3A_462 : vector<1x128xf32> to vector<512x128xf32>
    %add3A_464 = arith.addf %dot_general3A_459, %add3A_463 : vector<512x128xf32>
    %swap3A = arith.constant 0 : index
    %swap3A_465 = arith.constant 0 : index
    %swap3A_466 = vector.load %arg15[%swap3A, %swap3A_465] : memref<512x128xf32, #tpu.memory_space<vmem>>, vector<512x128xf32>
    tpu.vector_store %arg15[%swap3A, %swap3A_465], %add3A_464 {strides = array<i32>} : memref<512x128xf32, #tpu.memory_space<vmem>>, vector<512x128xf32>,
    return
  }
  func.func @transform_0(%arg0: i32) -> (i32, i32, i32) {
    %c0_i32 = arith.constant 0 : i32
    %c0_i32_0 = arith.constant 0 : i32
    %c0_i32_1 = arith.constant 0 : i32
    return %c0_i32, %arg0, %c0_i32_0 : i32, i32, i32
  }
  func.func @transform_1(%arg0: i32) -> (i32, i32, i32) {
    %c0_i32 = arith.constant 0 : i32
    %c0_i32_0 = arith.constant 0 : i32
    %c0_i32_1 = arith.constant 0 : i32
    return %c0_i32, %arg0, %c0_i32_0 : i32, i32, i32
  }
  func.func @transform_2(%arg0: i32) -> (i32, i32) {
    %c0_i32 = arith.constant 0 : i32
    %c0_i32_0 = arith.constant 0 : i32
    return %arg0, %c0_i32 : i32, i32
  }
  func.func @transform_3(%arg0: i32) -> (i32, i32) {
    %c0_i32 = arith.constant 0 : i32
    %c0_i32_0 = arith.constant 0 : i32
    return %arg0, %c0_i32 : i32, i32
  }
  func.func @transform_4(%arg0: i32) -> (i32, i32) {
    %c0_i32 = arith.constant 0 : i32
    %c0_i32_0 = arith.constant 0 : i32
    return %arg0, %c0_i32 : i32, i32
  }
  func.func @transform_5(%arg0: i32) -> (i32, i32) {
    %c0_i32 = arith.constant 0 : i32
    %c0_i32_0 = arith.constant 0 : i32
    return %arg0, %c0_i32 : i32, i32
  }
  func.func @transform_6(%arg0: i32) -> (i32, i32) {
    %c0_i32 = arith.constant 0 : i32
    %c0_i32_0 = arith.constant 0 : i32
    %c0_i32_1 = arith.constant 0 : i32
    return %c0_i32, %c0_i32_0 : i32, i32
  }
  func.func @transform_7(%arg0: i32) -> (i32, i32) {
    %c0_i32 = arith.constant 0 : i32
    %c0_i32_0 = arith.constant 0 : i32
    %c0_i32_1 = arith.constant 0 : i32
    return %c0_i32, %c0_i32_0 : i32, i32
  }
  func.func @transform_8(%arg0: i32) -> (i32, i32) {
    %c0_i32 = arith.constant 0 : i32
    %c0_i32_0 = arith.constant 0 : i32
    %c0_i32_1 = arith.constant 0 : i32
    return %c0_i32, %c0_i32_0 : i32, i32
  }
  func.func @transform_9(%arg0: i32) -> (i32, i32) {
    %c0_i32 = arith.constant 0 : i32
    %c0_i32_0 = arith.constant 0 : i32
    %c0_i32_1 = arith.constant 0 : i32
    return %c0_i32, %c0_i32_0 : i32, i32
  }
  func.func @transform_10(%arg0: i32) -> (i32, i32) {
    %c0_i32 = arith.constant 0 : i32
    %c0_i32_0 = arith.constant 0 : i32
    %c0_i32_1 = arith.constant 0 : i32
    return %c0_i32, %c0_i32_0 : i32, i32
  }
  func.func @transform_11(%arg0: i32) -> (i32, i32) {
    %c0_i32 = arith.constant 0 : i32
    %c0_i32_0 = arith.constant 0 : i32
    %c0_i32_1 = arith.constant 0 : i32
    return %c0_i32, %c0_i32_0 : i32, i32
  }
  func.func @transform_12(%arg0: i32) -> (i32, i32) {
    %c0_i32 = arith.constant 0 : i32
    %c0_i32_0 = arith.constant 0 : i32
    %c0_i32_1 = arith.constant 0 : i32
    return %c0_i32, %c0_i32_0 : i32, i32
  }
  func.func @transform_13(%arg0: i32) -> (i32, i32) {
    %c0_i32 = arith.constant 0 : i32
    %c0_i32_0 = arith.constant 0 : i32
    %c0_i32_1 = arith.constant 0 : i32
    return %c0_i32, %c0_i32_0 : i32, i32
  }
  func.func @transform_14(%arg0: i32) -> (i32, i32) {
    %c0_i32 = arith.constant 0 : i32
    %c0_i32_0 = arith.constant 0 : i32
    return %arg0, %c0_i32 : i32, i32
  }
}

</mosaic_0001>

<sc_bundles>
// kernel: kernel.6.cloned.1.call-start
scs
__scs_entry_jumppad:
0x0: {  	(pc) =	sbr.rel $0x88, $3  }
0x1: {  	(tag) =	ssettag $0x0;
	lr =	simm.s32 $0x1  }
0x2: {  	[smem:$0x3F86] =	sst lr;
	_ =	strace $0xD0000000  }
0x3: {  	_ = 	snop  }
0x4: {  	_ = 	snop  }
0x5: {  	_ = 	snop  }
0x6: {  	_ = 	snop  }
0x7: {  	_ = 	snop  }
__scs_overlays_trampoline_lowered:
0x8: {  	[smem:$0x3F95] =	sst s0  }
0x9: {  	[smem:$0x3F96] =	sst s1  }
0xa: {  	[smem:$0x3F97] =	sst s2  }
0xb: {  	[smem:$0x3F98] =	sst s3  }
0xc: {  	[smem:$0x3F99] =	sst s4  }
0xd: {  	[smem:$0x3F9A] =	sst s5  }
0xe: {  	[smem:$0x3F9B] =	sst s6  }
0xf: {  	[smem:$0x3F9C] =	sst s7  }
0x10: {  	[smem:$0x3F9D] =	sst s8  }
0x11: {  	[smem:$0x3F9E] =	sst s9;
	s0 =	simm.s32 @!p0 $0x0  }
0x12: {  	s1 =	sld [smem:$0x3F84];
	s0 =	simm.s32 @p0 $0x1  }
0x13: {  	[smem:$0x3F9F] =	sst s0;
	s0 =	simm.s32 @!p1 $0x0  }
0x14: {  	s2 =	sld [smem:$0x3F83];
	s0 =	simm.s32 @p1 $0x1  }
0x15: {  	[smem:$0x3FA0] =	sst s0;
	s0 =	simm.s32 @!p2 $0x0  }
0x16: {  	s3 =	sld [smem:$0x3FDB];
	s0 =	simm.s32 @p2 $0x1  }
0x17: {  	s4 =	simm.s32 $0x1BF5;
	[smem:$0x3FA2] =	sst s0  }
0x18: {  	s0 =	sld [smem:$0x3F85];
	_ =	swait.ge [sflag:s4], $0x0  }
0x19: {  	s7 =	sld [smem:$0x3F86]  }
0x1a: {  	s8 =	sadd.s32 $0xFFFFE003, lr  }
0x1b: {  	s9 =	sadd.s32 $0xFFFFFEF7, lr;
	s5 =	simm.s32 $0xFFFFFFFF;
	p2 =	slt.u32 s8, $0xFFFFF086  }
0x1c: {  	p1 =	slt.u32 s9, $0xF7A;
	s5 =	simm.s32 @!p2 $0x0  }
0x1d: {  	s5 =	simm.s32 @p1 $0x1;
	p0 =	seq.s32 s7, s2  }
0x1e: {  	s7 =	smul.u32 @!p0 $0xF7A, s2;
	p2 =	seq.s32 @!p0 s5, $0x0  }
0x1f: {  	s9 =	smul.u32 $0xF7A, s1;
	s8 =	simm.s32 @!p0 $0x1BF5;
	p2 =	por !p2, p0  }
0x20: {  	[sflag:s8] =	ssyncset.s32 @!p0 $0xFFFFF086;
	s6 =	sadd.s32 @!p0 s3, s7;
	s7 =	simm.s32 @!p0 $0x108  }
0x21: {  	s3 =	sadd.s32 s3, s9;
	s6 =	sadd.s32 @!p0 $0x88, s6;
	s7 =	simm.s32 @p2 $0x1082  }
0x22: {  	[simem:s7], [sflag:s8] =	dma.local @!p0 [hbm:s6], $0xF7A  }
0x23: {  	s9 =	sor.u32 $0xD0000000, s2;
	s6 =	simm.s32 $0x108;
	_ =	swait.ge @!p0 [sflag:s8], $0x0  }
0x24: {  	s3 =	sadd.s32 $0x88, s3;
	s6 =	simm.s32 @!p1 $0x1082;
	[sflag:s4] =	ssyncset.s32 $0xFFFFF086  }
0x25: {  	[simem:s6], [sflag:s4] =	dma.local [hbm:s3], $0xF7A  }
0x26: {  	[smem:$0x3F86] =	sst s1;
	(tag) =	ssettag s2;
	_ =	strace s9  }
0x27: {  	s1 =	sld [smem:$0x3F96]  }
0x28: {  	s2 =	sld [smem:$0x3F97]  }
0x29: {  	s4 =	sld [smem:$0x3F99]  }
0x2a: {  	p0 =	seq.s32 s5, $0x0;
	s5 =	sld [smem:$0x3F9A]  }
0x2b: {  	s6 =	sld [smem:$0x3F9B]  }
0x2c: {  	s7 =	sld [smem:$0x3F9C]  }
0x2d: {  	s3 =	simm.s32 $0x108;
	s8 =	sld [smem:$0x3F9D]  }
0x2e: {  	s3 =	simm.s32 @!p0 $0x1082;
	s9 =	sld [smem:$0x3F9E]  }
0x2f: {  	lr =	sadd.s32 s0, s3;
	s0 =	sld [smem:$0x3F95]  }
0x30: {  	s3 =	sld [smem:$0x3F98]  }
0x31: {  	[smem:$0x3FA1] =	sst s10  }
0x32: {  	s10 =	sld [smem:$0x3F9F];
	_ =	sdelay $0x3  }
0x33: {  	p0 =	seq.s32 s10, $0x1;
	s10 =	sld [smem:$0x3FA1];
	_ =	sdelay $0x3  }
0x34: {  	[smem:$0x3FA1] =	sst s10  }
0x35: {  	s10 =	sld [smem:$0x3FA0];
	_ =	sdelay $0x3  }
0x36: {  	p1 =	seq.s32 s10, $0x1;
	s10 =	sld [smem:$0x3FA1];
	_ =	sdelay $0x3  }
0x37: {  	[smem:$0x3FA1] =	sst s10  }
0x38: {  	s10 =	sld [smem:$0x3FA2]  }
0x39: {  	_ = 	snop;
	(pc) =	sbr.ind lr, $3  }
0x3a: {  	_ = 	snop  }
0x3b: {  	_ = 	snop  }
0x3c: {  	p2 =	seq.s32 s10, $0x1;
	s10 =	sld [smem:$0x3FA1]  }
0x3d: {  	_ =	shalt  }
0x3e: {  	_ =	shalt  }
0x3f: {  	_ =	shalt  }
0x40: {  	_ =	shalt  }
0x41: {  	_ =	shalt  }
0x42: {  	_ =	shalt  }
0x43: {  	_ =	shalt  }
0x44: {  	_ =	shalt  }
0x45: {  	_ =	shalt  }
0x46: {  	_ =	shalt  }
0x47: {  	_ =	shalt  }
0x48: {  	_ =	shalt  }
0x49: {  	_ =	shalt  }
0x4a: {  	_ =	shalt  }
0x4b: {  	_ =	shalt  }
0x4c: {  	_ =	shalt  }
0x4d: {  	_ =	shalt  }
0x4e: {  	_ =	shalt  }
0x4f: {  	_ =	shalt  }
0x50: {  	_ =	shalt  }
0x51: {  	_ =	shalt  }
0x52: {  	_ =	shalt  }
0x53: {  	_ =	shalt  }
0x54: {  	_ =	shalt  }
0x55: {  	_ =	shalt  }
0x56: {  	_ =	shalt  }
0x57: {  	_ =	shalt  }
0x58: {  	_ =	shalt  }
0x59: {  	_ =	shalt  }
0x5a: {  	_ =	shalt  }
0x5b: {  	_ =	shalt  }
0x5c: {  	_ =	shalt  }
0x5d: {  	_ =	shalt  }
0x5e: {  	_ =	shalt  }
0x5f: {  	_ =	shalt  }
0x60: {  	_ =	shalt  }
0x61: {  	_ =	shalt  }
0x62: {  	_ =	shalt  }
0x63: {  	_ =	shalt  }
0x64: {  	_ =	shalt  }
0x65: {  	_ =	shalt  }
0x66: {  	_ =	shalt  }
0x67: {  	_ =	shalt  }
0x68: {  	_ =	shalt  }
0x69: {  	_ =	shalt  }
0x6a: {  	_ =	shalt  }
0x6b: {  	_ =	shalt  }
0x6c: {  	_ =	shalt  }
0x6d: {  	_ =	shalt  }
0x6e: {  	_ =	shalt  }
0x6f: {  	_ =	shalt  }
0x70: {  	_ =	shalt  }
0x71: {  	_ =	shalt  }
0x72: {  	_ =	shalt  }
0x73: {  	_ =	shalt  }
0x74: {  	_ =	shalt  }
0x75: {  	_ =	shalt  }
0x76: {  	_ =	shalt  }
0x77: {  	_ =	shalt  }
0x78: {  	_ =	shalt  }
0x79: {  	_ =	shalt  }
0x7a: {  	_ =	shalt  }
0x7b: {  	_ =	shalt  }
0x7c: {  	_ =	shalt  }
0x7d: {  	_ =	shalt  }
0x7e: {  	_ =	shalt  }
0x7f: {  	_ =	shalt  }
0x80: {  	_ =	shalt  }
0x81: {  	_ =	shalt  }
0x82: {  	_ =	shalt  }
0x83: {  	_ =	shalt  }
0x84: {  	_ =	shalt  }
0x85: {  	_ =	shalt  }
0x86: {  	_ =	shalt  }
0x87: {  	_ =	shalt  }
.Lfunc_end0:
.L_simem_size_0:
called_computation_lowered:
.L_overlay_start_0:
0x88: {  	s2 =	sld [smem:$0x3FD9]  }
0x89: {  	s3 =	sld [smem:$0x3FFE];
	_ =	sdelay $0x1  }
0x8a: {  	s1 =	srdreg.scid  }
0x8b: {  	s0 =	sand.u32 $0x1, s1  }
0x8c: {  	s17 =	sshll.u32 s0, $0xA;
	s2 =	sadd.s32 s3, s2  }
0x8d: {  	s2 =	sadd.s32 s2, s17  }
0x8e: {  	[smem:$0x3FAD] =	sst s2  }
0x8f: {  	_ = 	snop  }
0x90: {  	s2 =	sld [smem:$0x3FB3];
	(tm) =	ssettm $0x1  }
0x91: {  	s18 =	sld [smem:$0x3FFB];
	_ =	sdelay $0x3  }
0x92: {  	_ =	strace s18  }
0x93: {  	s3 =	sld [smem:$0x3FFC];
	_ =	sdelay $0x3  }
0x94: {  	_ =	strace s3  }
0x95: {  	s3 =	sld [smem:$0x3FFD];
	_ =	sdelay $0x3  }
0x96: {  	_ =	strace s3  }
0x97: {  	_ =	strace $0x8FFFFFFF  }
0x98: {  	s19 =	sld [smem:$0x3FDB];
	_ =	sdelay $0x1  }
0x99: {  	s4 =	simm.s32 $_scs_section_size  }
0x9a: {  	s5 =	simm.s32 $_size__tile_overlayer_lowered;
	s6 =	simm.s32 $_tile_overlayer_lowered  }
0x9b: {  	s22 =	simm.s32 $0x1BFF;
	s21 =	sshll.u32 s6, $0x1;
	s3 =	sadd.s32 s4, s19  }
0x9c: {  	s7 =	simm.s32 $0x0;
	s20 =	sshll.u32 s5, $0x1;
	s5 =	sadd.s32 s21, s3  }
0x9d: {  	[timem:s7], [sflag:s22] =	dma.local [hbm:s5], s20  }
0x9e: {  	_ =	swait.ge [sflag:s22], s20  }
0x9f: {  	s4 =	ssub.s32 $0x0, s20;
	[sflag:s22] =	ssyncset.done $0x0  }
0xa0: {  	[sflag:s22] =	ssyncadd.s32 s4;
	_ =	sdelay $0x1  }
0xa1: {  	s23 =	simm.s32 $0x1B8B  }
0xa2: {  	_ =	swait.ge [sflag:s23], $0x1  }
0xa3: {  	[sflag:s23] =	ssyncset.done $0x0  }
0xa4: {  	s25 =	simm.s32 $0x1B8E;
	s24 =	sld [smem:$0x3FFE];
	[sflag:s23] =	ssyncadd.s32 $0xFFFFFFFF  }
0xa5: {  	s26 =	simm.s32 $execute0_lowered;
	[smem:$0x3FD2] =	sst s25  }
0xa6: {  	s5 =	sshll.u32 s26, $0x1;
	_ =	strace $0x80000046;
	[dreg:$0x1] =	wrdreg $0xFFFFFFFF  }
0xa7: {  	s28 =	simm.s32 $_size_execute0_lowered;
	s3 =	sadd.s32 s3, s5;
	[dreg:$0x0] =	wrdreg $0x0  }
0xa8: {  	s5 =	sshll.u32 s28, $0x1;
	[dreg:$0x2] =	wrdreg s3  }
0xa9: {  	[dreg:$0x3] =	wrdreg s5  }
0xaa: {  	[dreg:$0x4] =	wrdreg $0xC0  }
0xab: {  	_ =	task [dreg:s7], $0x5FFFF  }
0xac: {  	[dreg:$0x1] =	wrdreg $0xFFFFFFFF  }
0xad: {  	[dreg:$0x0] =	wrdreg $0x60  }
0xae: {  	[dreg:$0x2] =	wrdreg s24  }
0xaf: {  	[dreg:$0x3] =	wrdreg s2  }
0xb0: {  	[dreg:$0x4] =	wrdreg $0x9  }
0xb1: {  	_ =	task.clear_ibuf [dreg:s7], $0x5FFFF;
	_ =	strace $0x90000046  }
0xb2: {  	s29 =	simm.s32 $0x9;
	_ =	strace $0x80000048  }
0xb3: {  	_ =	swait.ge [sflag:s29], $0x1  }
0xb4: {  	[sflag:s29] =	ssyncadd.s32 $0xFFFFFFFF  }
0xb5: {  	_ =	strace $0x90000048  }
0xb6: {  	_ =	sfence  }
0xb7: {  	s30 =	sld [smem:$0x0];
	_ =	sdelay $0x2  }
0xb8: {  	s31 =	sshll.u32 s1, $0xD;
	s1 =	sshrl.u32 s1, $0x2  }
0xb9: {  	s3 =	sand.u32 $0x4000, s31;
	s1 =	sadd.s32 s1, s30  }
0xba: {  	s0 =	sor.u32 s3, s0;
	s1 =	sshll.u32 s1, $0x11  }
0xbb: {  	s0 =	sor.u32 s1, s0  }
0xbc: {  	s0 =	sadd.s32 $0x8F2B, s0  }
0xbd: {  	[sflag:s0] =	ssyncadd.remote.s32 $0x1  }
0xbe: {  	_ =	sfence.sel $0xFFFF  }
0xbf: {  	[dreg:$0x0] =	wrdreg $0xFFFFFFFF;
	(pc) =	sbr.abs _section_cstart, $3  }
0xc0: {  	[dreg:$0x1] =	wrdreg $0xFFFFFFFF  }
0xc1: {  	_ =	task.clear_ibuf [dreg:s7], $0x2FFFF;
	_ =	strace $0x9FFFFFFF  }
0xc2: {  	(tm) =	ssettm $0x7FFFFFFF  }
0xc3: {  	_ =	shalt  }
tec
execute0_lowered:
.L_overlay_start_1:
0x0: {  	(tag) =	ssettag $0x1  }
0x1: {  	s0 =	rddreg [dreg:$0x0]  }
0x2: {  	s1 =	rddreg [dreg:$0x1];
	s3 =	srdreg.scid  }
0x3: {  	s17 =	stileid.u32;
	s2 =	simm.s32 $0x0;
	s3 =	sand.u32 $0x1, s3  }
0x4: {  	s4 =	sshll.u32 s17, $0x1;
	[smem:$0x7FF] =	sst s2;
	s22 =	smul.u32 $0x3200, s17  }
0x5: {  	s5 =	sadd.s32 $0x9B200, s0;
	s30 =	smul.u32 $0x6400, s17;
	s4 =	sor.u32 s3, s4  }
0x6: {  	s6 =	sadd.s32 $0x9B800, s0;
	s7 =	sadd.s32 $0x22BE00, s0;
	s8 =	smul.u32 $0x180, s4  }
0x7: {  	s9 =	sadd.s32 $0x28FE00, s0;
	s11 =	ssub.s32 $0x2, s3;
	s14 =	smul.u32 $0xC00, s4  }
0x8: {  	s10 =	sadd.s32 $0x2A7E00, s0;
	s12 =	sshrl.u32 s11, $0x1;
	s16 =	smul.u32 $0x300, s4  }
0x9: {  	s11 =	ssub.s32 s11, s12;
	s13 =	sshrl.u32 s8, $0x3;
	s14 =	sadd.s32 s9, s14  }
0xa: {  	s18 =	sadd.s32 $0x80, s8;
	s12 =	sadd.s32 s10, s16;
	s8 =	sadd.s32 $0x100, s8  }
0xb: {  	s16 =	smul.u32 $0x1900, s3;
	s15 =	sadd.s32 s5, s13;
	[dreg:$0x4] =	wrdreg s14  }
0xc: {  	s13 =	sadd.s32 s6, s13;
	[dreg:$0x6] =	wrdreg s12;
	s19 =	sshrl.u32 s18, $0x3  }
0xd: {  	s20 =	sshll.u32 s18, $0x3;
	s21 =	sshll.u32 s18, $0x1;
	s23 =	sshrl.u32 s8, $0x3  }
0xe: {  	s24 =	sshll.u32 s8, $0x3;
	s28 =	sshll.u32 s8, $0x1;
	[dreg:$0x3] =	wrdreg s15  }
0xf: {  	s8 =	sadd.s32 s30, s7;
	[dreg:$0x5] =	wrdreg s13;
	s15 =	sadd.s32 s5, s19  }
0x10: {  	s14 =	sadd.s32 s9, s20;
	s12 =	sadd.s32 s6, s19;
	[dreg:$0x7] =	wrdreg s15  }
0x11: {  	s5 =	sadd.s32 s5, s23;
	s25 =	sadd.s32 s9, s24;
	[dreg:$0x8] =	wrdreg s14  }
0x12: {  	s26 =	sadd.s32 s6, s23;
	s6 =	sadd.s32 s16, s22;
	[dreg:$0x9] =	wrdreg s12  }
0x13: {  	s16 =	sadd.s32 $0x9BE00, s0;
	s20 =	sadd.s32 $0x33200, s0;
	[dreg:$0xb] =	wrdreg s5  }
0x14: {  	s22 =	sadd.s32 $0x2CE00, s0;
	s23 =	sadd.s32 $0x94E00, s0;
	[dreg:$0xc] =	wrdreg s25  }
0x15: {  	s9 =	simm.s32 $0x4180;
	s12 =	sadd.s32 s10, s21;
	[dreg:$0xd] =	wrdreg s26  }
0x16: {  	s5 =	sadd.s32 s10, s28;
	s29 =	sor.u32 $0x80, s6;
	s15 =	smul.u32 $0x19000, s17  }
0x17: {  	s10 =	sshll.u32 s4, $0x1;
	s17 =	sshll.u32 s4, $0x7;
	s4 =	smul.u32 $0x1900, s4  }
0x18: {  	s21 =	sadd.s32 $0xC68200, s0;
	s28 =	sadd.s32 $0x180, s6;
	[dreg:$0xa] =	wrdreg s12  }
0x19: {  	s30 =	sadd.s32 $0x100, s6;
	s6 =	simm.s32 $0x4100;
	[dreg:$0xe] =	wrdreg s5  }
0x1a: {  	s5 =	sshrl.u32 s29, $0x7;
	s12 =	smul.u32 $0x3200, s3;
	s1 =	sadd.s32 s1, s10  }
0x1b: {  	s3 =	smul.u32 $0xC800, s3;
	s18 =	sadd.s32 s17, s0;
	s29 =	smax.u32 s11, $0x1  }
0x1c: {  	s10 =	simm.s32 $0x4A00;
	s11 =	simm.s32 $0x1;
	[dreg:$0xf] =	wrdreg s1  }
0x1d: {  	s13 =	sshll.u32 s5, $0x8;
	s5 =	sshll.u32 s5, $0xA;
	s19 =	sshrl.u32 s4, $0x3  }
0x1e: {  	s4 =	simm.s32 $0x80;
	s1 =	sadd.s32 s13, s7;
	s14 =	sadd.s32 s12, s8  }
0x1f: {  	s5 =	sadd.s32 s5, s16;
	s24 =	sadd.s32 s22, s19;
	[dreg:$0x10] =	wrdreg s1  }
0x20: {  	s25 =	sadd.s32 s23, s19;
	s0 =	sor.u32 $0x10, s19;
	[dreg:$0x11] =	wrdreg s14  }
0x21: {  	s7 =	simm.s32 $0x4200;
	_ =	strace $0x80000047;
	[dreg:$0x12] =	wrdreg s5  }
0x22: {  	s8 =	simm.s32 $0x2100;
	s12 =	simm.s32 $0x2;
	[dreg:$0x14] =	wrdreg s24  }
0x23: {  	s1 =	sadd.s32 s15, s16;
	s26 =	sadd.s32 s22, s0;
	[dreg:$0x15] =	wrdreg s25  }
0x24: {  	s0 =	sadd.s32 s23, s0;
	s14 =	simm.s32 $0x5210;
	[dreg:$0x16] =	wrdreg s26  }
.Ltmp0:
0x25: {  	s15 =	simm.s32 $0x3;
	[dreg:$0x17] =	wrdreg s0;
	(pc) =	sbr.rel .LBB2_1-.Ltmp0, $4  }
0x26: {  	s16 =	simm.s32 $0x0;
	s1 =	sadd.s32 s3, s1;
	[dreg:$0x19] =	wrdreg s29  }
0x27: {  	s0 =	sshrl.u32 s28, $0x3;
	[dreg:$0x1a] =	wrdreg s30;
	s3 =	simm.s32 $0x4  }
0x28: {  	s5 =	simm.s32 $0x100;
	[dreg:$0x13] =	wrdreg s1;
	s1 =	sadd.s32 $0x2ADE00, s18  }
0x29: {  	s31 =	sadd.s32 s0, s23;
	s0 =	sadd.s32 s0, s22;
	[dreg:$0x18] =	wrdreg s1  }
.LBB2_4:
0x2a: {  	s1 =	rddreg [dreg:$0x3]  }
0x2b: {  	[tilespmem:s2], [sflag:$0x4] =	stream.linear.gather [hbm4b:s1+s2], $0x80, $0x38;
	[tilespmem:$0x5610] =	vst v63  }
0x2c: {  	_ =	swait.ge [sflag:s3], $0x80  }
0x2d: {  	[sflag:s3] =	ssyncset.done $0x0  }
0x2e: {  	[sflag:s3] =	ssyncadd.s32 $0xFFFFFF80  }
0x2f: {  	[tilespmem:s5], [sflag:$0x1] =	stream.indirect.gather [hbm4b:s20+s4], $0x40, s2, s4, $0xb8;
	[tilespmem:$0x5610] =	vst v63  }
0x30: {  	_ =	swait.ge [sflag:s11], $0x2000  }
0x31: {  	[sflag:s11] =	ssyncset.done $0x0  }
0x32: {  	s25 =	rddreg [dreg:$0x4];
	[sflag:s11] =	ssyncadd.s32 $0xFFFFE000  }
0x33: {  	[hbm4b:s25+s2] =	stream.linear.scatter [tilespmem:s5], [sflag:$0x4], $0x2000, $0x38;
	[tilespmem:$0x5610] =	vst v63  }
0x34: {  	_ =	swait.ge [sflag:s3], $0x2000  }
0x35: {  	[sflag:s3] =	ssyncset.done $0x0  }
0x36: {  	s26 =	rddreg [dreg:$0x5];
	[sflag:s3] =	ssyncadd.s32 $0xFFFFE000  }
0x37: {  	[tilespmem:s6], [sflag:$0x4] =	stream.linear.gather [hbm4b:s26+s2], $0x80, $0x38;
	[tilespmem:$0x5610] =	vst v63  }
0x38: {  	_ =	swait.ge [sflag:s3], $0x80  }
0x39: {  	[sflag:s3] =	ssyncset.done $0x0  }
0x3a: {  	[sflag:s3] =	ssyncadd.s32 $0xFFFFFF80  }
0x3b: {  	[tilespmem:s7], [sflag:$0x2] =	stream.indirect.gather [hbm4b:s21+s4], $0x10, s6, s4, $0xb8;
	[tilespmem:$0x5610] =	vst v63  }
0x3c: {  	_ =	swait.ge [sflag:s12], $0x800  }
0x3d: {  	[sflag:s12] =	ssyncset.done $0x0  }
0x3e: {  	s28 =	rddreg [dreg:$0x6];
	[sflag:s12] =	ssyncadd.s32 $0xFFFFF800  }
0x3f: {  	[hbm4b:s28+s2] =	stream.linear.scatter [tilespmem:s7], [sflag:$0x4], $0x800, $0x38;
	[tilespmem:$0x5610] =	vst v63  }
0x40: {  	_ =	swait.ge [sflag:s3], $0x800  }
0x41: {  	[sflag:s3] =	ssyncset.done $0x0  }
0x42: {  	s29 =	rddreg [dreg:$0x7];
	[sflag:s3] =	ssyncadd.s32 $0xFFFFF800  }
0x43: {  	[tilespmem:s2], [sflag:$0x4] =	stream.linear.gather [hbm4b:s29+s2], $0x80, $0x38;
	[tilespmem:$0x5610] =	vst v63  }
0x44: {  	_ =	swait.ge [sflag:s3], $0x80  }
0x45: {  	[sflag:s3] =	ssyncset.done $0x0  }
0x46: {  	[sflag:s3] =	ssyncadd.s32 $0xFFFFFF80  }
0x47: {  	[tilespmem:s5], [sflag:$0x1] =	stream.indirect.gather [hbm4b:s20+s4], $0x40, s2, s4, $0xb8;
	[tilespmem:$0x5610] =	vst v63  }
0x48: {  	_ =	swait.ge [sflag:s11], $0x2000  }
0x49: {  	[sflag:s11] =	ssyncset.done $0x0  }
0x4a: {  	s30 =	rddreg [dreg:$0x8];
	[sflag:s11] =	ssyncadd.s32 $0xFFFFE000  }
0x4b: {  	[hbm4b:s30+s2] =	stream.linear.scatter [tilespmem:s5], [sflag:$0x4], $0x2000, $0x38;
	[tilespmem:$0x5610] =	vst v63  }
0x4c: {  	_ =	swait.ge [sflag:s3], $0x2000  }
0x4d: {  	[sflag:s3] =	ssyncset.done $0x0  }
0x4e: {  	s13 =	rddreg [dreg:$0x9];
	[sflag:s3] =	ssyncadd.s32 $0xFFFFE000  }
0x4f: {  	[tilespmem:s6], [sflag:$0x4] =	stream.linear.gather [hbm4b:s13+s2], $0x80, $0x38;
	[tilespmem:$0x5610] =	vst v63  }
0x50: {  	_ =	swait.ge [sflag:s3], $0x80  }
0x51: {  	[sflag:s3] =	ssyncset.done $0x0  }
0x52: {  	[sflag:s3] =	ssyncadd.s32 $0xFFFFFF80  }
0x53: {  	[tilespmem:s7], [sflag:$0x2] =	stream.indirect.gather [hbm4b:s21+s4], $0x10, s6, s4, $0xb8;
	[tilespmem:$0x5610] =	vst v63  }
0x54: {  	_ =	swait.ge [sflag:s12], $0x800  }
0x55: {  	[sflag:s12] =	ssyncset.done $0x0  }
0x56: {  	s17 =	rddreg [dreg:$0xa];
	[sflag:s12] =	ssyncadd.s32 $0xFFFFF800  }
0x57: {  	[hbm4b:s17+s2] =	stream.linear.scatter [tilespmem:s7], [sflag:$0x4], $0x800, $0x38;
	[tilespmem:$0x5610] =	vst v63  }
0x58: {  	_ =	swait.ge [sflag:s3], $0x800  }
0x59: {  	[sflag:s3] =	ssyncset.done $0x0  }
0x5a: {  	s18 =	rddreg [dreg:$0xb];
	[sflag:s3] =	ssyncadd.s32 $0xFFFFF800  }
0x5b: {  	[tilespmem:s2], [sflag:$0x4] =	stream.linear.gather [hbm4b:s18+s2], $0x80, $0x38;
	[tilespmem:$0x5610] =	vst v63  }
0x5c: {  	_ =	swait.ge [sflag:s3], $0x80  }
0x5d: {  	[sflag:s3] =	ssyncset.done $0x0  }
0x5e: {  	[sflag:s3] =	ssyncadd.s32 $0xFFFFFF80  }
0x5f: {  	[tilespmem:s5], [sflag:$0x1] =	stream.indirect.gather [hbm4b:s20+s4], $0x40, s2, s4, $0xb8;
	[tilespmem:$0x5610] =	vst v63  }
0x60: {  	_ =	swait.ge [sflag:s11], $0x2000  }
0x61: {  	[sflag:s11] =	ssyncset.done $0x0  }
0x62: {  	s19 =	rddreg [dreg:$0xc];
	[sflag:s11] =	ssyncadd.s32 $0xFFFFE000  }
0x63: {  	[hbm4b:s19+s2] =	stream.linear.scatter [tilespmem:s5], [sflag:$0x4], $0x2000, $0x38;
	[tilespmem:$0x5610] =	vst v63  }
0x64: {  	_ =	swait.ge [sflag:s3], $0x2000  }
0x65: {  	[sflag:s3] =	ssyncset.done $0x0  }
0x66: {  	s24 =	rddreg [dreg:$0xd];
	[sflag:s3] =	ssyncadd.s32 $0xFFFFE000  }
0x67: {  	[tilespmem:s6], [sflag:$0x4] =	stream.linear.gather [hbm4b:s24+s2], $0x80, $0x38;
	[tilespmem:$0x5610] =	vst v63  }
0x68: {  	_ =	swait.ge [sflag:s3], $0x80  }
0x69: {  	[sflag:s3] =	ssyncset.done $0x0  }
0x6a: {  	[sflag:s3] =	ssyncadd.s32 $0xFFFFFF80  }
0x6b: {  	[tilespmem:s7], [sflag:$0x2] =	stream.indirect.gather [hbm4b:s21+s4], $0x10, s6, s4, $0xb8;
	[tilespmem:$0x5610] =	vst v63  }
0x6c: {  	_ =	swait.ge [sflag:s12], $0x800  }
0x6d: {  	[sflag:s12] =	ssyncset.done $0x0  }
0x6e: {  	s25 =	rddreg [dreg:$0xe];
	[sflag:s12] =	ssyncadd.s32 $0xFFFFF800  }
0x6f: {  	[hbm4b:s25+s2] =	stream.linear.scatter [tilespmem:s7], [sflag:$0x4], $0x800, $0x38;
	[tilespmem:$0x5610] =	vst v63  }
0x70: {  	_ =	swait.ge [sflag:s3], $0x800  }
0x71: {  	[sflag:s3] =	ssyncset.done $0x0  }
0x72: {  	s13 =	simm.s32 $0x5200;
	s26 =	rddreg [dreg:$0xf];
	[sflag:s3] =	ssyncadd.s32 $0xFFFFF800  }
0x73: {  	[tilespmem:s13], [sflag:$0x4] =	stream.linear.gather [hbm4b:s26+s2], $0x10, $0x38;
	[tilespmem:$0x5610] =	vst v63  }
0x74: {  	_ =	swait.ge [sflag:s3], $0x10  }
0x75: {  	[sflag:s3] =	ssyncset.done $0x0  }
0x76: {  	s28 =	simm.s32 $0x10;
	[sflag:s3] =	ssyncadd.s32 $0xFFFFFFF0  }
0x77: {  	[tilespmem:s14], [sflag:$0x3] =	stream.indirect.gather [hbm4b:s20+s28], $0x40, s13, s28, $0xb8;
	[tilespmem:$0x5610] =	vst v63  }
0x78: {  	_ =	swait.ge [sflag:s15], $0x400  }
0x79: {  	[sflag:s15] =	ssyncset.done $0x0  }
0x7a: {  	s29 =	rddreg [dreg:$0x18];
	[sflag:s15] =	ssyncadd.s32 $0xFFFFFC00  }
0x7b: {  	[hbm4b:s29+s2] =	stream.linear.scatter [tilespmem:s14], [sflag:$0x4], $0x400, $0x38;
	[tilespmem:$0x5610] =	vst v63  }
0x7c: {  	_ =	swait.ge [sflag:s3], $0x400  }
0x7d: {  	s16 =	sadd.s32 $0x1, s16;
	s30 =	rddreg [dreg:$0x19]  }
0x7e: {  	p0 =	sne.s32 s16, s30  }
.Ltmp1:
0x7f: {  	_ = 	snop;
	(pc) =	sbr.rel @!p0 .LBB2_5-.Ltmp1, $3  }
0x80: {  	_ =	sdelay $0x1  }
0x81: {  	[sflag:s3] =	ssyncset.done $0x0  }
0x82: {  	[sflag:s3] =	ssyncadd.s32 $0xFFFFFC00  }
.LBB2_1:
0x83: {  	s1 =	rddreg [dreg:$0x14]  }
0x84: {  	[tilespmem:s2], [sflag:$0x4] =	stream.linear.gather [hbm4b:s1+s2], $0x80, $0x38;
	[tilespmem:$0x5610] =	vst v63  }
0x85: {  	_ =	swait.ge [sflag:s3], $0x80  }
0x86: {  	[sflag:s3] =	ssyncset.done $0x0  }
0x87: {  	[sflag:s3] =	ssyncadd.s32 $0xFFFFFF80  }
0x88: {  	[tilespmem:s5], [sflag:$0x1] =	stream.indirect.gather [hbm4b:s20+s4], $0x40, s2, s4, $0xb8;
	[tilespmem:$0x5610] =	vst v63  }
0x89: {  	s28 =	rddreg [dreg:$0x15]  }
0x8a: {  	[tilespmem:s6], [sflag:$0x4] =	stream.linear.gather [hbm4b:s28+s2], $0x80, $0x38;
	[tilespmem:$0x5610] =	vst v63  }
0x8b: {  	_ =	swait.ge [sflag:s3], $0x80  }
0x8c: {  	[sflag:s3] =	ssyncset.done $0x0  }
0x8d: {  	[sflag:s3] =	ssyncadd.s32 $0xFFFFFF80  }
0x8e: {  	[tilespmem:s7], [sflag:$0x2] =	stream.indirect.gather [hbm4b:s21+s4], $0x10, s6, s4, $0xb8;
	[tilespmem:$0x5610] =	vst v63  }
0x8f: {  	s29 =	rddreg [dreg:$0x16]  }
0x90: {  	[tilespmem:s4], [sflag:$0x4] =	stream.linear.gather [hbm4b:s29+s2], $0x80, $0x38;
	[tilespmem:$0x5610] =	vst v63  }
0x91: {  	_ =	swait.ge [sflag:s3], $0x80  }
0x92: {  	[sflag:s3] =	ssyncset.done $0x0  }
0x93: {  	[sflag:s3] =	ssyncadd.s32 $0xFFFFFF80  }
0x94: {  	[tilespmem:s8], [sflag:$0x1] =	stream.indirect.gather [hbm4b:s20+s4], $0x40, s4, s4, $0xb8;
	[tilespmem:$0x5610] =	vst v63  }
0x95: {  	s30 =	rddreg [dreg:$0x17]  }
0x96: {  	[tilespmem:s9], [sflag:$0x4] =	stream.linear.gather [hbm4b:s30+s2], $0x80, $0x38;
	[tilespmem:$0x5610] =	vst v63  }
0x97: {  	_ =	swait.ge [sflag:s3], $0x80  }
0x98: {  	s19 =	rddreg [dreg:$0x13]  }
0x99: {  	s18 =	rddreg [dreg:$0x11]  }
0x9a: {  	s17 =	rddreg [dreg:$0x12]  }
0x9b: {  	[sflag:s3] =	ssyncset.done $0x0;
	s24 =	rddreg [dreg:$0x10]  }
0x9c: {  	s26 =	simm.s32 $0x0;
	s1 =	rddreg [dreg:$0x1a];
	[sflag:s3] =	ssyncadd.s32 $0xFFFFFF80  }
0x9d: {  	[tilespmem:s10], [sflag:$0x2] =	stream.indirect.gather [hbm4b:s21+s4], $0x10, s9, s4, $0xb8;
	[tilespmem:$0x5610] =	vst v63  }
.LBB2_2:
0x9e: {  	_ =	swait.ge [sflag:s11], $0x2000  }
0x9f: {  	[sflag:s11] =	ssyncset.done $0x0  }
0xa0: {  	[sflag:s11] =	ssyncadd.s32 $0xFFFFE000  }
0xa1: {  	[hbm4b:s19+s2] =	stream.linear.scatter [tilespmem:s5], [sflag:$0x4], $0x2000, $0x38;
	[tilespmem:$0x5610] =	vst v63  }
0xa2: {  	_ =	swait.ge [sflag:s3], $0x2000  }
0xa3: {  	[sflag:s3] =	ssyncset.done $0x0  }
0xa4: {  	[sflag:s3] =	ssyncadd.s32 $0xFFFFE000  }
0xa5: {  	_ =	swait.ge [sflag:s12], $0x800  }
0xa6: {  	[sflag:s12] =	ssyncset.done $0x0  }
0xa7: {  	[sflag:s12] =	ssyncadd.s32 $0xFFFFF800  }
0xa8: {  	[hbm4b:s18+s2] =	stream.linear.scatter [tilespmem:s7], [sflag:$0x4], $0x800, $0x38;
	[tilespmem:$0x5610] =	vst v63  }
0xa9: {  	p0 =	seq.s32 s26, $0x300;
	_ =	swait.ge [sflag:s3], $0x800  }
0xaa: {  	s28 =	sshrl.u32 @!p0 s1, $0x3;
	[sflag:s3] =	ssyncset.done $0x0  }
0xab: {  	s30 =	simm.s32 @!p0 $0x0;
	s29 =	sadd.s32 @!p0 s22, s28;
	[sflag:s3] =	ssyncadd.s32 $0xFFFFF800  }
0xac: {  	[tilespmem:s30], [sflag:$0x4] =	stream.linear.gather @!p0 [hbm4b:s29+s30], $0x80, $0x38;
	[tilespmem:$0x5610] =	vst v63  }
0xad: {  	s29 =	simm.s32 @!p0 $0x4  }
0xae: {  	_ =	swait.ge @!p0 [sflag:s29], $0x80  }
0xaf: {  	[sflag:s29] =	ssyncset.done @!p0 $0x0  }
0xb0: {  	s25 =	simm.s32 @!p0 $0x80;
	s13 =	simm.s32 @!p0 $0x100;
	[sflag:s29] =	ssyncadd.s32 @!p0 $0xFFFFFF80  }
0xb1: {  	[tilespmem:s13], [sflag:$0x1] =	stream.indirect.gather @!p0 [hbm4b:s20+s25], $0x40, s30, s25, $0xb8;
	[tilespmem:$0x5610] =	vst v63  }
0xb2: {  	s13 =	sadd.s32 @!p0 s23, s28;
	s28 =	simm.s32 @!p0 $0x4100  }
0xb3: {  	[tilespmem:s28], [sflag:$0x4] =	stream.linear.gather @!p0 [hbm4b:s13+s30], $0x80, $0x38;
	[tilespmem:$0x5610] =	vst v63  }
0xb4: {  	_ =	swait.ge @!p0 [sflag:s29], $0x80  }
0xb5: {  	[sflag:s29] =	ssyncset.done @!p0 $0x0  }
0xb6: {  	s13 =	simm.s32 @!p0 $0x4200;
	[sflag:s29] =	ssyncadd.s32 @!p0 $0xFFFFFF80  }
0xb7: {  	[tilespmem:s13], [sflag:$0x2] =	stream.indirect.gather @!p0 [hbm4b:s21+s25], $0x10, s28, s25, $0xb8;
	[tilespmem:$0x5610] =	vst v63  }
0xb8: {  	_ =	swait.ge [sflag:s11], $0x2000  }
0xb9: {  	[sflag:s11] =	ssyncset.done $0x0  }
0xba: {  	[sflag:s11] =	ssyncadd.s32 $0xFFFFE000  }
0xbb: {  	[hbm4b:s17+s2] =	stream.linear.scatter [tilespmem:s8], [sflag:$0x4], $0x2000, $0x38;
	[tilespmem:$0x5610] =	vst v63  }
0xbc: {  	_ =	swait.ge [sflag:s3], $0x2000  }
0xbd: {  	[sflag:s3] =	ssyncset.done $0x0  }
0xbe: {  	[sflag:s3] =	ssyncadd.s32 $0xFFFFE000  }
0xbf: {  	_ =	swait.ge [sflag:s12], $0x800  }
0xc0: {  	[sflag:s12] =	ssyncset.done $0x0  }
.Ltmp2:
0xc1: {  	[sflag:s12] =	ssyncadd.s32 $0xFFFFF800;
	(pc) =	sbr.rel @p0 .LBB2_4-.Ltmp2, $4  }
0xc2: {  	[hbm4b:s24+s2] =	stream.linear.scatter [tilespmem:s10], [sflag:$0x4], $0x800, $0x38;
	[tilespmem:$0x5610] =	vst v63  }
0xc3: {  	_ =	swait.ge [sflag:s3], $0x800  }
0xc4: {  	[sflag:s3] =	ssyncset.done $0x0  }
0xc5: {  	[sflag:s3] =	ssyncadd.s32 $0xFFFFF800  }
0xc6: {  	s13 =	sadd.s32 s26, s0  }
0xc7: {  	[tilespmem:s4], [sflag:$0x4] =	stream.linear.gather [hbm4b:s13+s2], $0x80, $0x38;
	[tilespmem:$0x5610] =	vst v63  }
0xc8: {  	_ =	swait.ge [sflag:s3], $0x80  }
0xc9: {  	[sflag:s3] =	ssyncset.done $0x0  }
0xca: {  	[sflag:s3] =	ssyncadd.s32 $0xFFFFFF80  }
0xcb: {  	[tilespmem:s8], [sflag:$0x1] =	stream.indirect.gather [hbm4b:s20+s4], $0x40, s4, s4, $0xb8;
	[tilespmem:$0x5610] =	vst v63  }
0xcc: {  	s30 =	sadd.s32 s26, s31  }
0xcd: {  	[tilespmem:s9], [sflag:$0x4] =	stream.linear.gather [hbm4b:s30+s2], $0x80, $0x38;
	[tilespmem:$0x5610] =	vst v63  }
.Ltmp3:
0xce: {  	_ = 	snop;
	(pc) =	sbr.rel .LBB2_2-.Ltmp3, $4  }
0xcf: {  	s26 =	sadd.s32 $0x20, s26;
	s1 =	sadd.s32 $0x100, s1;
	_ =	swait.ge [sflag:s3], $0x80  }
0xd0: {  	s24 =	sadd.s32 $0x200, s24;
	s17 =	sadd.s32 $0x800, s17;
	[sflag:s3] =	ssyncset.done $0x0  }
0xd1: {  	s18 =	sadd.s32 $0x200, s18;
	s19 =	sadd.s32 $0x800, s19;
	[sflag:s3] =	ssyncadd.s32 $0xFFFFFF80  }
0xd2: {  	[tilespmem:s10], [sflag:$0x2] =	stream.indirect.gather [hbm4b:s21+s4], $0x10, s9, s4, $0xb8;
	[tilespmem:$0x5610] =	vst v63  }
.LBB2_5:
0xd3: {  	_ =	sfence.sel $0x180000  }
0xd4: {  	[bflag:$0x0] =	sbarrier.arrive $0xFFFF  }
0xd5: {  	_ =	strace $0x90000047  }
0xd6: {  	s0 =	stileid.u32;
	[bflag:$0x2] =	sbarrier.arrive $0xFFFF  }
0xd7: {  	p0 =	sne.s32 s0, $0x0;
	s0 =	rddreg [dreg:$0x2]  }
0xd8: {  	s0 =	sadd.s32 @!p0 $0x100000, s0  }
0xd9: {  	[sflag:s0] =	ssyncadd.tile.s32 @!p0 $0x1;
	_ =	shalt  }
.Lfunc_end2:
_tile_overlayer_lowered:
.L_overlay_start_2:
0xda: {  	(tag) =	ssettag $0x2  }
0xdb: {  	s0 =	rddreg [dreg:$0x0];
	s2 =	stileid.u32  }
0xdc: {  	s1 =	rddreg [dreg:$0x1];
	p0 =	sne.s32 s2, $0x0  }
0xdd: {  	s3 =	rddreg [dreg:$0x2];
	[bflag:$0x3] =	sbarrier.arrive $0xFFFF;
	s2 =	simm.s32 @!p0 $0x1C04  }
0xde: {  	[timem:s3], [sflag:s2] =	dma.local @!p0 [hbm:s0], s1  }
0xdf: {  	s0 =	simm.s32 @!p0 $0x4  }
0xe0: {  	_ =	swait.ge @!p0 [sflag:s0], s1  }
0xe1: {  	s1 =	ssub.s32 @!p0 $0x0, s1;
	[sflag:s0] =	ssyncset.done @!p0 $0x0  }
0xe2: {  	[sflag:s0] =	ssyncadd.s32 @!p0 s1  }
0xe3: {  	[bflag:$0x3] =	sbarrier.arrive $0xFFFF  }
0xe4: {  	_ =	shalt  }

</sc_bundles>
